<compile_context>
chip_gen: v7x
topology: tpu7x:2x2x1
jax: 0.10.2.dev20260603
libtpu: 0.0.44.dev20260713+nightly
codegen_flags: <defaults>
</compile_context>

<pallas_src>
import functools

import jax
import jax.numpy as jnp
from jax.experimental import pallas as pl

EPS = 1e-06
TOPK_RATIO = 0.1
NEGATIVE_WEIGHT = 0.35
SEPARATION_WEIGHT = 0.15
SEPARATION_MARGIN = 0.25

def _k_for(h_w: int) -> int:
    if h_w <= 64:
        return max(4, int(round(0.25 * h_w)))
    return max(1, int(round(TOPK_RATIO * h_w)))


def _loss_body(x_ref, y_ref, o_ref, *, k: int, inv_n: float):
    x = x_ref[...]
    xb = jax.lax.bitcast_convert_type(x, jnp.int32)
    r = x.shape[1]
    kk = jnp.int32(k)

    xh16 = (xb >> 16).astype(jnp.int16)
    xhb = jax.lax.bitcast_convert_type(xh16, jnp.bfloat16)
    one_b = jnp.bfloat16(1)
    zero_b = jnp.bfloat16(0)
    kf32 = jnp.float32(k)
    e3 = x.shape[0] // 3

    def _cnt3(m):
        s0 = jnp.sum(jnp.where(m[:e3], one_b, zero_b), axis=0,
                     keepdims=True, dtype=jnp.bfloat16)
        s1 = jnp.sum(jnp.where(m[e3:2 * e3], one_b, zero_b), axis=0,
                     keepdims=True, dtype=jnp.bfloat16)
        s2 = jnp.sum(jnp.where(m[2 * e3:], one_b, zero_b), axis=0,
                     keepdims=True, dtype=jnp.bfloat16)
        return (s0.astype(jnp.float32) + s1.astype(jnp.float32)
                + s2.astype(jnp.float32))

    lo_t16 = jnp.zeros((1, r), jnp.int32)
    hi_t16 = jnp.full((1, r), 0x3F80, jnp.int32)
    lo_b16 = jnp.zeros((1, r), jnp.int32)
    hi_b16 = jnp.full((1, r), 0x3F7F, jnp.int32)

    def step_a(_, carry):
        lo_t, hi_t, lo_b, hi_b = carry
        mid_t = (lo_t + hi_t) >> 1
        mid_tb = jax.lax.bitcast_convert_type(mid_t.astype(jnp.int16),
                                              jnp.bfloat16)
        cnt_ge = _cnt3(xhb >= mid_tb)
        ge = cnt_ge >= kf32
        lo_t = jnp.where(ge, mid_t, lo_t)
        hi_t = jnp.where(ge, hi_t, mid_t)
        mid_b = (lo_b + hi_b) >> 1
        mid_bb = jax.lax.bitcast_convert_type(mid_b.astype(jnp.int16),
                                              jnp.bfloat16)
        cnt_le = _cnt3(xhb <= mid_bb)
        le = cnt_le >= kf32
        hi_b = jnp.where(le, mid_b, hi_b)
        lo_b = jnp.where(le, lo_b, mid_b + 1)
        return lo_t, hi_t, lo_b, hi_b

    lo_t16, hi_t16, lo_b16, hi_b16 = jax.lax.fori_loop(
        0, 14, step_a, (lo_t16, hi_t16, lo_b16, hi_b16), unroll=True
    )

    h_t = lo_t16
    h_b = lo_b16
    lo_t = h_t << 16
    hi_t = (h_t + 1) << 16
    lo_b = h_b << 16
    hi_b = ((h_b + 1) << 16) - 1

    def step_b(_, carry):
        lo_t, hi_t, lo_b, hi_b = carry
        mid_t = (lo_t + hi_t) >> 1
        cnt_ge = jnp.sum((xb >= mid_t).astype(jnp.int32), axis=0, keepdims=True)
        ge = cnt_ge >= kk
        lo_t = jnp.where(ge, mid_t, lo_t)
        hi_t = jnp.where(ge, hi_t, mid_t)
        mid_b = (lo_b + hi_b) >> 1
        cnt_le = jnp.sum((xb <= mid_b).astype(jnp.int32), axis=0, keepdims=True)
        le = cnt_le >= kk
        hi_b = jnp.where(le, mid_b, hi_b)
        lo_b = jnp.where(le, lo_b, mid_b + 1)
        return lo_t, hi_t, lo_b, hi_b

    lo_t, hi_t, lo_b, hi_b = jax.lax.fori_loop(
        0, 2, step_b, (lo_t, hi_t, lo_b, hi_b), unroll=True
    )

    base_t = lo_t
    xr_tb = jax.lax.bitcast_convert_type(
        jnp.clip(xb - base_t, 0, 16384).astype(jnp.int16), jnp.bfloat16)
    base_b = lo_b
    xr_bb = jax.lax.bitcast_convert_type(
        jnp.clip(xb - base_b, 0, 16384).astype(jnp.int16), jnp.bfloat16)
    lo_rt = jnp.zeros((1, r), jnp.int32)
    hi_rt = jnp.full((1, r), 16384, jnp.int32)
    lo_rb = jnp.zeros((1, r), jnp.int32)
    hi_rb = hi_b - base_b

    def step_b2(_, carry):
        lo_t_, hi_t_, lo_b_, hi_b_ = carry
        mid_t = (lo_t_ + hi_t_) >> 1
        mid_tb = jax.lax.bitcast_convert_type(mid_t.astype(jnp.int16),
                                              jnp.bfloat16)
        cnt_ge = _cnt3(xr_tb >= mid_tb)
        ge = cnt_ge >= kf32
        lo_t_ = jnp.where(ge, mid_t, lo_t_)
        hi_t_ = jnp.where(ge, hi_t_, mid_t)
        mid_b = (lo_b_ + hi_b_) >> 1
        mid_bb = jax.lax.bitcast_convert_type(mid_b.astype(jnp.int16),
                                              jnp.bfloat16)
        cnt_le = _cnt3(xr_bb <= mid_bb)
        le = cnt_le >= kf32
        hi_b_ = jnp.where(le, mid_b, hi_b_)
        lo_b_ = jnp.where(le, lo_b_, mid_b + 1)
        return lo_t_, hi_t_, lo_b_, hi_b_

    lo_rt, hi_rt, lo_rb, hi_rb = jax.lax.fori_loop(
        0, 14, step_b2, (lo_rt, hi_rt, lo_rb, hi_rb), unroll=True
    )

    t_top = jax.lax.bitcast_convert_type(base_t + lo_rt, jnp.float32)
    t_bot = jax.lax.bitcast_convert_type(base_b + hi_rb, jnp.float32)

    kf = jnp.float32(k)
    m_gt = (x > t_top).astype(jnp.float32)
    cnt_gt = jnp.sum(m_gt, axis=0, keepdims=True)
    sum_gt = jnp.sum(x * m_gt, axis=0, keepdims=True)
    sumsq_gt = jnp.sum(x * x * m_gt, axis=0, keepdims=True)
    rem_t = kf - cnt_gt
    sum_topk = sum_gt + rem_t * t_top
    sumsq_topk = sumsq_gt + rem_t * t_top * t_top

    m_lt = (x < t_bot).astype(jnp.float32)
    cnt_lt = jnp.sum(m_lt, axis=0, keepdims=True)
    sum_lt = jnp.sum(x * m_lt, axis=0, keepdims=True)
    sum_botk = sum_lt + (kf - cnt_lt) * t_bot

    y = y_ref[0]
    inv_k = jnp.float32(1.0 / k)
    pooled_topk = jnp.clip(sum_topk * inv_k, EPS, 1.0 - EPS)
    loss_presence = -(y * jnp.log(pooled_topk)
                      + (1.0 - y) * jnp.log(1.0 - pooled_topk))
    loss_negative = (1.0 - y) * (sumsq_topk * inv_k)
    separation_gap = pooled_topk - sum_botk * inv_k
    loss_separation = y * jnp.maximum(SEPARATION_MARGIN - separation_gap, 0.0)
    total = (loss_presence
             + NEGATIVE_WEIGHT * loss_negative
             + SEPARATION_WEIGHT * loss_separation)
    block_sum = jnp.sum(total, axis=1, keepdims=True) * jnp.float32(inv_n)

    @pl.when(pl.program_id(0) == 0)
    def _():
        o_ref[...] = jnp.zeros_like(o_ref)

    o_ref[...] += block_sum


def kernel(spatial_concept_heatmap, y_true):
    b, c, h, w = spatial_concept_heatmap.shape
    h_w = h * w
    n_rows = b * c
    k = _k_for(h_w)

    block_r = 512
    assert n_rows % block_r == 0
    grid = n_rows // block_r

    xt = spatial_concept_heatmap.transpose(2, 3, 0, 1).reshape(h_w, n_rows)
    y3 = y_true.astype(jnp.float32).reshape(grid, 1, block_r)

    out = pl.pallas_call(
        functools.partial(_loss_body, k=k, inv_n=1.0 / n_rows),
        grid=(grid,),
        in_specs=[
            pl.BlockSpec((h_w, block_r), lambda i: (0, i)),
            pl.BlockSpec((1, 1, block_r), lambda i: (i, 0, 0)),
        ],
        out_specs=pl.BlockSpec((1, 1), lambda i: (0, 0)),
        out_shape=jax.ShapeDtypeStruct((1, 1), jnp.float32),
    )(xt, y3)
    return out[0, 0]

# --- scband reference (transcript-rebuilt; emitter-appended) ---
"""Pipeline reference for scband-spatial-concept-alignment-loss-55190329753756 (READ-ONLY COPY).

The authoritative reference and input builder live on the scoring server;
editing this copy changes nothing except your own understanding.
"""

import jax, jax.numpy as jnp
import numpy as np

EPS = 1e-06
TOPK_RATIO = 0.1
NEGATIVE_WEIGHT = 0.35
SEPARATION_WEIGHT = 0.15
SEPARATION_MARGIN = 0.25


def setup_inputs(seed: int = 0) -> dict:
    key = jax.random.key(seed)
    k1, k2 = jax.random.split(key)
    spatial_concept_heatmap = jax.random.uniform(k1, (32, 768, 24, 24), dtype=jnp.float32)
    y_true = jax.random.uniform(k2, (32, 768), dtype=jnp.float32)
    return {"spatial_concept_heatmap": spatial_concept_heatmap, "y_true": y_true}


def _compute_k(h_w: int) -> int:
    if h_w <= 64:
        return max(4, int(round(0.25 * h_w)))
    return max(1, int(round(TOPK_RATIO * h_w)))


def reference(spatial_concept_heatmap, y_true):
    b, c, h, w = spatial_concept_heatmap.shape
    h_w = h * w
    flat = spatial_concept_heatmap.reshape(b, c, h_w)
    y_true = y_true.astype(jnp.float32)
    k = _compute_k(h_w)
    topk_vals, _ = jax.lax.top_k(flat, k)
    pooled_topk = jnp.clip(jnp.mean(topk_vals, axis=-1), EPS, 1.0 - EPS)
    # binary cross entropy, reduction='none'
    loss_presence = -(y_true * jnp.log(pooled_topk) + (1.0 - y_true) * jnp.log(1.0 - pooled_topk))
    loss_negative = (1.0 - y_true) * jnp.mean(topk_vals ** 2, axis=-1)
    bottomk_vals, _ = jax.lax.top_k(-flat, k)
    bottomk_vals = -bottomk_vals
    pooled_bottomk = jnp.mean(bottomk_vals, axis=-1)
    separation_gap = pooled_topk - pooled_bottomk
    loss_separation = y_true * jax.nn.relu(SEPARATION_MARGIN - separation_gap)
    total = loss_presence + NEGATIVE_WEIGHT * loss_negative + SEPARATION_WEIGHT * loss_separation
    return jnp.mean(total)

if __name__ == "__main__":
    import jax
    _d = setup_inputs()
    print(jax.jit(kernel)(*tuple(_d.values())))

</pallas_src>

<mosaic_0001>
module attributes {stable_mosaic.version = 14 : i64} {
  func.func @_loss_body(%arg0: i32, %arg1: memref<576x512xf32, #tpu.memory_space<vmem>>, %arg2: memref<1x1x512xf32, #tpu.memory_space<vmem>>, %arg3: memref<1x1xf32, #tpu.memory_space<vmem>>) attributes {dimension_semantics = [#tpu.dimension_semantics<arbitrary>], iteration_bounds = array<i64: 48>, scalar_prefetch = 0 : i64, scratch_operands = 0 : i64, tpu.core_type = #tpu.core_type<tc>, window_params = [{transform_indices = @transform_0, window_bounds = array<i64: 576, 512>}, {transform_indices = @transform_1, window_bounds = array<i64: 1, 1, 512>}, {pipeline_mode = #tpu.pipeline_mode<synchronous>, transform_indices = @transform_2, window_bounds = array<i64: 1, 1>}]} {
    %get3A = arith.constant 0 : index
    %get3A_0 = arith.constant 0 : index
    %get3A_1 = vector.load %arg1[%get3A, %get3A_0] : memref<576x512xf32, #tpu.memory_space<vmem>>, vector<576x512xf32>
    %bitcast_convert_type3A = tpu.bitcast %get3A_1 : vector<576x512xf32> -> vector<576x512xi32>
    %shift_right_arithmetic3A = arith.constant 16 : i32
    %shift_right_arithmetic3A_2 = vector.broadcast %shift_right_arithmetic3A : i32 to vector<576x512xi32>
    %shift_right_arithmetic3A_3 = arith.shrsi %bitcast_convert_type3A, %shift_right_arithmetic3A_2 : vector<576x512xi32>
    %convert_element_type3A = arith.trunci %shift_right_arithmetic3A_3 : vector<576x512xi32> to vector<576x512xi16>
    %bitcast_convert_type3A_4 = tpu.bitcast %convert_element_type3A : vector<576x512xi16> -> vector<576x512xbf16>
    %broadcast_in_dim3A = arith.constant 0 : i32
    %broadcast_in_dim3A_5 = vector.broadcast %broadcast_in_dim3A : i32 to vector<1x512xi32>
    %broadcast_in_dim3A_6 = arith.constant 16256 : i32
    %broadcast_in_dim3A_7 = vector.broadcast %broadcast_in_dim3A_6 : i32 to vector<1x512xi32>
    %broadcast_in_dim3A_8 = arith.constant 0 : i32
    %broadcast_in_dim3A_9 = vector.broadcast %broadcast_in_dim3A_8 : i32 to vector<1x512xi32>
    %broadcast_in_dim3A_10 = arith.constant 16255 : i32
    %broadcast_in_dim3A_11 = vector.broadcast %broadcast_in_dim3A_10 : i32 to vector<1x512xi32>
    %scan3A = arith.constant 1.000000e+00 : bf16
    %scan3A_12 = arith.constant 0.000000e+00 : bf16
    %scan3A_13 = arith.constant 5.800000e+01 : f32
    %scan3A_14 = arith.constant 0 : i32
    %add3A = arith.addi %broadcast_in_dim3A_5, %broadcast_in_dim3A_7 : vector<1x512xi32>
    %shift_right_arithmetic3A_15 = arith.constant 1 : i32
    %shift_right_arithmetic3A_16 = vector.broadcast %shift_right_arithmetic3A_15 : i32 to vector<1x512xi32>
    %shift_right_arithmetic3A_17 = arith.shrsi %add3A, %shift_right_arithmetic3A_16 : vector<1x512xi32>
    %convert_element_type3A_18 = arith.trunci %shift_right_arithmetic3A_17 : vector<1x512xi32> to vector<1x512xi16>
    %bitcast_convert_type3A_19 = tpu.bitcast %convert_element_type3A_18 : vector<1x512xi16> -> vector<1x512xbf16>
    %ge3A = vector.broadcast %bitcast_convert_type3A_19 : vector<1x512xbf16> to vector<576x512xbf16>
    %ge3A_20 = arith.cmpf oge, %bitcast_convert_type3A_4, %ge3A : vector<576x512xbf16>
    %slice3A = vector.extract_strided_slice %ge3A_20 {offsets = [0, 0], sizes = [192, 512], strides = [1, 1]} : vector<576x512xi1> to vector<192x512xi1>
    %broadcast_in_dim3A_21 = vector.broadcast %scan3A : bf16 to vector<192x512xbf16>
    %broadcast_in_dim3A_22 = vector.broadcast %scan3A_12 : bf16 to vector<192x512xbf16>
    %select_n3A = arith.select %slice3A, %broadcast_in_dim3A_21, %broadcast_in_dim3A_22 : vector<192x512xi1>, vector<192x512xbf16>
    %reduce_sum3A = arith.constant dense<0.000000e+00> : vector<512xbf16>
    %reduce_sum3A_23 = vector.multi_reduction <add>, %select_n3A, %reduce_sum3A [0] : vector<192x512xbf16> to vector<512xbf16>
    %broadcast_in_dim3A_24 = vector.shape_cast %reduce_sum3A_23 : vector<512xbf16> to vector<1x512xbf16>
    %slice3A_25 = vector.extract_strided_slice %ge3A_20 {offsets = [192, 0], sizes = [192, 512], strides = [1, 1]} : vector<576x512xi1> to vector<192x512xi1>
    %broadcast_in_dim3A_26 = vector.broadcast %scan3A : bf16 to vector<192x512xbf16>
    %broadcast_in_dim3A_27 = vector.broadcast %scan3A_12 : bf16 to vector<192x512xbf16>
    %select_n3A_28 = arith.select %slice3A_25, %broadcast_in_dim3A_26, %broadcast_in_dim3A_27 : vector<192x512xi1>, vector<192x512xbf16>
    %reduce_sum3A_29 = arith.constant dense<0.000000e+00> : vector<512xbf16>
    %reduce_sum3A_30 = vector.multi_reduction <add>, %select_n3A_28, %reduce_sum3A_29 [0] : vector<192x512xbf16> to vector<512xbf16>
    %broadcast_in_dim3A_31 = vector.shape_cast %reduce_sum3A_30 : vector<512xbf16> to vector<1x512xbf16>
    %slice3A_32 = vector.extract_strided_slice %ge3A_20 {offsets = [384, 0], sizes = [192, 512], strides = [1, 1]} : vector<576x512xi1> to vector<192x512xi1>
    %broadcast_in_dim3A_33 = vector.broadcast %scan3A : bf16 to vector<192x512xbf16>
    %broadcast_in_dim3A_34 = vector.broadcast %scan3A_12 : bf16 to vector<192x512xbf16>
    %select_n3A_35 = arith.select %slice3A_32, %broadcast_in_dim3A_33, %broadcast_in_dim3A_34 : vector<192x512xi1>, vector<192x512xbf16>
    %reduce_sum3A_36 = arith.constant dense<0.000000e+00> : vector<512xbf16>
    %reduce_sum3A_37 = vector.multi_reduction <add>, %select_n3A_35, %reduce_sum3A_36 [0] : vector<192x512xbf16> to vector<512xbf16>
    %broadcast_in_dim3A_38 = vector.shape_cast %reduce_sum3A_37 : vector<512xbf16> to vector<1x512xbf16>
    %convert_element_type3A_39 = arith.extf %broadcast_in_dim3A_24 : vector<1x512xbf16> to vector<1x512xf32>
    %convert_element_type3A_40 = arith.extf %broadcast_in_dim3A_31 : vector<1x512xbf16> to vector<1x512xf32>
    %add3A_41 = arith.addf %convert_element_type3A_39, %convert_element_type3A_40 : vector<1x512xf32>
    %convert_element_type3A_42 = arith.extf %broadcast_in_dim3A_38 : vector<1x512xbf16> to vector<1x512xf32>
    %add3A_43 = arith.addf %add3A_41, %convert_element_type3A_42 : vector<1x512xf32>
    %ge3A_44 = vector.broadcast %scan3A_13 : f32 to vector<1x512xf32>
    %ge3A_45 = arith.cmpf oge, %add3A_43, %ge3A_44 : vector<1x512xf32>
    %select_n3A_46 = arith.select %ge3A_45, %shift_right_arithmetic3A_17, %broadcast_in_dim3A_5 : vector<1x512xi1>, vector<1x512xi32>
    %select_n3A_47 = arith.select %ge3A_45, %broadcast_in_dim3A_7, %shift_right_arithmetic3A_17 : vector<1x512xi1>, vector<1x512xi32>
    %add3A_48 = arith.addi %broadcast_in_dim3A_9, %broadcast_in_dim3A_11 : vector<1x512xi32>
    %shift_right_arithmetic3A_49 = arith.constant 1 : i32
    %shift_right_arithmetic3A_50 = vector.broadcast %shift_right_arithmetic3A_49 : i32 to vector<1x512xi32>
    %shift_right_arithmetic3A_51 = arith.shrsi %add3A_48, %shift_right_arithmetic3A_50 : vector<1x512xi32>
    %convert_element_type3A_52 = arith.trunci %shift_right_arithmetic3A_51 : vector<1x512xi32> to vector<1x512xi16>
    %bitcast_convert_type3A_53 = tpu.bitcast %convert_element_type3A_52 : vector<1x512xi16> -> vector<1x512xbf16>
    %le3A = vector.broadcast %bitcast_convert_type3A_53 : vector<1x512xbf16> to vector<576x512xbf16>
    %le3A_54 = arith.cmpf ole, %bitcast_convert_type3A_4, %le3A : vector<576x512xbf16>
    %slice3A_55 = vector.extract_strided_slice %le3A_54 {offsets = [0, 0], sizes = [192, 512], strides = [1, 1]} : vector<576x512xi1> to vector<192x512xi1>
    %broadcast_in_dim3A_56 = vector.broadcast %scan3A : bf16 to vector<192x512xbf16>
    %broadcast_in_dim3A_57 = vector.broadcast %scan3A_12 : bf16 to vector<192x512xbf16>
    %select_n3A_58 = arith.select %slice3A_55, %broadcast_in_dim3A_56, %broadcast_in_dim3A_57 : vector<192x512xi1>, vector<192x512xbf16>
    %reduce_sum3A_59 = arith.constant dense<0.000000e+00> : vector<512xbf16>
    %reduce_sum3A_60 = vector.multi_reduction <add>, %select_n3A_58, %reduce_sum3A_59 [0] : vector<192x512xbf16> to vector<512xbf16>
    %broadcast_in_dim3A_61 = vector.shape_cast %reduce_sum3A_60 : vector<512xbf16> to vector<1x512xbf16>
    %slice3A_62 = vector.extract_strided_slice %le3A_54 {offsets = [192, 0], sizes = [192, 512], strides = [1, 1]} : vector<576x512xi1> to vector<192x512xi1>
    %broadcast_in_dim3A_63 = vector.broadcast %scan3A : bf16 to vector<192x512xbf16>
    %broadcast_in_dim3A_64 = vector.broadcast %scan3A_12 : bf16 to vector<192x512xbf16>
    %select_n3A_65 = arith.select %slice3A_62, %broadcast_in_dim3A_63, %broadcast_in_dim3A_64 : vector<192x512xi1>, vector<192x512xbf16>
    %reduce_sum3A_66 = arith.constant dense<0.000000e+00> : vector<512xbf16>
    %reduce_sum3A_67 = vector.multi_reduction <add>, %select_n3A_65, %reduce_sum3A_66 [0] : vector<192x512xbf16> to vector<512xbf16>
    %broadcast_in_dim3A_68 = vector.shape_cast %reduce_sum3A_67 : vector<512xbf16> to vector<1x512xbf16>
    %slice3A_69 = vector.extract_strided_slice %le3A_54 {offsets = [384, 0], sizes = [192, 512], strides = [1, 1]} : vector<576x512xi1> to vector<192x512xi1>
    %broadcast_in_dim3A_70 = vector.broadcast %scan3A : bf16 to vector<192x512xbf16>
    %broadcast_in_dim3A_71 = vector.broadcast %scan3A_12 : bf16 to vector<192x512xbf16>
    %select_n3A_72 = arith.select %slice3A_69, %broadcast_in_dim3A_70, %broadcast_in_dim3A_71 : vector<192x512xi1>, vector<192x512xbf16>
    %reduce_sum3A_73 = arith.constant dense<0.000000e+00> : vector<512xbf16>
    %reduce_sum3A_74 = vector.multi_reduction <add>, %select_n3A_72, %reduce_sum3A_73 [0] : vector<192x512xbf16> to vector<512xbf16>
    %broadcast_in_dim3A_75 = vector.shape_cast %reduce_sum3A_74 : vector<512xbf16> to vector<1x512xbf16>
    %convert_element_type3A_76 = arith.extf %broadcast_in_dim3A_61 : vector<1x512xbf16> to vector<1x512xf32>
    %convert_element_type3A_77 = arith.extf %broadcast_in_dim3A_68 : vector<1x512xbf16> to vector<1x512xf32>
    %add3A_78 = arith.addf %convert_element_type3A_76, %convert_element_type3A_77 : vector<1x512xf32>
    %convert_element_type3A_79 = arith.extf %broadcast_in_dim3A_75 : vector<1x512xbf16> to vector<1x512xf32>
    %add3A_80 = arith.addf %add3A_78, %convert_element_type3A_79 : vector<1x512xf32>
    %ge3A_81 = vector.broadcast %scan3A_13 : f32 to vector<1x512xf32>
    %ge3A_82 = arith.cmpf oge, %add3A_80, %ge3A_81 : vector<1x512xf32>
    %select_n3A_83 = arith.select %ge3A_82, %shift_right_arithmetic3A_51, %broadcast_in_dim3A_11 : vector<1x512xi1>, vector<1x512xi32>
    %add3A_84 = arith.constant 1 : i32
    %add3A_85 = vector.broadcast %add3A_84 : i32 to vector<1x512xi32>
    %add3A_86 = arith.addi %shift_right_arithmetic3A_51, %add3A_85 : vector<1x512xi32>
    %select_n3A_87 = arith.select %ge3A_82, %broadcast_in_dim3A_9, %add3A_86 : vector<1x512xi1>, vector<1x512xi32>
    %scan3A_88 = arith.constant 1 : i32
    %add3A_89 = arith.addi %select_n3A_46, %select_n3A_47 : vector<1x512xi32>
    %shift_right_arithmetic3A_90 = arith.constant 1 : i32
    %shift_right_arithmetic3A_91 = vector.broadcast %shift_right_arithmetic3A_90 : i32 to vector<1x512xi32>
    %shift_right_arithmetic3A_92 = arith.shrsi %add3A_89, %shift_right_arithmetic3A_91 : vector<1x512xi32>
    %convert_element_type3A_93 = arith.trunci %shift_right_arithmetic3A_92 : vector<1x512xi32> to vector<1x512xi16>
    %bitcast_convert_type3A_94 = tpu.bitcast %convert_element_type3A_93 : vector<1x512xi16> -> vector<1x512xbf16>
    %ge3A_95 = vector.broadcast %bitcast_convert_type3A_94 : vector<1x512xbf16> to vector<576x512xbf16>
    %ge3A_96 = arith.cmpf oge, %bitcast_convert_type3A_4, %ge3A_95 : vector<576x512xbf16>
    %slice3A_97 = vector.extract_strided_slice %ge3A_96 {offsets = [0, 0], sizes = [192, 512], strides = [1, 1]} : vector<576x512xi1> to vector<192x512xi1>
    %broadcast_in_dim3A_98 = vector.broadcast %scan3A : bf16 to vector<192x512xbf16>
    %broadcast_in_dim3A_99 = vector.broadcast %scan3A_12 : bf16 to vector<192x512xbf16>
    %select_n3A_100 = arith.select %slice3A_97, %broadcast_in_dim3A_98, %broadcast_in_dim3A_99 : vector<192x512xi1>, vector<192x512xbf16>
    %reduce_sum3A_101 = arith.constant dense<0.000000e+00> : vector<512xbf16>
    %reduce_sum3A_102 = vector.multi_reduction <add>, %select_n3A_100, %reduce_sum3A_101 [0] : vector<192x512xbf16> to vector<512xbf16>
    %broadcast_in_dim3A_103 = vector.shape_cast %reduce_sum3A_102 : vector<512xbf16> to vector<1x512xbf16>
    %slice3A_104 = vector.extract_strided_slice %ge3A_96 {offsets = [192, 0], sizes = [192, 512], strides = [1, 1]} : vector<576x512xi1> to vector<192x512xi1>
    %broadcast_in_dim3A_105 = vector.broadcast %scan3A : bf16 to vector<192x512xbf16>
    %broadcast_in_dim3A_106 = vector.broadcast %scan3A_12 : bf16 to vector<192x512xbf16>
    %select_n3A_107 = arith.select %slice3A_104, %broadcast_in_dim3A_105, %broadcast_in_dim3A_106 : vector<192x512xi1>, vector<192x512xbf16>
    %reduce_sum3A_108 = arith.constant dense<0.000000e+00> : vector<512xbf16>
    %reduce_sum3A_109 = vector.multi_reduction <add>, %select_n3A_107, %reduce_sum3A_108 [0] : vector<192x512xbf16> to vector<512xbf16>
    %broadcast_in_dim3A_110 = vector.shape_cast %reduce_sum3A_109 : vector<512xbf16> to vector<1x512xbf16>
    %slice3A_111 = vector.extract_strided_slice %ge3A_96 {offsets = [384, 0], sizes = [192, 512], strides = [1, 1]} : vector<576x512xi1> to vector<192x512xi1>
    %broadcast_in_dim3A_112 = vector.broadcast %scan3A : bf16 to vector<192x512xbf16>
    %broadcast_in_dim3A_113 = vector.broadcast %scan3A_12 : bf16 to vector<192x512xbf16>
    %select_n3A_114 = arith.select %slice3A_111, %broadcast_in_dim3A_112, %broadcast_in_dim3A_113 : vector<192x512xi1>, vector<192x512xbf16>
    %reduce_sum3A_115 = arith.constant dense<0.000000e+00> : vector<512xbf16>
    %reduce_sum3A_116 = vector.multi_reduction <add>, %select_n3A_114, %reduce_sum3A_115 [0] : vector<192x512xbf16> to vector<512xbf16>
    %broadcast_in_dim3A_117 = vector.shape_cast %reduce_sum3A_116 : vector<512xbf16> to vector<1x512xbf16>
    %convert_element_type3A_118 = arith.extf %broadcast_in_dim3A_103 : vector<1x512xbf16> to vector<1x512xf32>
    %convert_element_type3A_119 = arith.extf %broadcast_in_dim3A_110 : vector<1x512xbf16> to vector<1x512xf32>
    %add3A_120 = arith.addf %convert_element_type3A_118, %convert_element_type3A_119 : vector<1x512xf32>
    %convert_element_type3A_121 = arith.extf %broadcast_in_dim3A_117 : vector<1x512xbf16> to vector<1x512xf32>
    %add3A_122 = arith.addf %add3A_120, %convert_element_type3A_121 : vector<1x512xf32>
    %ge3A_123 = vector.broadcast %scan3A_13 : f32 to vector<1x512xf32>
    %ge3A_124 = arith.cmpf oge, %add3A_122, %ge3A_123 : vector<1x512xf32>
    %select_n3A_125 = arith.select %ge3A_124, %shift_right_arithmetic3A_92, %select_n3A_46 : vector<1x512xi1>, vector<1x512xi32>
    %select_n3A_126 = arith.select %ge3A_124, %select_n3A_47, %shift_right_arithmetic3A_92 : vector<1x512xi1>, vector<1x512xi32>
    %add3A_127 = arith.addi %select_n3A_87, %select_n3A_83 : vector<1x512xi32>
    %shift_right_arithmetic3A_128 = arith.constant 1 : i32
    %shift_right_arithmetic3A_129 = vector.broadcast %shift_right_arithmetic3A_128 : i32 to vector<1x512xi32>
    %shift_right_arithmetic3A_130 = arith.shrsi %add3A_127, %shift_right_arithmetic3A_129 : vector<1x512xi32>
    %convert_element_type3A_131 = arith.trunci %shift_right_arithmetic3A_130 : vector<1x512xi32> to vector<1x512xi16>
    %bitcast_convert_type3A_132 = tpu.bitcast %convert_element_type3A_131 : vector<1x512xi16> -> vector<1x512xbf16>
    %le3A_133 = vector.broadcast %bitcast_convert_type3A_132 : vector<1x512xbf16> to vector<576x512xbf16>
    %le3A_134 = arith.cmpf ole, %bitcast_convert_type3A_4, %le3A_133 : vector<576x512xbf16>
    %slice3A_135 = vector.extract_strided_slice %le3A_134 {offsets = [0, 0], sizes = [192, 512], strides = [1, 1]} : vector<576x512xi1> to vector<192x512xi1>
    %broadcast_in_dim3A_136 = vector.broadcast %scan3A : bf16 to vector<192x512xbf16>
    %broadcast_in_dim3A_137 = vector.broadcast %scan3A_12 : bf16 to vector<192x512xbf16>
    %select_n3A_138 = arith.select %slice3A_135, %broadcast_in_dim3A_136, %broadcast_in_dim3A_137 : vector<192x512xi1>, vector<192x512xbf16>
    %reduce_sum3A_139 = arith.constant dense<0.000000e+00> : vector<512xbf16>
    %reduce_sum3A_140 = vector.multi_reduction <add>, %select_n3A_138, %reduce_sum3A_139 [0] : vector<192x512xbf16> to vector<512xbf16>
    %broadcast_in_dim3A_141 = vector.shape_cast %reduce_sum3A_140 : vector<512xbf16> to vector<1x512xbf16>
    %slice3A_142 = vector.extract_strided_slice %le3A_134 {offsets = [192, 0], sizes = [192, 512], strides = [1, 1]} : vector<576x512xi1> to vector<192x512xi1>
    %broadcast_in_dim3A_143 = vector.broadcast %scan3A : bf16 to vector<192x512xbf16>
    %broadcast_in_dim3A_144 = vector.broadcast %scan3A_12 : bf16 to vector<192x512xbf16>
    %select_n3A_145 = arith.select %slice3A_142, %broadcast_in_dim3A_143, %broadcast_in_dim3A_144 : vector<192x512xi1>, vector<192x512xbf16>
    %reduce_sum3A_146 = arith.constant dense<0.000000e+00> : vector<512xbf16>
    %reduce_sum3A_147 = vector.multi_reduction <add>, %select_n3A_145, %reduce_sum3A_146 [0] : vector<192x512xbf16> to vector<512xbf16>
    %broadcast_in_dim3A_148 = vector.shape_cast %reduce_sum3A_147 : vector<512xbf16> to vector<1x512xbf16>
    %slice3A_149 = vector.extract_strided_slice %le3A_134 {offsets = [384, 0], sizes = [192, 512], strides = [1, 1]} : vector<576x512xi1> to vector<192x512xi1>
    %broadcast_in_dim3A_150 = vector.broadcast %scan3A : bf16 to vector<192x512xbf16>
    %broadcast_in_dim3A_151 = vector.broadcast %scan3A_12 : bf16 to vector<192x512xbf16>
    %select_n3A_152 = arith.select %slice3A_149, %broadcast_in_dim3A_150, %broadcast_in_dim3A_151 : vector<192x512xi1>, vector<192x512xbf16>
    %reduce_sum3A_153 = arith.constant dense<0.000000e+00> : vector<512xbf16>
    %reduce_sum3A_154 = vector.multi_reduction <add>, %select_n3A_152, %reduce_sum3A_153 [0] : vector<192x512xbf16> to vector<512xbf16>
    %broadcast_in_dim3A_155 = vector.shape_cast %reduce_sum3A_154 : vector<512xbf16> to vector<1x512xbf16>
    %convert_element_type3A_156 = arith.extf %broadcast_in_dim3A_141 : vector<1x512xbf16> to vector<1x512xf32>
    %convert_element_type3A_157 = arith.extf %broadcast_in_dim3A_148 : vector<1x512xbf16> to vector<1x512xf32>
    %add3A_158 = arith.addf %convert_element_type3A_156, %convert_element_type3A_157 : vector<1x512xf32>
    %convert_element_type3A_159 = arith.extf %broadcast_in_dim3A_155 : vector<1x512xbf16> to vector<1x512xf32>
    %add3A_160 = arith.addf %add3A_158, %convert_element_type3A_159 : vector<1x512xf32>
    %ge3A_161 = vector.broadcast %scan3A_13 : f32 to vector<1x512xf32>
    %ge3A_162 = arith.cmpf oge, %add3A_160, %ge3A_161 : vector<1x512xf32>
    %select_n3A_163 = arith.select %ge3A_162, %shift_right_arithmetic3A_130, %select_n3A_83 : vector<1x512xi1>, vector<1x512xi32>
    %add3A_164 = arith.constant 1 : i32
    %add3A_165 = vector.broadcast %add3A_164 : i32 to vector<1x512xi32>
    %add3A_166 = arith.addi %shift_right_arithmetic3A_130, %add3A_165 : vector<1x512xi32>
    %select_n3A_167 = arith.select %ge3A_162, %select_n3A_87, %add3A_166 : vector<1x512xi1>, vector<1x512xi32>
    %scan3A_168 = arith.constant 2 : i32
    %add3A_169 = arith.addi %select_n3A_125, %select_n3A_126 : vector<1x512xi32>
    %shift_right_arithmetic3A_170 = arith.constant 1 : i32
    %shift_right_arithmetic3A_171 = vector.broadcast %shift_right_arithmetic3A_170 : i32 to vector<1x512xi32>
    %shift_right_arithmetic3A_172 = arith.shrsi %add3A_169, %shift_right_arithmetic3A_171 : vector<1x512xi32>
    %convert_element_type3A_173 = arith.trunci %shift_right_arithmetic3A_172 : vector<1x512xi32> to vector<1x512xi16>
    %bitcast_convert_type3A_174 = tpu.bitcast %convert_element_type3A_173 : vector<1x512xi16> -> vector<1x512xbf16>
    %ge3A_175 = vector.broadcast %bitcast_convert_type3A_174 : vector<1x512xbf16> to vector<576x512xbf16>
    %ge3A_176 = arith.cmpf oge, %bitcast_convert_type3A_4, %ge3A_175 : vector<576x512xbf16>
    %slice3A_177 = vector.extract_strided_slice %ge3A_176 {offsets = [0, 0], sizes = [192, 512], strides = [1, 1]} : vector<576x512xi1> to vector<192x512xi1>
    %broadcast_in_dim3A_178 = vector.broadcast %scan3A : bf16 to vector<192x512xbf16>
    %broadcast_in_dim3A_179 = vector.broadcast %scan3A_12 : bf16 to vector<192x512xbf16>
    %select_n3A_180 = arith.select %slice3A_177, %broadcast_in_dim3A_178, %broadcast_in_dim3A_179 : vector<192x512xi1>, vector<192x512xbf16>
    %reduce_sum3A_181 = arith.constant dense<0.000000e+00> : vector<512xbf16>
    %reduce_sum3A_182 = vector.multi_reduction <add>, %select_n3A_180, %reduce_sum3A_181 [0] : vector<192x512xbf16> to vector<512xbf16>
    %broadcast_in_dim3A_183 = vector.shape_cast %reduce_sum3A_182 : vector<512xbf16> to vector<1x512xbf16>
    %slice3A_184 = vector.extract_strided_slice %ge3A_176 {offsets = [192, 0], sizes = [192, 512], strides = [1, 1]} : vector<576x512xi1> to vector<192x512xi1>
    %broadcast_in_dim3A_185 = vector.broadcast %scan3A : bf16 to vector<192x512xbf16>
    %broadcast_in_dim3A_186 = vector.broadcast %scan3A_12 : bf16 to vector<192x512xbf16>
    %select_n3A_187 = arith.select %slice3A_184, %broadcast_in_dim3A_185, %broadcast_in_dim3A_186 : vector<192x512xi1>, vector<192x512xbf16>
    %reduce_sum3A_188 = arith.constant dense<0.000000e+00> : vector<512xbf16>
    %reduce_sum3A_189 = vector.multi_reduction <add>, %select_n3A_187, %reduce_sum3A_188 [0] : vector<192x512xbf16> to vector<512xbf16>
    %broadcast_in_dim3A_190 = vector.shape_cast %reduce_sum3A_189 : vector<512xbf16> to vector<1x512xbf16>
    %slice3A_191 = vector.extract_strided_slice %ge3A_176 {offsets = [384, 0], sizes = [192, 512], strides = [1, 1]} : vector<576x512xi1> to vector<192x512xi1>
    %broadcast_in_dim3A_192 = vector.broadcast %scan3A : bf16 to vector<192x512xbf16>
    %broadcast_in_dim3A_193 = vector.broadcast %scan3A_12 : bf16 to vector<192x512xbf16>
    %select_n3A_194 = arith.select %slice3A_191, %broadcast_in_dim3A_192, %broadcast_in_dim3A_193 : vector<192x512xi1>, vector<192x512xbf16>
    %reduce_sum3A_195 = arith.constant dense<0.000000e+00> : vector<512xbf16>
    %reduce_sum3A_196 = vector.multi_reduction <add>, %select_n3A_194, %reduce_sum3A_195 [0] : vector<192x512xbf16> to vector<512xbf16>
    %broadcast_in_dim3A_197 = vector.shape_cast %reduce_sum3A_196 : vector<512xbf16> to vector<1x512xbf16>
    %convert_element_type3A_198 = arith.extf %broadcast_in_dim3A_183 : vector<1x512xbf16> to vector<1x512xf32>
    %convert_element_type3A_199 = arith.extf %broadcast_in_dim3A_190 : vector<1x512xbf16> to vector<1x512xf32>
    %add3A_200 = arith.addf %convert_element_type3A_198, %convert_element_type3A_199 : vector<1x512xf32>
    %convert_element_type3A_201 = arith.extf %broadcast_in_dim3A_197 : vector<1x512xbf16> to vector<1x512xf32>
    %add3A_202 = arith.addf %add3A_200, %convert_element_type3A_201 : vector<1x512xf32>
    %ge3A_203 = vector.broadcast %scan3A_13 : f32 to vector<1x512xf32>
    %ge3A_204 = arith.cmpf oge, %add3A_202, %ge3A_203 : vector<1x512xf32>
    %select_n3A_205 = arith.select %ge3A_204, %shift_right_arithmetic3A_172, %select_n3A_125 : vector<1x512xi1>, vector<1x512xi32>
    %select_n3A_206 = arith.select %ge3A_204, %select_n3A_126, %shift_right_arithmetic3A_172 : vector<1x512xi1>, vector<1x512xi32>
    %add3A_207 = arith.addi %select_n3A_167, %select_n3A_163 : vector<1x512xi32>
    %shift_right_arithmetic3A_208 = arith.constant 1 : i32
    %shift_right_arithmetic3A_209 = vector.broadcast %shift_right_arithmetic3A_208 : i32 to vector<1x512xi32>
    %shift_right_arithmetic3A_210 = arith.shrsi %add3A_207, %shift_right_arithmetic3A_209 : vector<1x512xi32>
    %convert_element_type3A_211 = arith.trunci %shift_right_arithmetic3A_210 : vector<1x512xi32> to vector<1x512xi16>
    %bitcast_convert_type3A_212 = tpu.bitcast %convert_element_type3A_211 : vector<1x512xi16> -> vector<1x512xbf16>
    %le3A_213 = vector.broadcast %bitcast_convert_type3A_212 : vector<1x512xbf16> to vector<576x512xbf16>
    %le3A_214 = arith.cmpf ole, %bitcast_convert_type3A_4, %le3A_213 : vector<576x512xbf16>
    %slice3A_215 = vector.extract_strided_slice %le3A_214 {offsets = [0, 0], sizes = [192, 512], strides = [1, 1]} : vector<576x512xi1> to vector<192x512xi1>
    %broadcast_in_dim3A_216 = vector.broadcast %scan3A : bf16 to vector<192x512xbf16>
    %broadcast_in_dim3A_217 = vector.broadcast %scan3A_12 : bf16 to vector<192x512xbf16>
    %select_n3A_218 = arith.select %slice3A_215, %broadcast_in_dim3A_216, %broadcast_in_dim3A_217 : vector<192x512xi1>, vector<192x512xbf16>
    %reduce_sum3A_219 = arith.constant dense<0.000000e+00> : vector<512xbf16>
    %reduce_sum3A_220 = vector.multi_reduction <add>, %select_n3A_218, %reduce_sum3A_219 [0] : vector<192x512xbf16> to vector<512xbf16>
    %broadcast_in_dim3A_221 = vector.shape_cast %reduce_sum3A_220 : vector<512xbf16> to vector<1x512xbf16>
    %slice3A_222 = vector.extract_strided_slice %le3A_214 {offsets = [192, 0], sizes = [192, 512], strides = [1, 1]} : vector<576x512xi1> to vector<192x512xi1>
    %broadcast_in_dim3A_223 = vector.broadcast %scan3A : bf16 to vector<192x512xbf16>
    %broadcast_in_dim3A_224 = vector.broadcast %scan3A_12 : bf16 to vector<192x512xbf16>
    %select_n3A_225 = arith.select %slice3A_222, %broadcast_in_dim3A_223, %broadcast_in_dim3A_224 : vector<192x512xi1>, vector<192x512xbf16>
    %reduce_sum3A_226 = arith.constant dense<0.000000e+00> : vector<512xbf16>
    %reduce_sum3A_227 = vector.multi_reduction <add>, %select_n3A_225, %reduce_sum3A_226 [0] : vector<192x512xbf16> to vector<512xbf16>
    %broadcast_in_dim3A_228 = vector.shape_cast %reduce_sum3A_227 : vector<512xbf16> to vector<1x512xbf16>
    %slice3A_229 = vector.extract_strided_slice %le3A_214 {offsets = [384, 0], sizes = [192, 512], strides = [1, 1]} : vector<576x512xi1> to vector<192x512xi1>
    %broadcast_in_dim3A_230 = vector.broadcast %scan3A : bf16 to vector<192x512xbf16>
    %broadcast_in_dim3A_231 = vector.broadcast %scan3A_12 : bf16 to vector<192x512xbf16>
    %select_n3A_232 = arith.select %slice3A_229, %broadcast_in_dim3A_230, %broadcast_in_dim3A_231 : vector<192x512xi1>, vector<192x512xbf16>
    %reduce_sum3A_233 = arith.constant dense<0.000000e+00> : vector<512xbf16>
    %reduce_sum3A_234 = vector.multi_reduction <add>, %select_n3A_232, %reduce_sum3A_233 [0] : vector<192x512xbf16> to vector<512xbf16>
    %broadcast_in_dim3A_235 = vector.shape_cast %reduce_sum3A_234 : vector<512xbf16> to vector<1x512xbf16>
    %convert_element_type3A_236 = arith.extf %broadcast_in_dim3A_221 : vector<1x512xbf16> to vector<1x512xf32>
    %convert_element_type3A_237 = arith.extf %broadcast_in_dim3A_228 : vector<1x512xbf16> to vector<1x512xf32>
    %add3A_238 = arith.addf %convert_element_type3A_236, %convert_element_type3A_237 : vector<1x512xf32>
    %convert_element_type3A_239 = arith.extf %broadcast_in_dim3A_235 : vector<1x512xbf16> to vector<1x512xf32>
    %add3A_240 = arith.addf %add3A_238, %convert_element_type3A_239 : vector<1x512xf32>
    %ge3A_241 = vector.broadcast %scan3A_13 : f32 to vector<1x512xf32>
    %ge3A_242 = arith.cmpf oge, %add3A_240, %ge3A_241 : vector<1x512xf32>
    %select_n3A_243 = arith.select %ge3A_242, %shift_right_arithmetic3A_210, %select_n3A_163 : vector<1x512xi1>, vector<1x512xi32>
    %add3A_244 = arith.constant 1 : i32
    %add3A_245 = vector.broadcast %add3A_244 : i32 to vector<1x512xi32>
    %add3A_246 = arith.addi %shift_right_arithmetic3A_210, %add3A_245 : vector<1x512xi32>
    %select_n3A_247 = arith.select %ge3A_242, %select_n3A_167, %add3A_246 : vector<1x512xi1>, vector<1x512xi32>
    %scan3A_248 = arith.constant 3 : i32
    %add3A_249 = arith.addi %select_n3A_205, %select_n3A_206 : vector<1x512xi32>
    %shift_right_arithmetic3A_250 = arith.constant 1 : i32
    %shift_right_arithmetic3A_251 = vector.broadcast %shift_right_arithmetic3A_250 : i32 to vector<1x512xi32>
    %shift_right_arithmetic3A_252 = arith.shrsi %add3A_249, %shift_right_arithmetic3A_251 : vector<1x512xi32>
    %convert_element_type3A_253 = arith.trunci %shift_right_arithmetic3A_252 : vector<1x512xi32> to vector<1x512xi16>
    %bitcast_convert_type3A_254 = tpu.bitcast %convert_element_type3A_253 : vector<1x512xi16> -> vector<1x512xbf16>
    %ge3A_255 = vector.broadcast %bitcast_convert_type3A_254 : vector<1x512xbf16> to vector<576x512xbf16>
    %ge3A_256 = arith.cmpf oge, %bitcast_convert_type3A_4, %ge3A_255 : vector<576x512xbf16>
    %slice3A_257 = vector.extract_strided_slice %ge3A_256 {offsets = [0, 0], sizes = [192, 512], strides = [1, 1]} : vector<576x512xi1> to vector<192x512xi1>
    %broadcast_in_dim3A_258 = vector.broadcast %scan3A : bf16 to vector<192x512xbf16>
    %broadcast_in_dim3A_259 = vector.broadcast %scan3A_12 : bf16 to vector<192x512xbf16>
    %select_n3A_260 = arith.select %slice3A_257, %broadcast_in_dim3A_258, %broadcast_in_dim3A_259 : vector<192x512xi1>, vector<192x512xbf16>
    %reduce_sum3A_261 = arith.constant dense<0.000000e+00> : vector<512xbf16>
    %reduce_sum3A_262 = vector.multi_reduction <add>, %select_n3A_260, %reduce_sum3A_261 [0] : vector<192x512xbf16> to vector<512xbf16>
    %broadcast_in_dim3A_263 = vector.shape_cast %reduce_sum3A_262 : vector<512xbf16> to vector<1x512xbf16>
    %slice3A_264 = vector.extract_strided_slice %ge3A_256 {offsets = [192, 0], sizes = [192, 512], strides = [1, 1]} : vector<576x512xi1> to vector<192x512xi1>
    %broadcast_in_dim3A_265 = vector.broadcast %scan3A : bf16 to vector<192x512xbf16>
    %broadcast_in_dim3A_266 = vector.broadcast %scan3A_12 : bf16 to vector<192x512xbf16>
    %select_n3A_267 = arith.select %slice3A_264, %broadcast_in_dim3A_265, %broadcast_in_dim3A_266 : vector<192x512xi1>, vector<192x512xbf16>
    %reduce_sum3A_268 = arith.constant dense<0.000000e+00> : vector<512xbf16>
    %reduce_sum3A_269 = vector.multi_reduction <add>, %select_n3A_267, %reduce_sum3A_268 [0] : vector<192x512xbf16> to vector<512xbf16>
    %broadcast_in_dim3A_270 = vector.shape_cast %reduce_sum3A_269 : vector<512xbf16> to vector<1x512xbf16>
    %slice3A_271 = vector.extract_strided_slice %ge3A_256 {offsets = [384, 0], sizes = [192, 512], strides = [1, 1]} : vector<576x512xi1> to vector<192x512xi1>
    %broadcast_in_dim3A_272 = vector.broadcast %scan3A : bf16 to vector<192x512xbf16>
    %broadcast_in_dim3A_273 = vector.broadcast %scan3A_12 : bf16 to vector<192x512xbf16>
    %select_n3A_274 = arith.select %slice3A_271, %broadcast_in_dim3A_272, %broadcast_in_dim3A_273 : vector<192x512xi1>, vector<192x512xbf16>
    %reduce_sum3A_275 = arith.constant dense<0.000000e+00> : vector<512xbf16>
    %reduce_sum3A_276 = vector.multi_reduction <add>, %select_n3A_274, %reduce_sum3A_275 [0] : vector<192x512xbf16> to vector<512xbf16>
    %broadcast_in_dim3A_277 = vector.shape_cast %reduce_sum3A_276 : vector<512xbf16> to vector<1x512xbf16>
    %convert_element_type3A_278 = arith.extf %broadcast_in_dim3A_263 : vector<1x512xbf16> to vector<1x512xf32>
    %convert_element_type3A_279 = arith.extf %broadcast_in_dim3A_270 : vector<1x512xbf16> to vector<1x512xf32>
    %add3A_280 = arith.addf %convert_element_type3A_278, %convert_element_type3A_279 : vector<1x512xf32>
    %convert_element_type3A_281 = arith.extf %broadcast_in_dim3A_277 : vector<1x512xbf16> to vector<1x512xf32>
    %add3A_282 = arith.addf %add3A_280, %convert_element_type3A_281 : vector<1x512xf32>
    %ge3A_283 = vector.broadcast %scan3A_13 : f32 to vector<1x512xf32>
    %ge3A_284 = arith.cmpf oge, %add3A_282, %ge3A_283 : vector<1x512xf32>
    %select_n3A_285 = arith.select %ge3A_284, %shift_right_arithmetic3A_252, %select_n3A_205 : vector<1x512xi1>, vector<1x512xi32>
    %select_n3A_286 = arith.select %ge3A_284, %select_n3A_206, %shift_right_arithmetic3A_252 : vector<1x512xi1>, vector<1x512xi32>
    %add3A_287 = arith.addi %select_n3A_247, %select_n3A_243 : vector<1x512xi32>
    %shift_right_arithmetic3A_288 = arith.constant 1 : i32
    %shift_right_arithmetic3A_289 = vector.broadcast %shift_right_arithmetic3A_288 : i32 to vector<1x512xi32>
    %shift_right_arithmetic3A_290 = arith.shrsi %add3A_287, %shift_right_arithmetic3A_289 : vector<1x512xi32>
    %convert_element_type3A_291 = arith.trunci %shift_right_arithmetic3A_290 : vector<1x512xi32> to vector<1x512xi16>
    %bitcast_convert_type3A_292 = tpu.bitcast %convert_element_type3A_291 : vector<1x512xi16> -> vector<1x512xbf16>
    %le3A_293 = vector.broadcast %bitcast_convert_type3A_292 : vector<1x512xbf16> to vector<576x512xbf16>
    %le3A_294 = arith.cmpf ole, %bitcast_convert_type3A_4, %le3A_293 : vector<576x512xbf16>
    %slice3A_295 = vector.extract_strided_slice %le3A_294 {offsets = [0, 0], sizes = [192, 512], strides = [1, 1]} : vector<576x512xi1> to vector<192x512xi1>
    %broadcast_in_dim3A_296 = vector.broadcast %scan3A : bf16 to vector<192x512xbf16>
    %broadcast_in_dim3A_297 = vector.broadcast %scan3A_12 : bf16 to vector<192x512xbf16>
    %select_n3A_298 = arith.select %slice3A_295, %broadcast_in_dim3A_296, %broadcast_in_dim3A_297 : vector<192x512xi1>, vector<192x512xbf16>
    %reduce_sum3A_299 = arith.constant dense<0.000000e+00> : vector<512xbf16>
    %reduce_sum3A_300 = vector.multi_reduction <add>, %select_n3A_298, %reduce_sum3A_299 [0] : vector<192x512xbf16> to vector<512xbf16>
    %broadcast_in_dim3A_301 = vector.shape_cast %reduce_sum3A_300 : vector<512xbf16> to vector<1x512xbf16>
    %slice3A_302 = vector.extract_strided_slice %le3A_294 {offsets = [192, 0], sizes = [192, 512], strides = [1, 1]} : vector<576x512xi1> to vector<192x512xi1>
    %broadcast_in_dim3A_303 = vector.broadcast %scan3A : bf16 to vector<192x512xbf16>
    %broadcast_in_dim3A_304 = vector.broadcast %scan3A_12 : bf16 to vector<192x512xbf16>
    %select_n3A_305 = arith.select %slice3A_302, %broadcast_in_dim3A_303, %broadcast_in_dim3A_304 : vector<192x512xi1>, vector<192x512xbf16>
    %reduce_sum3A_306 = arith.constant dense<0.000000e+00> : vector<512xbf16>
    %reduce_sum3A_307 = vector.multi_reduction <add>, %select_n3A_305, %reduce_sum3A_306 [0] : vector<192x512xbf16> to vector<512xbf16>
    %broadcast_in_dim3A_308 = vector.shape_cast %reduce_sum3A_307 : vector<512xbf16> to vector<1x512xbf16>
    %slice3A_309 = vector.extract_strided_slice %le3A_294 {offsets = [384, 0], sizes = [192, 512], strides = [1, 1]} : vector<576x512xi1> to vector<192x512xi1>
    %broadcast_in_dim3A_310 = vector.broadcast %scan3A : bf16 to vector<192x512xbf16>
    %broadcast_in_dim3A_311 = vector.broadcast %scan3A_12 : bf16 to vector<192x512xbf16>
    %select_n3A_312 = arith.select %slice3A_309, %broadcast_in_dim3A_310, %broadcast_in_dim3A_311 : vector<192x512xi1>, vector<192x512xbf16>
    %reduce_sum3A_313 = arith.constant dense<0.000000e+00> : vector<512xbf16>
    %reduce_sum3A_314 = vector.multi_reduction <add>, %select_n3A_312, %reduce_sum3A_313 [0] : vector<192x512xbf16> to vector<512xbf16>
    %broadcast_in_dim3A_315 = vector.shape_cast %reduce_sum3A_314 : vector<512xbf16> to vector<1x512xbf16>
    %convert_element_type3A_316 = arith.extf %broadcast_in_dim3A_301 : vector<1x512xbf16> to vector<1x512xf32>
    %convert_element_type3A_317 = arith.extf %broadcast_in_dim3A_308 : vector<1x512xbf16> to vector<1x512xf32>
    %add3A_318 = arith.addf %convert_element_type3A_316, %convert_element_type3A_317 : vector<1x512xf32>
    %convert_element_type3A_319 = arith.extf %broadcast_in_dim3A_315 : vector<1x512xbf16> to vector<1x512xf32>
    %add3A_320 = arith.addf %add3A_318, %convert_element_type3A_319 : vector<1x512xf32>
    %ge3A_321 = vector.broadcast %scan3A_13 : f32 to vector<1x512xf32>
    %ge3A_322 = arith.cmpf oge, %add3A_320, %ge3A_321 : vector<1x512xf32>
    %select_n3A_323 = arith.select %ge3A_322, %shift_right_arithmetic3A_290, %select_n3A_243 : vector<1x512xi1>, vector<1x512xi32>
    %add3A_324 = arith.constant 1 : i32
    %add3A_325 = vector.broadcast %add3A_324 : i32 to vector<1x512xi32>
    %add3A_326 = arith.addi %shift_right_arithmetic3A_290, %add3A_325 : vector<1x512xi32>
    %select_n3A_327 = arith.select %ge3A_322, %select_n3A_247, %add3A_326 : vector<1x512xi1>, vector<1x512xi32>
    %scan3A_328 = arith.constant 4 : i32
    %add3A_329 = arith.addi %select_n3A_285, %select_n3A_286 : vector<1x512xi32>
    %shift_right_arithmetic3A_330 = arith.constant 1 : i32
    %shift_right_arithmetic3A_331 = vector.broadcast %shift_right_arithmetic3A_330 : i32 to vector<1x512xi32>
    %shift_right_arithmetic3A_332 = arith.shrsi %add3A_329, %shift_right_arithmetic3A_331 : vector<1x512xi32>
    %convert_element_type3A_333 = arith.trunci %shift_right_arithmetic3A_332 : vector<1x512xi32> to vector<1x512xi16>
    %bitcast_convert_type3A_334 = tpu.bitcast %convert_element_type3A_333 : vector<1x512xi16> -> vector<1x512xbf16>
    %ge3A_335 = vector.broadcast %bitcast_convert_type3A_334 : vector<1x512xbf16> to vector<576x512xbf16>
    %ge3A_336 = arith.cmpf oge, %bitcast_convert_type3A_4, %ge3A_335 : vector<576x512xbf16>
    %slice3A_337 = vector.extract_strided_slice %ge3A_336 {offsets = [0, 0], sizes = [192, 512], strides = [1, 1]} : vector<576x512xi1> to vector<192x512xi1>
    %broadcast_in_dim3A_338 = vector.broadcast %scan3A : bf16 to vector<192x512xbf16>
    %broadcast_in_dim3A_339 = vector.broadcast %scan3A_12 : bf16 to vector<192x512xbf16>
    %select_n3A_340 = arith.select %slice3A_337, %broadcast_in_dim3A_338, %broadcast_in_dim3A_339 : vector<192x512xi1>, vector<192x512xbf16>
    %reduce_sum3A_341 = arith.constant dense<0.000000e+00> : vector<512xbf16>
    %reduce_sum3A_342 = vector.multi_reduction <add>, %select_n3A_340, %reduce_sum3A_341 [0] : vector<192x512xbf16> to vector<512xbf16>
    %broadcast_in_dim3A_343 = vector.shape_cast %reduce_sum3A_342 : vector<512xbf16> to vector<1x512xbf16>
    %slice3A_344 = vector.extract_strided_slice %ge3A_336 {offsets = [192, 0], sizes = [192, 512], strides = [1, 1]} : vector<576x512xi1> to vector<192x512xi1>
    %broadcast_in_dim3A_345 = vector.broadcast %scan3A : bf16 to vector<192x512xbf16>
    %broadcast_in_dim3A_346 = vector.broadcast %scan3A_12 : bf16 to vector<192x512xbf16>
    %select_n3A_347 = arith.select %slice3A_344, %broadcast_in_dim3A_345, %broadcast_in_dim3A_346 : vector<192x512xi1>, vector<192x512xbf16>
    %reduce_sum3A_348 = arith.constant dense<0.000000e+00> : vector<512xbf16>
    %reduce_sum3A_349 = vector.multi_reduction <add>, %select_n3A_347, %reduce_sum3A_348 [0] : vector<192x512xbf16> to vector<512xbf16>
    %broadcast_in_dim3A_350 = vector.shape_cast %reduce_sum3A_349 : vector<512xbf16> to vector<1x512xbf16>
    %slice3A_351 = vector.extract_strided_slice %ge3A_336 {offsets = [384, 0], sizes = [192, 512], strides = [1, 1]} : vector<576x512xi1> to vector<192x512xi1>
    %broadcast_in_dim3A_352 = vector.broadcast %scan3A : bf16 to vector<192x512xbf16>
    %broadcast_in_dim3A_353 = vector.broadcast %scan3A_12 : bf16 to vector<192x512xbf16>
    %select_n3A_354 = arith.select %slice3A_351, %broadcast_in_dim3A_352, %broadcast_in_dim3A_353 : vector<192x512xi1>, vector<192x512xbf16>
    %reduce_sum3A_355 = arith.constant dense<0.000000e+00> : vector<512xbf16>
    %reduce_sum3A_356 = vector.multi_reduction <add>, %select_n3A_354, %reduce_sum3A_355 [0] : vector<192x512xbf16> to vector<512xbf16>
    %broadcast_in_dim3A_357 = vector.shape_cast %reduce_sum3A_356 : vector<512xbf16> to vector<1x512xbf16>
    %convert_element_type3A_358 = arith.extf %broadcast_in_dim3A_343 : vector<1x512xbf16> to vector<1x512xf32>
    %convert_element_type3A_359 = arith.extf %broadcast_in_dim3A_350 : vector<1x512xbf16> to vector<1x512xf32>
    %add3A_360 = arith.addf %convert_element_type3A_358, %convert_element_type3A_359 : vector<1x512xf32>
    %convert_element_type3A_361 = arith.extf %broadcast_in_dim3A_357 : vector<1x512xbf16> to vector<1x512xf32>
    %add3A_362 = arith.addf %add3A_360, %convert_element_type3A_361 : vector<1x512xf32>
    %ge3A_363 = vector.broadcast %scan3A_13 : f32 to vector<1x512xf32>
    %ge3A_364 = arith.cmpf oge, %add3A_362, %ge3A_363 : vector<1x512xf32>
    %select_n3A_365 = arith.select %ge3A_364, %shift_right_arithmetic3A_332, %select_n3A_285 : vector<1x512xi1>, vector<1x512xi32>
    %select_n3A_366 = arith.select %ge3A_364, %select_n3A_286, %shift_right_arithmetic3A_332 : vector<1x512xi1>, vector<1x512xi32>
    %add3A_367 = arith.addi %select_n3A_327, %select_n3A_323 : vector<1x512xi32>
    %shift_right_arithmetic3A_368 = arith.constant 1 : i32
    %shift_right_arithmetic3A_369 = vector.broadcast %shift_right_arithmetic3A_368 : i32 to vector<1x512xi32>
    %shift_right_arithmetic3A_370 = arith.shrsi %add3A_367, %shift_right_arithmetic3A_369 : vector<1x512xi32>
    %convert_element_type3A_371 = arith.trunci %shift_right_arithmetic3A_370 : vector<1x512xi32> to vector<1x512xi16>
    %bitcast_convert_type3A_372 = tpu.bitcast %convert_element_type3A_371 : vector<1x512xi16> -> vector<1x512xbf16>
    %le3A_373 = vector.broadcast %bitcast_convert_type3A_372 : vector<1x512xbf16> to vector<576x512xbf16>
    %le3A_374 = arith.cmpf ole, %bitcast_convert_type3A_4, %le3A_373 : vector<576x512xbf16>
    %slice3A_375 = vector.extract_strided_slice %le3A_374 {offsets = [0, 0], sizes = [192, 512], strides = [1, 1]} : vector<576x512xi1> to vector<192x512xi1>
    %broadcast_in_dim3A_376 = vector.broadcast %scan3A : bf16 to vector<192x512xbf16>
    %broadcast_in_dim3A_377 = vector.broadcast %scan3A_12 : bf16 to vector<192x512xbf16>
    %select_n3A_378 = arith.select %slice3A_375, %broadcast_in_dim3A_376, %broadcast_in_dim3A_377 : vector<192x512xi1>, vector<192x512xbf16>
    %reduce_sum3A_379 = arith.constant dense<0.000000e+00> : vector<512xbf16>
    %reduce_sum3A_380 = vector.multi_reduction <add>, %select_n3A_378, %reduce_sum3A_379 [0] : vector<192x512xbf16> to vector<512xbf16>
    %broadcast_in_dim3A_381 = vector.shape_cast %reduce_sum3A_380 : vector<512xbf16> to vector<1x512xbf16>
    %slice3A_382 = vector.extract_strided_slice %le3A_374 {offsets = [192, 0], sizes = [192, 512], strides = [1, 1]} : vector<576x512xi1> to vector<192x512xi1>
    %broadcast_in_dim3A_383 = vector.broadcast %scan3A : bf16 to vector<192x512xbf16>
    %broadcast_in_dim3A_384 = vector.broadcast %scan3A_12 : bf16 to vector<192x512xbf16>
    %select_n3A_385 = arith.select %slice3A_382, %broadcast_in_dim3A_383, %broadcast_in_dim3A_384 : vector<192x512xi1>, vector<192x512xbf16>
    %reduce_sum3A_386 = arith.constant dense<0.000000e+00> : vector<512xbf16>
    %reduce_sum3A_387 = vector.multi_reduction <add>, %select_n3A_385, %reduce_sum3A_386 [0] : vector<192x512xbf16> to vector<512xbf16>
    %broadcast_in_dim3A_388 = vector.shape_cast %reduce_sum3A_387 : vector<512xbf16> to vector<1x512xbf16>
    %slice3A_389 = vector.extract_strided_slice %le3A_374 {offsets = [384, 0], sizes = [192, 512], strides = [1, 1]} : vector<576x512xi1> to vector<192x512xi1>
    %broadcast_in_dim3A_390 = vector.broadcast %scan3A : bf16 to vector<192x512xbf16>
    %broadcast_in_dim3A_391 = vector.broadcast %scan3A_12 : bf16 to vector<192x512xbf16>
    %select_n3A_392 = arith.select %slice3A_389, %broadcast_in_dim3A_390, %broadcast_in_dim3A_391 : vector<192x512xi1>, vector<192x512xbf16>
    %reduce_sum3A_393 = arith.constant dense<0.000000e+00> : vector<512xbf16>
    %reduce_sum3A_394 = vector.multi_reduction <add>, %select_n3A_392, %reduce_sum3A_393 [0] : vector<192x512xbf16> to vector<512xbf16>
    %broadcast_in_dim3A_395 = vector.shape_cast %reduce_sum3A_394 : vector<512xbf16> to vector<1x512xbf16>
    %convert_element_type3A_396 = arith.extf %broadcast_in_dim3A_381 : vector<1x512xbf16> to vector<1x512xf32>
    %convert_element_type3A_397 = arith.extf %broadcast_in_dim3A_388 : vector<1x512xbf16> to vector<1x512xf32>
    %add3A_398 = arith.addf %convert_element_type3A_396, %convert_element_type3A_397 : vector<1x512xf32>
    %convert_element_type3A_399 = arith.extf %broadcast_in_dim3A_395 : vector<1x512xbf16> to vector<1x512xf32>
    %add3A_400 = arith.addf %add3A_398, %convert_element_type3A_399 : vector<1x512xf32>
    %ge3A_401 = vector.broadcast %scan3A_13 : f32 to vector<1x512xf32>
    %ge3A_402 = arith.cmpf oge, %add3A_400, %ge3A_401 : vector<1x512xf32>
    %select_n3A_403 = arith.select %ge3A_402, %shift_right_arithmetic3A_370, %select_n3A_323 : vector<1x512xi1>, vector<1x512xi32>
    %add3A_404 = arith.constant 1 : i32
    %add3A_405 = vector.broadcast %add3A_404 : i32 to vector<1x512xi32>
    %add3A_406 = arith.addi %shift_right_arithmetic3A_370, %add3A_405 : vector<1x512xi32>
    %select_n3A_407 = arith.select %ge3A_402, %select_n3A_327, %add3A_406 : vector<1x512xi1>, vector<1x512xi32>
    %scan3A_408 = arith.constant 5 : i32
    %add3A_409 = arith.addi %select_n3A_365, %select_n3A_366 : vector<1x512xi32>
    %shift_right_arithmetic3A_410 = arith.constant 1 : i32
    %shift_right_arithmetic3A_411 = vector.broadcast %shift_right_arithmetic3A_410 : i32 to vector<1x512xi32>
    %shift_right_arithmetic3A_412 = arith.shrsi %add3A_409, %shift_right_arithmetic3A_411 : vector<1x512xi32>
    %convert_element_type3A_413 = arith.trunci %shift_right_arithmetic3A_412 : vector<1x512xi32> to vector<1x512xi16>
    %bitcast_convert_type3A_414 = tpu.bitcast %convert_element_type3A_413 : vector<1x512xi16> -> vector<1x512xbf16>
    %ge3A_415 = vector.broadcast %bitcast_convert_type3A_414 : vector<1x512xbf16> to vector<576x512xbf16>
    %ge3A_416 = arith.cmpf oge, %bitcast_convert_type3A_4, %ge3A_415 : vector<576x512xbf16>
    %slice3A_417 = vector.extract_strided_slice %ge3A_416 {offsets = [0, 0], sizes = [192, 512], strides = [1, 1]} : vector<576x512xi1> to vector<192x512xi1>
    %broadcast_in_dim3A_418 = vector.broadcast %scan3A : bf16 to vector<192x512xbf16>
    %broadcast_in_dim3A_419 = vector.broadcast %scan3A_12 : bf16 to vector<192x512xbf16>
    %select_n3A_420 = arith.select %slice3A_417, %broadcast_in_dim3A_418, %broadcast_in_dim3A_419 : vector<192x512xi1>, vector<192x512xbf16>
    %reduce_sum3A_421 = arith.constant dense<0.000000e+00> : vector<512xbf16>
    %reduce_sum3A_422 = vector.multi_reduction <add>, %select_n3A_420, %reduce_sum3A_421 [0] : vector<192x512xbf16> to vector<512xbf16>
    %broadcast_in_dim3A_423 = vector.shape_cast %reduce_sum3A_422 : vector<512xbf16> to vector<1x512xbf16>
    %slice3A_424 = vector.extract_strided_slice %ge3A_416 {offsets = [192, 0], sizes = [192, 512], strides = [1, 1]} : vector<576x512xi1> to vector<192x512xi1>
    %broadcast_in_dim3A_425 = vector.broadcast %scan3A : bf16 to vector<192x512xbf16>
    %broadcast_in_dim3A_426 = vector.broadcast %scan3A_12 : bf16 to vector<192x512xbf16>
    %select_n3A_427 = arith.select %slice3A_424, %broadcast_in_dim3A_425, %broadcast_in_dim3A_426 : vector<192x512xi1>, vector<192x512xbf16>
    %reduce_sum3A_428 = arith.constant dense<0.000000e+00> : vector<512xbf16>
    %reduce_sum3A_429 = vector.multi_reduction <add>, %select_n3A_427, %reduce_sum3A_428 [0] : vector<192x512xbf16> to vector<512xbf16>
    %broadcast_in_dim3A_430 = vector.shape_cast %reduce_sum3A_429 : vector<512xbf16> to vector<1x512xbf16>
    %slice3A_431 = vector.extract_strided_slice %ge3A_416 {offsets = [384, 0], sizes = [192, 512], strides = [1, 1]} : vector<576x512xi1> to vector<192x512xi1>
    %broadcast_in_dim3A_432 = vector.broadcast %scan3A : bf16 to vector<192x512xbf16>
    %broadcast_in_dim3A_433 = vector.broadcast %scan3A_12 : bf16 to vector<192x512xbf16>
    %select_n3A_434 = arith.select %slice3A_431, %broadcast_in_dim3A_432, %broadcast_in_dim3A_433 : vector<192x512xi1>, vector<192x512xbf16>
    %reduce_sum3A_435 = arith.constant dense<0.000000e+00> : vector<512xbf16>
    %reduce_sum3A_436 = vector.multi_reduction <add>, %select_n3A_434, %reduce_sum3A_435 [0] : vector<192x512xbf16> to vector<512xbf16>
    %broadcast_in_dim3A_437 = vector.shape_cast %reduce_sum3A_436 : vector<512xbf16> to vector<1x512xbf16>
    %convert_element_type3A_438 = arith.extf %broadcast_in_dim3A_423 : vector<1x512xbf16> to vector<1x512xf32>
    %convert_element_type3A_439 = arith.extf %broadcast_in_dim3A_430 : vector<1x512xbf16> to vector<1x512xf32>
    %add3A_440 = arith.addf %convert_element_type3A_438, %convert_element_type3A_439 : vector<1x512xf32>
    %convert_element_type3A_441 = arith.extf %broadcast_in_dim3A_437 : vector<1x512xbf16> to vector<1x512xf32>
    %add3A_442 = arith.addf %add3A_440, %convert_element_type3A_441 : vector<1x512xf32>
    %ge3A_443 = vector.broadcast %scan3A_13 : f32 to vector<1x512xf32>
    %ge3A_444 = arith.cmpf oge, %add3A_442, %ge3A_443 : vector<1x512xf32>
    %select_n3A_445 = arith.select %ge3A_444, %shift_right_arithmetic3A_412, %select_n3A_365 : vector<1x512xi1>, vector<1x512xi32>
    %select_n3A_446 = arith.select %ge3A_444, %select_n3A_366, %shift_right_arithmetic3A_412 : vector<1x512xi1>, vector<1x512xi32>
    %add3A_447 = arith.addi %select_n3A_407, %select_n3A_403 : vector<1x512xi32>
    %shift_right_arithmetic3A_448 = arith.constant 1 : i32
    %shift_right_arithmetic3A_449 = vector.broadcast %shift_right_arithmetic3A_448 : i32 to vector<1x512xi32>
    %shift_right_arithmetic3A_450 = arith.shrsi %add3A_447, %shift_right_arithmetic3A_449 : vector<1x512xi32>
    %convert_element_type3A_451 = arith.trunci %shift_right_arithmetic3A_450 : vector<1x512xi32> to vector<1x512xi16>
    %bitcast_convert_type3A_452 = tpu.bitcast %convert_element_type3A_451 : vector<1x512xi16> -> vector<1x512xbf16>
    %le3A_453 = vector.broadcast %bitcast_convert_type3A_452 : vector<1x512xbf16> to vector<576x512xbf16>
    %le3A_454 = arith.cmpf ole, %bitcast_convert_type3A_4, %le3A_453 : vector<576x512xbf16>
    %slice3A_455 = vector.extract_strided_slice %le3A_454 {offsets = [0, 0], sizes = [192, 512], strides = [1, 1]} : vector<576x512xi1> to vector<192x512xi1>
    %broadcast_in_dim3A_456 = vector.broadcast %scan3A : bf16 to vector<192x512xbf16>
    %broadcast_in_dim3A_457 = vector.broadcast %scan3A_12 : bf16 to vector<192x512xbf16>
    %select_n3A_458 = arith.select %slice3A_455, %broadcast_in_dim3A_456, %broadcast_in_dim3A_457 : vector<192x512xi1>, vector<192x512xbf16>
    %reduce_sum3A_459 = arith.constant dense<0.000000e+00> : vector<512xbf16>
    %reduce_sum3A_460 = vector.multi_reduction <add>, %select_n3A_458, %reduce_sum3A_459 [0] : vector<192x512xbf16> to vector<512xbf16>
    %broadcast_in_dim3A_461 = vector.shape_cast %reduce_sum3A_460 : vector<512xbf16> to vector<1x512xbf16>
    %slice3A_462 = vector.extract_strided_slice %le3A_454 {offsets = [192, 0], sizes = [192, 512], strides = [1, 1]} : vector<576x512xi1> to vector<192x512xi1>
    %broadcast_in_dim3A_463 = vector.broadcast %scan3A : bf16 to vector<192x512xbf16>
    %broadcast_in_dim3A_464 = vector.broadcast %scan3A_12 : bf16 to vector<192x512xbf16>
    %select_n3A_465 = arith.select %slice3A_462, %broadcast_in_dim3A_463, %broadcast_in_dim3A_464 : vector<192x512xi1>, vector<192x512xbf16>
    %reduce_sum3A_466 = arith.constant dense<0.000000e+00> : vector<512xbf16>
    %reduce_sum3A_467 = vector.multi_reduction <add>, %select_n3A_465, %reduce_sum3A_466 [0] : vector<192x512xbf16> to vector<512xbf16>
    %broadcast_in_dim3A_468 = vector.shape_cast %reduce_sum3A_467 : vector<512xbf16> to vector<1x512xbf16>
    %slice3A_469 = vector.extract_strided_slice %le3A_454 {offsets = [384, 0], sizes = [192, 512], strides = [1, 1]} : vector<576x512xi1> to vector<192x512xi1>
    %broadcast_in_dim3A_470 = vector.broadcast %scan3A : bf16 to vector<192x512xbf16>
    %broadcast_in_dim3A_471 = vector.broadcast %scan3A_12 : bf16 to vector<192x512xbf16>
    %select_n3A_472 = arith.select %slice3A_469, %broadcast_in_dim3A_470, %broadcast_in_dim3A_471 : vector<192x512xi1>, vector<192x512xbf16>
    %reduce_sum3A_473 = arith.constant dense<0.000000e+00> : vector<512xbf16>
    %reduce_sum3A_474 = vector.multi_reduction <add>, %select_n3A_472, %reduce_sum3A_473 [0] : vector<192x512xbf16> to vector<512xbf16>
    %broadcast_in_dim3A_475 = vector.shape_cast %reduce_sum3A_474 : vector<512xbf16> to vector<1x512xbf16>
    %convert_element_type3A_476 = arith.extf %broadcast_in_dim3A_461 : vector<1x512xbf16> to vector<1x512xf32>
    %convert_element_type3A_477 = arith.extf %broadcast_in_dim3A_468 : vector<1x512xbf16> to vector<1x512xf32>
    %add3A_478 = arith.addf %convert_element_type3A_476, %convert_element_type3A_477 : vector<1x512xf32>
    %convert_element_type3A_479 = arith.extf %broadcast_in_dim3A_475 : vector<1x512xbf16> to vector<1x512xf32>
    %add3A_480 = arith.addf %add3A_478, %convert_element_type3A_479 : vector<1x512xf32>
    %ge3A_481 = vector.broadcast %scan3A_13 : f32 to vector<1x512xf32>
    %ge3A_482 = arith.cmpf oge, %add3A_480, %ge3A_481 : vector<1x512xf32>
    %select_n3A_483 = arith.select %ge3A_482, %shift_right_arithmetic3A_450, %select_n3A_403 : vector<1x512xi1>, vector<1x512xi32>
    %add3A_484 = arith.constant 1 : i32
    %add3A_485 = vector.broadcast %add3A_484 : i32 to vector<1x512xi32>
    %add3A_486 = arith.addi %shift_right_arithmetic3A_450, %add3A_485 : vector<1x512xi32>
    %select_n3A_487 = arith.select %ge3A_482, %select_n3A_407, %add3A_486 : vector<1x512xi1>, vector<1x512xi32>
    %scan3A_488 = arith.constant 6 : i32
    %add3A_489 = arith.addi %select_n3A_445, %select_n3A_446 : vector<1x512xi32>
    %shift_right_arithmetic3A_490 = arith.constant 1 : i32
    %shift_right_arithmetic3A_491 = vector.broadcast %shift_right_arithmetic3A_490 : i32 to vector<1x512xi32>
    %shift_right_arithmetic3A_492 = arith.shrsi %add3A_489, %shift_right_arithmetic3A_491 : vector<1x512xi32>
    %convert_element_type3A_493 = arith.trunci %shift_right_arithmetic3A_492 : vector<1x512xi32> to vector<1x512xi16>
    %bitcast_convert_type3A_494 = tpu.bitcast %convert_element_type3A_493 : vector<1x512xi16> -> vector<1x512xbf16>
    %ge3A_495 = vector.broadcast %bitcast_convert_type3A_494 : vector<1x512xbf16> to vector<576x512xbf16>
    %ge3A_496 = arith.cmpf oge, %bitcast_convert_type3A_4, %ge3A_495 : vector<576x512xbf16>
    %slice3A_497 = vector.extract_strided_slice %ge3A_496 {offsets = [0, 0], sizes = [192, 512], strides = [1, 1]} : vector<576x512xi1> to vector<192x512xi1>
    %broadcast_in_dim3A_498 = vector.broadcast %scan3A : bf16 to vector<192x512xbf16>
    %broadcast_in_dim3A_499 = vector.broadcast %scan3A_12 : bf16 to vector<192x512xbf16>
    %select_n3A_500 = arith.select %slice3A_497, %broadcast_in_dim3A_498, %broadcast_in_dim3A_499 : vector<192x512xi1>, vector<192x512xbf16>
    %reduce_sum3A_501 = arith.constant dense<0.000000e+00> : vector<512xbf16>
    %reduce_sum3A_502 = vector.multi_reduction <add>, %select_n3A_500, %reduce_sum3A_501 [0] : vector<192x512xbf16> to vector<512xbf16>
    %broadcast_in_dim3A_503 = vector.shape_cast %reduce_sum3A_502 : vector<512xbf16> to vector<1x512xbf16>
    %slice3A_504 = vector.extract_strided_slice %ge3A_496 {offsets = [192, 0], sizes = [192, 512], strides = [1, 1]} : vector<576x512xi1> to vector<192x512xi1>
    %broadcast_in_dim3A_505 = vector.broadcast %scan3A : bf16 to vector<192x512xbf16>
    %broadcast_in_dim3A_506 = vector.broadcast %scan3A_12 : bf16 to vector<192x512xbf16>
    %select_n3A_507 = arith.select %slice3A_504, %broadcast_in_dim3A_505, %broadcast_in_dim3A_506 : vector<192x512xi1>, vector<192x512xbf16>
    %reduce_sum3A_508 = arith.constant dense<0.000000e+00> : vector<512xbf16>
    %reduce_sum3A_509 = vector.multi_reduction <add>, %select_n3A_507, %reduce_sum3A_508 [0] : vector<192x512xbf16> to vector<512xbf16>
    %broadcast_in_dim3A_510 = vector.shape_cast %reduce_sum3A_509 : vector<512xbf16> to vector<1x512xbf16>
    %slice3A_511 = vector.extract_strided_slice %ge3A_496 {offsets = [384, 0], sizes = [192, 512], strides = [1, 1]} : vector<576x512xi1> to vector<192x512xi1>
    %broadcast_in_dim3A_512 = vector.broadcast %scan3A : bf16 to vector<192x512xbf16>
    %broadcast_in_dim3A_513 = vector.broadcast %scan3A_12 : bf16 to vector<192x512xbf16>
    %select_n3A_514 = arith.select %slice3A_511, %broadcast_in_dim3A_512, %broadcast_in_dim3A_513 : vector<192x512xi1>, vector<192x512xbf16>
    %reduce_sum3A_515 = arith.constant dense<0.000000e+00> : vector<512xbf16>
    %reduce_sum3A_516 = vector.multi_reduction <add>, %select_n3A_514, %reduce_sum3A_515 [0] : vector<192x512xbf16> to vector<512xbf16>
    %broadcast_in_dim3A_517 = vector.shape_cast %reduce_sum3A_516 : vector<512xbf16> to vector<1x512xbf16>
    %convert_element_type3A_518 = arith.extf %broadcast_in_dim3A_503 : vector<1x512xbf16> to vector<1x512xf32>
    %convert_element_type3A_519 = arith.extf %broadcast_in_dim3A_510 : vector<1x512xbf16> to vector<1x512xf32>
    %add3A_520 = arith.addf %convert_element_type3A_518, %convert_element_type3A_519 : vector<1x512xf32>
    %convert_element_type3A_521 = arith.extf %broadcast_in_dim3A_517 : vector<1x512xbf16> to vector<1x512xf32>
    %add3A_522 = arith.addf %add3A_520, %convert_element_type3A_521 : vector<1x512xf32>
    %ge3A_523 = vector.broadcast %scan3A_13 : f32 to vector<1x512xf32>
    %ge3A_524 = arith.cmpf oge, %add3A_522, %ge3A_523 : vector<1x512xf32>
    %select_n3A_525 = arith.select %ge3A_524, %shift_right_arithmetic3A_492, %select_n3A_445 : vector<1x512xi1>, vector<1x512xi32>
    %select_n3A_526 = arith.select %ge3A_524, %select_n3A_446, %shift_right_arithmetic3A_492 : vector<1x512xi1>, vector<1x512xi32>
    %add3A_527 = arith.addi %select_n3A_487, %select_n3A_483 : vector<1x512xi32>
    %shift_right_arithmetic3A_528 = arith.constant 1 : i32
    %shift_right_arithmetic3A_529 = vector.broadcast %shift_right_arithmetic3A_528 : i32 to vector<1x512xi32>
    %shift_right_arithmetic3A_530 = arith.shrsi %add3A_527, %shift_right_arithmetic3A_529 : vector<1x512xi32>
    %convert_element_type3A_531 = arith.trunci %shift_right_arithmetic3A_530 : vector<1x512xi32> to vector<1x512xi16>
    %bitcast_convert_type3A_532 = tpu.bitcast %convert_element_type3A_531 : vector<1x512xi16> -> vector<1x512xbf16>
    %le3A_533 = vector.broadcast %bitcast_convert_type3A_532 : vector<1x512xbf16> to vector<576x512xbf16>
    %le3A_534 = arith.cmpf ole, %bitcast_convert_type3A_4, %le3A_533 : vector<576x512xbf16>
    %slice3A_535 = vector.extract_strided_slice %le3A_534 {offsets = [0, 0], sizes = [192, 512], strides = [1, 1]} : vector<576x512xi1> to vector<192x512xi1>
    %broadcast_in_dim3A_536 = vector.broadcast %scan3A : bf16 to vector<192x512xbf16>
    %broadcast_in_dim3A_537 = vector.broadcast %scan3A_12 : bf16 to vector<192x512xbf16>
    %select_n3A_538 = arith.select %slice3A_535, %broadcast_in_dim3A_536, %broadcast_in_dim3A_537 : vector<192x512xi1>, vector<192x512xbf16>
    %reduce_sum3A_539 = arith.constant dense<0.000000e+00> : vector<512xbf16>
    %reduce_sum3A_540 = vector.multi_reduction <add>, %select_n3A_538, %reduce_sum3A_539 [0] : vector<192x512xbf16> to vector<512xbf16>
    %broadcast_in_dim3A_541 = vector.shape_cast %reduce_sum3A_540 : vector<512xbf16> to vector<1x512xbf16>
    %slice3A_542 = vector.extract_strided_slice %le3A_534 {offsets = [192, 0], sizes = [192, 512], strides = [1, 1]} : vector<576x512xi1> to vector<192x512xi1>
    %broadcast_in_dim3A_543 = vector.broadcast %scan3A : bf16 to vector<192x512xbf16>
    %broadcast_in_dim3A_544 = vector.broadcast %scan3A_12 : bf16 to vector<192x512xbf16>
    %select_n3A_545 = arith.select %slice3A_542, %broadcast_in_dim3A_543, %broadcast_in_dim3A_544 : vector<192x512xi1>, vector<192x512xbf16>
    %reduce_sum3A_546 = arith.constant dense<0.000000e+00> : vector<512xbf16>
    %reduce_sum3A_547 = vector.multi_reduction <add>, %select_n3A_545, %reduce_sum3A_546 [0] : vector<192x512xbf16> to vector<512xbf16>
    %broadcast_in_dim3A_548 = vector.shape_cast %reduce_sum3A_547 : vector<512xbf16> to vector<1x512xbf16>
    %slice3A_549 = vector.extract_strided_slice %le3A_534 {offsets = [384, 0], sizes = [192, 512], strides = [1, 1]} : vector<576x512xi1> to vector<192x512xi1>
    %broadcast_in_dim3A_550 = vector.broadcast %scan3A : bf16 to vector<192x512xbf16>
    %broadcast_in_dim3A_551 = vector.broadcast %scan3A_12 : bf16 to vector<192x512xbf16>
    %select_n3A_552 = arith.select %slice3A_549, %broadcast_in_dim3A_550, %broadcast_in_dim3A_551 : vector<192x512xi1>, vector<192x512xbf16>
    %reduce_sum3A_553 = arith.constant dense<0.000000e+00> : vector<512xbf16>
    %reduce_sum3A_554 = vector.multi_reduction <add>, %select_n3A_552, %reduce_sum3A_553 [0] : vector<192x512xbf16> to vector<512xbf16>
    %broadcast_in_dim3A_555 = vector.shape_cast %reduce_sum3A_554 : vector<512xbf16> to vector<1x512xbf16>
    %convert_element_type3A_556 = arith.extf %broadcast_in_dim3A_541 : vector<1x512xbf16> to vector<1x512xf32>
    %convert_element_type3A_557 = arith.extf %broadcast_in_dim3A_548 : vector<1x512xbf16> to vector<1x512xf32>
    %add3A_558 = arith.addf %convert_element_type3A_556, %convert_element_type3A_557 : vector<1x512xf32>
    %convert_element_type3A_559 = arith.extf %broadcast_in_dim3A_555 : vector<1x512xbf16> to vector<1x512xf32>
    %add3A_560 = arith.addf %add3A_558, %convert_element_type3A_559 : vector<1x512xf32>
    %ge3A_561 = vector.broadcast %scan3A_13 : f32 to vector<1x512xf32>
    %ge3A_562 = arith.cmpf oge, %add3A_560, %ge3A_561 : vector<1x512xf32>
    %select_n3A_563 = arith.select %ge3A_562, %shift_right_arithmetic3A_530, %select_n3A_483 : vector<1x512xi1>, vector<1x512xi32>
    %add3A_564 = arith.constant 1 : i32
    %add3A_565 = vector.broadcast %add3A_564 : i32 to vector<1x512xi32>
    %add3A_566 = arith.addi %shift_right_arithmetic3A_530, %add3A_565 : vector<1x512xi32>
    %select_n3A_567 = arith.select %ge3A_562, %select_n3A_487, %add3A_566 : vector<1x512xi1>, vector<1x512xi32>
    %scan3A_568 = arith.constant 7 : i32
    %add3A_569 = arith.addi %select_n3A_525, %select_n3A_526 : vector<1x512xi32>
    %shift_right_arithmetic3A_570 = arith.constant 1 : i32
    %shift_right_arithmetic3A_571 = vector.broadcast %shift_right_arithmetic3A_570 : i32 to vector<1x512xi32>
    %shift_right_arithmetic3A_572 = arith.shrsi %add3A_569, %shift_right_arithmetic3A_571 : vector<1x512xi32>
    %convert_element_type3A_573 = arith.trunci %shift_right_arithmetic3A_572 : vector<1x512xi32> to vector<1x512xi16>
    %bitcast_convert_type3A_574 = tpu.bitcast %convert_element_type3A_573 : vector<1x512xi16> -> vector<1x512xbf16>
    %ge3A_575 = vector.broadcast %bitcast_convert_type3A_574 : vector<1x512xbf16> to vector<576x512xbf16>
    %ge3A_576 = arith.cmpf oge, %bitcast_convert_type3A_4, %ge3A_575 : vector<576x512xbf16>
    %slice3A_577 = vector.extract_strided_slice %ge3A_576 {offsets = [0, 0], sizes = [192, 512], strides = [1, 1]} : vector<576x512xi1> to vector<192x512xi1>
    %broadcast_in_dim3A_578 = vector.broadcast %scan3A : bf16 to vector<192x512xbf16>
    %broadcast_in_dim3A_579 = vector.broadcast %scan3A_12 : bf16 to vector<192x512xbf16>
    %select_n3A_580 = arith.select %slice3A_577, %broadcast_in_dim3A_578, %broadcast_in_dim3A_579 : vector<192x512xi1>, vector<192x512xbf16>
    %reduce_sum3A_581 = arith.constant dense<0.000000e+00> : vector<512xbf16>
    %reduce_sum3A_582 = vector.multi_reduction <add>, %select_n3A_580, %reduce_sum3A_581 [0] : vector<192x512xbf16> to vector<512xbf16>
    %broadcast_in_dim3A_583 = vector.shape_cast %reduce_sum3A_582 : vector<512xbf16> to vector<1x512xbf16>
    %slice3A_584 = vector.extract_strided_slice %ge3A_576 {offsets = [192, 0], sizes = [192, 512], strides = [1, 1]} : vector<576x512xi1> to vector<192x512xi1>
    %broadcast_in_dim3A_585 = vector.broadcast %scan3A : bf16 to vector<192x512xbf16>
    %broadcast_in_dim3A_586 = vector.broadcast %scan3A_12 : bf16 to vector<192x512xbf16>
    %select_n3A_587 = arith.select %slice3A_584, %broadcast_in_dim3A_585, %broadcast_in_dim3A_586 : vector<192x512xi1>, vector<192x512xbf16>
    %reduce_sum3A_588 = arith.constant dense<0.000000e+00> : vector<512xbf16>
    %reduce_sum3A_589 = vector.multi_reduction <add>, %select_n3A_587, %reduce_sum3A_588 [0] : vector<192x512xbf16> to vector<512xbf16>
    %broadcast_in_dim3A_590 = vector.shape_cast %reduce_sum3A_589 : vector<512xbf16> to vector<1x512xbf16>
    %slice3A_591 = vector.extract_strided_slice %ge3A_576 {offsets = [384, 0], sizes = [192, 512], strides = [1, 1]} : vector<576x512xi1> to vector<192x512xi1>
    %broadcast_in_dim3A_592 = vector.broadcast %scan3A : bf16 to vector<192x512xbf16>
    %broadcast_in_dim3A_593 = vector.broadcast %scan3A_12 : bf16 to vector<192x512xbf16>
    %select_n3A_594 = arith.select %slice3A_591, %broadcast_in_dim3A_592, %broadcast_in_dim3A_593 : vector<192x512xi1>, vector<192x512xbf16>
    %reduce_sum3A_595 = arith.constant dense<0.000000e+00> : vector<512xbf16>
    %reduce_sum3A_596 = vector.multi_reduction <add>, %select_n3A_594, %reduce_sum3A_595 [0] : vector<192x512xbf16> to vector<512xbf16>
    %broadcast_in_dim3A_597 = vector.shape_cast %reduce_sum3A_596 : vector<512xbf16> to vector<1x512xbf16>
    %convert_element_type3A_598 = arith.extf %broadcast_in_dim3A_583 : vector<1x512xbf16> to vector<1x512xf32>
    %convert_element_type3A_599 = arith.extf %broadcast_in_dim3A_590 : vector<1x512xbf16> to vector<1x512xf32>
    %add3A_600 = arith.addf %convert_element_type3A_598, %convert_element_type3A_599 : vector<1x512xf32>
    %convert_element_type3A_601 = arith.extf %broadcast_in_dim3A_597 : vector<1x512xbf16> to vector<1x512xf32>
    %add3A_602 = arith.addf %add3A_600, %convert_element_type3A_601 : vector<1x512xf32>
    %ge3A_603 = vector.broadcast %scan3A_13 : f32 to vector<1x512xf32>
    %ge3A_604 = arith.cmpf oge, %add3A_602, %ge3A_603 : vector<1x512xf32>
    %select_n3A_605 = arith.select %ge3A_604, %shift_right_arithmetic3A_572, %select_n3A_525 : vector<1x512xi1>, vector<1x512xi32>
    %select_n3A_606 = arith.select %ge3A_604, %select_n3A_526, %shift_right_arithmetic3A_572 : vector<1x512xi1>, vector<1x512xi32>
    %add3A_607 = arith.addi %select_n3A_567, %select_n3A_563 : vector<1x512xi32>
    %shift_right_arithmetic3A_608 = arith.constant 1 : i32
    %shift_right_arithmetic3A_609 = vector.broadcast %shift_right_arithmetic3A_608 : i32 to vector<1x512xi32>
    %shift_right_arithmetic3A_610 = arith.shrsi %add3A_607, %shift_right_arithmetic3A_609 : vector<1x512xi32>
    %convert_element_type3A_611 = arith.trunci %shift_right_arithmetic3A_610 : vector<1x512xi32> to vector<1x512xi16>
    %bitcast_convert_type3A_612 = tpu.bitcast %convert_element_type3A_611 : vector<1x512xi16> -> vector<1x512xbf16>
    %le3A_613 = vector.broadcast %bitcast_convert_type3A_612 : vector<1x512xbf16> to vector<576x512xbf16>
    %le3A_614 = arith.cmpf ole, %bitcast_convert_type3A_4, %le3A_613 : vector<576x512xbf16>
    %slice3A_615 = vector.extract_strided_slice %le3A_614 {offsets = [0, 0], sizes = [192, 512], strides = [1, 1]} : vector<576x512xi1> to vector<192x512xi1>
    %broadcast_in_dim3A_616 = vector.broadcast %scan3A : bf16 to vector<192x512xbf16>
    %broadcast_in_dim3A_617 = vector.broadcast %scan3A_12 : bf16 to vector<192x512xbf16>
    %select_n3A_618 = arith.select %slice3A_615, %broadcast_in_dim3A_616, %broadcast_in_dim3A_617 : vector<192x512xi1>, vector<192x512xbf16>
    %reduce_sum3A_619 = arith.constant dense<0.000000e+00> : vector<512xbf16>
    %reduce_sum3A_620 = vector.multi_reduction <add>, %select_n3A_618, %reduce_sum3A_619 [0] : vector<192x512xbf16> to vector<512xbf16>
    %broadcast_in_dim3A_621 = vector.shape_cast %reduce_sum3A_620 : vector<512xbf16> to vector<1x512xbf16>
    %slice3A_622 = vector.extract_strided_slice %le3A_614 {offsets = [192, 0], sizes = [192, 512], strides = [1, 1]} : vector<576x512xi1> to vector<192x512xi1>
    %broadcast_in_dim3A_623 = vector.broadcast %scan3A : bf16 to vector<192x512xbf16>
    %broadcast_in_dim3A_624 = vector.broadcast %scan3A_12 : bf16 to vector<192x512xbf16>
    %select_n3A_625 = arith.select %slice3A_622, %broadcast_in_dim3A_623, %broadcast_in_dim3A_624 : vector<192x512xi1>, vector<192x512xbf16>
    %reduce_sum3A_626 = arith.constant dense<0.000000e+00> : vector<512xbf16>
    %reduce_sum3A_627 = vector.multi_reduction <add>, %select_n3A_625, %reduce_sum3A_626 [0] : vector<192x512xbf16> to vector<512xbf16>
    %broadcast_in_dim3A_628 = vector.shape_cast %reduce_sum3A_627 : vector<512xbf16> to vector<1x512xbf16>
    %slice3A_629 = vector.extract_strided_slice %le3A_614 {offsets = [384, 0], sizes = [192, 512], strides = [1, 1]} : vector<576x512xi1> to vector<192x512xi1>
    %broadcast_in_dim3A_630 = vector.broadcast %scan3A : bf16 to vector<192x512xbf16>
    %broadcast_in_dim3A_631 = vector.broadcast %scan3A_12 : bf16 to vector<192x512xbf16>
    %select_n3A_632 = arith.select %slice3A_629, %broadcast_in_dim3A_630, %broadcast_in_dim3A_631 : vector<192x512xi1>, vector<192x512xbf16>
    %reduce_sum3A_633 = arith.constant dense<0.000000e+00> : vector<512xbf16>
    %reduce_sum3A_634 = vector.multi_reduction <add>, %select_n3A_632, %reduce_sum3A_633 [0] : vector<192x512xbf16> to vector<512xbf16>
    %broadcast_in_dim3A_635 = vector.shape_cast %reduce_sum3A_634 : vector<512xbf16> to vector<1x512xbf16>
    %convert_element_type3A_636 = arith.extf %broadcast_in_dim3A_621 : vector<1x512xbf16> to vector<1x512xf32>
    %convert_element_type3A_637 = arith.extf %broadcast_in_dim3A_628 : vector<1x512xbf16> to vector<1x512xf32>
    %add3A_638 = arith.addf %convert_element_type3A_636, %convert_element_type3A_637 : vector<1x512xf32>
    %convert_element_type3A_639 = arith.extf %broadcast_in_dim3A_635 : vector<1x512xbf16> to vector<1x512xf32>
    %add3A_640 = arith.addf %add3A_638, %convert_element_type3A_639 : vector<1x512xf32>
    %ge3A_641 = vector.broadcast %scan3A_13 : f32 to vector<1x512xf32>
    %ge3A_642 = arith.cmpf oge, %add3A_640, %ge3A_641 : vector<1x512xf32>
    %select_n3A_643 = arith.select %ge3A_642, %shift_right_arithmetic3A_610, %select_n3A_563 : vector<1x512xi1>, vector<1x512xi32>
    %add3A_644 = arith.constant 1 : i32
    %add3A_645 = vector.broadcast %add3A_644 : i32 to vector<1x512xi32>
    %add3A_646 = arith.addi %shift_right_arithmetic3A_610, %add3A_645 : vector<1x512xi32>
    %select_n3A_647 = arith.select %ge3A_642, %select_n3A_567, %add3A_646 : vector<1x512xi1>, vector<1x512xi32>
    %scan3A_648 = arith.constant 8 : i32
    %add3A_649 = arith.addi %select_n3A_605, %select_n3A_606 : vector<1x512xi32>
    %shift_right_arithmetic3A_650 = arith.constant 1 : i32
    %shift_right_arithmetic3A_651 = vector.broadcast %shift_right_arithmetic3A_650 : i32 to vector<1x512xi32>
    %shift_right_arithmetic3A_652 = arith.shrsi %add3A_649, %shift_right_arithmetic3A_651 : vector<1x512xi32>
    %convert_element_type3A_653 = arith.trunci %shift_right_arithmetic3A_652 : vector<1x512xi32> to vector<1x512xi16>
    %bitcast_convert_type3A_654 = tpu.bitcast %convert_element_type3A_653 : vector<1x512xi16> -> vector<1x512xbf16>
    %ge3A_655 = vector.broadcast %bitcast_convert_type3A_654 : vector<1x512xbf16> to vector<576x512xbf16>
    %ge3A_656 = arith.cmpf oge, %bitcast_convert_type3A_4, %ge3A_655 : vector<576x512xbf16>
    %slice3A_657 = vector.extract_strided_slice %ge3A_656 {offsets = [0, 0], sizes = [192, 512], strides = [1, 1]} : vector<576x512xi1> to vector<192x512xi1>
    %broadcast_in_dim3A_658 = vector.broadcast %scan3A : bf16 to vector<192x512xbf16>
    %broadcast_in_dim3A_659 = vector.broadcast %scan3A_12 : bf16 to vector<192x512xbf16>
    %select_n3A_660 = arith.select %slice3A_657, %broadcast_in_dim3A_658, %broadcast_in_dim3A_659 : vector<192x512xi1>, vector<192x512xbf16>
    %reduce_sum3A_661 = arith.constant dense<0.000000e+00> : vector<512xbf16>
    %reduce_sum3A_662 = vector.multi_reduction <add>, %select_n3A_660, %reduce_sum3A_661 [0] : vector<192x512xbf16> to vector<512xbf16>
    %broadcast_in_dim3A_663 = vector.shape_cast %reduce_sum3A_662 : vector<512xbf16> to vector<1x512xbf16>
    %slice3A_664 = vector.extract_strided_slice %ge3A_656 {offsets = [192, 0], sizes = [192, 512], strides = [1, 1]} : vector<576x512xi1> to vector<192x512xi1>
    %broadcast_in_dim3A_665 = vector.broadcast %scan3A : bf16 to vector<192x512xbf16>
    %broadcast_in_dim3A_666 = vector.broadcast %scan3A_12 : bf16 to vector<192x512xbf16>
    %select_n3A_667 = arith.select %slice3A_664, %broadcast_in_dim3A_665, %broadcast_in_dim3A_666 : vector<192x512xi1>, vector<192x512xbf16>
    %reduce_sum3A_668 = arith.constant dense<0.000000e+00> : vector<512xbf16>
    %reduce_sum3A_669 = vector.multi_reduction <add>, %select_n3A_667, %reduce_sum3A_668 [0] : vector<192x512xbf16> to vector<512xbf16>
    %broadcast_in_dim3A_670 = vector.shape_cast %reduce_sum3A_669 : vector<512xbf16> to vector<1x512xbf16>
    %slice3A_671 = vector.extract_strided_slice %ge3A_656 {offsets = [384, 0], sizes = [192, 512], strides = [1, 1]} : vector<576x512xi1> to vector<192x512xi1>
    %broadcast_in_dim3A_672 = vector.broadcast %scan3A : bf16 to vector<192x512xbf16>
    %broadcast_in_dim3A_673 = vector.broadcast %scan3A_12 : bf16 to vector<192x512xbf16>
    %select_n3A_674 = arith.select %slice3A_671, %broadcast_in_dim3A_672, %broadcast_in_dim3A_673 : vector<192x512xi1>, vector<192x512xbf16>
    %reduce_sum3A_675 = arith.constant dense<0.000000e+00> : vector<512xbf16>
    %reduce_sum3A_676 = vector.multi_reduction <add>, %select_n3A_674, %reduce_sum3A_675 [0] : vector<192x512xbf16> to vector<512xbf16>
    %broadcast_in_dim3A_677 = vector.shape_cast %reduce_sum3A_676 : vector<512xbf16> to vector<1x512xbf16>
    %convert_element_type3A_678 = arith.extf %broadcast_in_dim3A_663 : vector<1x512xbf16> to vector<1x512xf32>
    %convert_element_type3A_679 = arith.extf %broadcast_in_dim3A_670 : vector<1x512xbf16> to vector<1x512xf32>
    %add3A_680 = arith.addf %convert_element_type3A_678, %convert_element_type3A_679 : vector<1x512xf32>
    %convert_element_type3A_681 = arith.extf %broadcast_in_dim3A_677 : vector<1x512xbf16> to vector<1x512xf32>
    %add3A_682 = arith.addf %add3A_680, %convert_element_type3A_681 : vector<1x512xf32>
    %ge3A_683 = vector.broadcast %scan3A_13 : f32 to vector<1x512xf32>
    %ge3A_684 = arith.cmpf oge, %add3A_682, %ge3A_683 : vector<1x512xf32>
    %select_n3A_685 = arith.select %ge3A_684, %shift_right_arithmetic3A_652, %select_n3A_605 : vector<1x512xi1>, vector<1x512xi32>
    %select_n3A_686 = arith.select %ge3A_684, %select_n3A_606, %shift_right_arithmetic3A_652 : vector<1x512xi1>, vector<1x512xi32>
    %add3A_687 = arith.addi %select_n3A_647, %select_n3A_643 : vector<1x512xi32>
    %shift_right_arithmetic3A_688 = arith.constant 1 : i32
    %shift_right_arithmetic3A_689 = vector.broadcast %shift_right_arithmetic3A_688 : i32 to vector<1x512xi32>
    %shift_right_arithmetic3A_690 = arith.shrsi %add3A_687, %shift_right_arithmetic3A_689 : vector<1x512xi32>
    %convert_element_type3A_691 = arith.trunci %shift_right_arithmetic3A_690 : vector<1x512xi32> to vector<1x512xi16>
    %bitcast_convert_type3A_692 = tpu.bitcast %convert_element_type3A_691 : vector<1x512xi16> -> vector<1x512xbf16>
    %le3A_693 = vector.broadcast %bitcast_convert_type3A_692 : vector<1x512xbf16> to vector<576x512xbf16>
    %le3A_694 = arith.cmpf ole, %bitcast_convert_type3A_4, %le3A_693 : vector<576x512xbf16>
    %slice3A_695 = vector.extract_strided_slice %le3A_694 {offsets = [0, 0], sizes = [192, 512], strides = [1, 1]} : vector<576x512xi1> to vector<192x512xi1>
    %broadcast_in_dim3A_696 = vector.broadcast %scan3A : bf16 to vector<192x512xbf16>
    %broadcast_in_dim3A_697 = vector.broadcast %scan3A_12 : bf16 to vector<192x512xbf16>
    %select_n3A_698 = arith.select %slice3A_695, %broadcast_in_dim3A_696, %broadcast_in_dim3A_697 : vector<192x512xi1>, vector<192x512xbf16>
    %reduce_sum3A_699 = arith.constant dense<0.000000e+00> : vector<512xbf16>
    %reduce_sum3A_700 = vector.multi_reduction <add>, %select_n3A_698, %reduce_sum3A_699 [0] : vector<192x512xbf16> to vector<512xbf16>
    %broadcast_in_dim3A_701 = vector.shape_cast %reduce_sum3A_700 : vector<512xbf16> to vector<1x512xbf16>
    %slice3A_702 = vector.extract_strided_slice %le3A_694 {offsets = [192, 0], sizes = [192, 512], strides = [1, 1]} : vector<576x512xi1> to vector<192x512xi1>
    %broadcast_in_dim3A_703 = vector.broadcast %scan3A : bf16 to vector<192x512xbf16>
    %broadcast_in_dim3A_704 = vector.broadcast %scan3A_12 : bf16 to vector<192x512xbf16>
    %select_n3A_705 = arith.select %slice3A_702, %broadcast_in_dim3A_703, %broadcast_in_dim3A_704 : vector<192x512xi1>, vector<192x512xbf16>
    %reduce_sum3A_706 = arith.constant dense<0.000000e+00> : vector<512xbf16>
    %reduce_sum3A_707 = vector.multi_reduction <add>, %select_n3A_705, %reduce_sum3A_706 [0] : vector<192x512xbf16> to vector<512xbf16>
    %broadcast_in_dim3A_708 = vector.shape_cast %reduce_sum3A_707 : vector<512xbf16> to vector<1x512xbf16>
    %slice3A_709 = vector.extract_strided_slice %le3A_694 {offsets = [384, 0], sizes = [192, 512], strides = [1, 1]} : vector<576x512xi1> to vector<192x512xi1>
    %broadcast_in_dim3A_710 = vector.broadcast %scan3A : bf16 to vector<192x512xbf16>
    %broadcast_in_dim3A_711 = vector.broadcast %scan3A_12 : bf16 to vector<192x512xbf16>
    %select_n3A_712 = arith.select %slice3A_709, %broadcast_in_dim3A_710, %broadcast_in_dim3A_711 : vector<192x512xi1>, vector<192x512xbf16>
    %reduce_sum3A_713 = arith.constant dense<0.000000e+00> : vector<512xbf16>
    %reduce_sum3A_714 = vector.multi_reduction <add>, %select_n3A_712, %reduce_sum3A_713 [0] : vector<192x512xbf16> to vector<512xbf16>
    %broadcast_in_dim3A_715 = vector.shape_cast %reduce_sum3A_714 : vector<512xbf16> to vector<1x512xbf16>
    %convert_element_type3A_716 = arith.extf %broadcast_in_dim3A_701 : vector<1x512xbf16> to vector<1x512xf32>
    %convert_element_type3A_717 = arith.extf %broadcast_in_dim3A_708 : vector<1x512xbf16> to vector<1x512xf32>
    %add3A_718 = arith.addf %convert_element_type3A_716, %convert_element_type3A_717 : vector<1x512xf32>
    %convert_element_type3A_719 = arith.extf %broadcast_in_dim3A_715 : vector<1x512xbf16> to vector<1x512xf32>
    %add3A_720 = arith.addf %add3A_718, %convert_element_type3A_719 : vector<1x512xf32>
    %ge3A_721 = vector.broadcast %scan3A_13 : f32 to vector<1x512xf32>
    %ge3A_722 = arith.cmpf oge, %add3A_720, %ge3A_721 : vector<1x512xf32>
    %select_n3A_723 = arith.select %ge3A_722, %shift_right_arithmetic3A_690, %select_n3A_643 : vector<1x512xi1>, vector<1x512xi32>
    %add3A_724 = arith.constant 1 : i32
    %add3A_725 = vector.broadcast %add3A_724 : i32 to vector<1x512xi32>
    %add3A_726 = arith.addi %shift_right_arithmetic3A_690, %add3A_725 : vector<1x512xi32>
    %select_n3A_727 = arith.select %ge3A_722, %select_n3A_647, %add3A_726 : vector<1x512xi1>, vector<1x512xi32>
    %scan3A_728 = arith.constant 9 : i32
    %add3A_729 = arith.addi %select_n3A_685, %select_n3A_686 : vector<1x512xi32>
    %shift_right_arithmetic3A_730 = arith.constant 1 : i32
    %shift_right_arithmetic3A_731 = vector.broadcast %shift_right_arithmetic3A_730 : i32 to vector<1x512xi32>
    %shift_right_arithmetic3A_732 = arith.shrsi %add3A_729, %shift_right_arithmetic3A_731 : vector<1x512xi32>
    %convert_element_type3A_733 = arith.trunci %shift_right_arithmetic3A_732 : vector<1x512xi32> to vector<1x512xi16>
    %bitcast_convert_type3A_734 = tpu.bitcast %convert_element_type3A_733 : vector<1x512xi16> -> vector<1x512xbf16>
    %ge3A_735 = vector.broadcast %bitcast_convert_type3A_734 : vector<1x512xbf16> to vector<576x512xbf16>
    %ge3A_736 = arith.cmpf oge, %bitcast_convert_type3A_4, %ge3A_735 : vector<576x512xbf16>
    %slice3A_737 = vector.extract_strided_slice %ge3A_736 {offsets = [0, 0], sizes = [192, 512], strides = [1, 1]} : vector<576x512xi1> to vector<192x512xi1>
    %broadcast_in_dim3A_738 = vector.broadcast %scan3A : bf16 to vector<192x512xbf16>
    %broadcast_in_dim3A_739 = vector.broadcast %scan3A_12 : bf16 to vector<192x512xbf16>
    %select_n3A_740 = arith.select %slice3A_737, %broadcast_in_dim3A_738, %broadcast_in_dim3A_739 : vector<192x512xi1>, vector<192x512xbf16>
    %reduce_sum3A_741 = arith.constant dense<0.000000e+00> : vector<512xbf16>
    %reduce_sum3A_742 = vector.multi_reduction <add>, %select_n3A_740, %reduce_sum3A_741 [0] : vector<192x512xbf16> to vector<512xbf16>
    %broadcast_in_dim3A_743 = vector.shape_cast %reduce_sum3A_742 : vector<512xbf16> to vector<1x512xbf16>
    %slice3A_744 = vector.extract_strided_slice %ge3A_736 {offsets = [192, 0], sizes = [192, 512], strides = [1, 1]} : vector<576x512xi1> to vector<192x512xi1>
    %broadcast_in_dim3A_745 = vector.broadcast %scan3A : bf16 to vector<192x512xbf16>
    %broadcast_in_dim3A_746 = vector.broadcast %scan3A_12 : bf16 to vector<192x512xbf16>
    %select_n3A_747 = arith.select %slice3A_744, %broadcast_in_dim3A_745, %broadcast_in_dim3A_746 : vector<192x512xi1>, vector<192x512xbf16>
    %reduce_sum3A_748 = arith.constant dense<0.000000e+00> : vector<512xbf16>
    %reduce_sum3A_749 = vector.multi_reduction <add>, %select_n3A_747, %reduce_sum3A_748 [0] : vector<192x512xbf16> to vector<512xbf16>
    %broadcast_in_dim3A_750 = vector.shape_cast %reduce_sum3A_749 : vector<512xbf16> to vector<1x512xbf16>
    %slice3A_751 = vector.extract_strided_slice %ge3A_736 {offsets = [384, 0], sizes = [192, 512], strides = [1, 1]} : vector<576x512xi1> to vector<192x512xi1>
    %broadcast_in_dim3A_752 = vector.broadcast %scan3A : bf16 to vector<192x512xbf16>
    %broadcast_in_dim3A_753 = vector.broadcast %scan3A_12 : bf16 to vector<192x512xbf16>
    %select_n3A_754 = arith.select %slice3A_751, %broadcast_in_dim3A_752, %broadcast_in_dim3A_753 : vector<192x512xi1>, vector<192x512xbf16>
    %reduce_sum3A_755 = arith.constant dense<0.000000e+00> : vector<512xbf16>
    %reduce_sum3A_756 = vector.multi_reduction <add>, %select_n3A_754, %reduce_sum3A_755 [0] : vector<192x512xbf16> to vector<512xbf16>
    %broadcast_in_dim3A_757 = vector.shape_cast %reduce_sum3A_756 : vector<512xbf16> to vector<1x512xbf16>
    %convert_element_type3A_758 = arith.extf %broadcast_in_dim3A_743 : vector<1x512xbf16> to vector<1x512xf32>
    %convert_element_type3A_759 = arith.extf %broadcast_in_dim3A_750 : vector<1x512xbf16> to vector<1x512xf32>
    %add3A_760 = arith.addf %convert_element_type3A_758, %convert_element_type3A_759 : vector<1x512xf32>
    %convert_element_type3A_761 = arith.extf %broadcast_in_dim3A_757 : vector<1x512xbf16> to vector<1x512xf32>
    %add3A_762 = arith.addf %add3A_760, %convert_element_type3A_761 : vector<1x512xf32>
    %ge3A_763 = vector.broadcast %scan3A_13 : f32 to vector<1x512xf32>
    %ge3A_764 = arith.cmpf oge, %add3A_762, %ge3A_763 : vector<1x512xf32>
    %select_n3A_765 = arith.select %ge3A_764, %shift_right_arithmetic3A_732, %select_n3A_685 : vector<1x512xi1>, vector<1x512xi32>
    %select_n3A_766 = arith.select %ge3A_764, %select_n3A_686, %shift_right_arithmetic3A_732 : vector<1x512xi1>, vector<1x512xi32>
    %add3A_767 = arith.addi %select_n3A_727, %select_n3A_723 : vector<1x512xi32>
    %shift_right_arithmetic3A_768 = arith.constant 1 : i32
    %shift_right_arithmetic3A_769 = vector.broadcast %shift_right_arithmetic3A_768 : i32 to vector<1x512xi32>
    %shift_right_arithmetic3A_770 = arith.shrsi %add3A_767, %shift_right_arithmetic3A_769 : vector<1x512xi32>
    %convert_element_type3A_771 = arith.trunci %shift_right_arithmetic3A_770 : vector<1x512xi32> to vector<1x512xi16>
    %bitcast_convert_type3A_772 = tpu.bitcast %convert_element_type3A_771 : vector<1x512xi16> -> vector<1x512xbf16>
    %le3A_773 = vector.broadcast %bitcast_convert_type3A_772 : vector<1x512xbf16> to vector<576x512xbf16>
    %le3A_774 = arith.cmpf ole, %bitcast_convert_type3A_4, %le3A_773 : vector<576x512xbf16>
    %slice3A_775 = vector.extract_strided_slice %le3A_774 {offsets = [0, 0], sizes = [192, 512], strides = [1, 1]} : vector<576x512xi1> to vector<192x512xi1>
    %broadcast_in_dim3A_776 = vector.broadcast %scan3A : bf16 to vector<192x512xbf16>
    %broadcast_in_dim3A_777 = vector.broadcast %scan3A_12 : bf16 to vector<192x512xbf16>
    %select_n3A_778 = arith.select %slice3A_775, %broadcast_in_dim3A_776, %broadcast_in_dim3A_777 : vector<192x512xi1>, vector<192x512xbf16>
    %reduce_sum3A_779 = arith.constant dense<0.000000e+00> : vector<512xbf16>
    %reduce_sum3A_780 = vector.multi_reduction <add>, %select_n3A_778, %reduce_sum3A_779 [0] : vector<192x512xbf16> to vector<512xbf16>
    %broadcast_in_dim3A_781 = vector.shape_cast %reduce_sum3A_780 : vector<512xbf16> to vector<1x512xbf16>
    %slice3A_782 = vector.extract_strided_slice %le3A_774 {offsets = [192, 0], sizes = [192, 512], strides = [1, 1]} : vector<576x512xi1> to vector<192x512xi1>
    %broadcast_in_dim3A_783 = vector.broadcast %scan3A : bf16 to vector<192x512xbf16>
    %broadcast_in_dim3A_784 = vector.broadcast %scan3A_12 : bf16 to vector<192x512xbf16>
    %select_n3A_785 = arith.select %slice3A_782, %broadcast_in_dim3A_783, %broadcast_in_dim3A_784 : vector<192x512xi1>, vector<192x512xbf16>
    %reduce_sum3A_786 = arith.constant dense<0.000000e+00> : vector<512xbf16>
    %reduce_sum3A_787 = vector.multi_reduction <add>, %select_n3A_785, %reduce_sum3A_786 [0] : vector<192x512xbf16> to vector<512xbf16>
    %broadcast_in_dim3A_788 = vector.shape_cast %reduce_sum3A_787 : vector<512xbf16> to vector<1x512xbf16>
    %slice3A_789 = vector.extract_strided_slice %le3A_774 {offsets = [384, 0], sizes = [192, 512], strides = [1, 1]} : vector<576x512xi1> to vector<192x512xi1>
    %broadcast_in_dim3A_790 = vector.broadcast %scan3A : bf16 to vector<192x512xbf16>
    %broadcast_in_dim3A_791 = vector.broadcast %scan3A_12 : bf16 to vector<192x512xbf16>
    %select_n3A_792 = arith.select %slice3A_789, %broadcast_in_dim3A_790, %broadcast_in_dim3A_791 : vector<192x512xi1>, vector<192x512xbf16>
    %reduce_sum3A_793 = arith.constant dense<0.000000e+00> : vector<512xbf16>
    %reduce_sum3A_794 = vector.multi_reduction <add>, %select_n3A_792, %reduce_sum3A_793 [0] : vector<192x512xbf16> to vector<512xbf16>
    %broadcast_in_dim3A_795 = vector.shape_cast %reduce_sum3A_794 : vector<512xbf16> to vector<1x512xbf16>
    %convert_element_type3A_796 = arith.extf %broadcast_in_dim3A_781 : vector<1x512xbf16> to vector<1x512xf32>
    %convert_element_type3A_797 = arith.extf %broadcast_in_dim3A_788 : vector<1x512xbf16> to vector<1x512xf32>
    %add3A_798 = arith.addf %convert_element_type3A_796, %convert_element_type3A_797 : vector<1x512xf32>
    %convert_element_type3A_799 = arith.extf %broadcast_in_dim3A_795 : vector<1x512xbf16> to vector<1x512xf32>
    %add3A_800 = arith.addf %add3A_798, %convert_element_type3A_799 : vector<1x512xf32>
    %ge3A_801 = vector.broadcast %scan3A_13 : f32 to vector<1x512xf32>
    %ge3A_802 = arith.cmpf oge, %add3A_800, %ge3A_801 : vector<1x512xf32>
    %select_n3A_803 = arith.select %ge3A_802, %shift_right_arithmetic3A_770, %select_n3A_723 : vector<1x512xi1>, vector<1x512xi32>
    %add3A_804 = arith.constant 1 : i32
    %add3A_805 = vector.broadcast %add3A_804 : i32 to vector<1x512xi32>
    %add3A_806 = arith.addi %shift_right_arithmetic3A_770, %add3A_805 : vector<1x512xi32>
    %select_n3A_807 = arith.select %ge3A_802, %select_n3A_727, %add3A_806 : vector<1x512xi1>, vector<1x512xi32>
    %scan3A_808 = arith.constant 10 : i32
    %add3A_809 = arith.addi %select_n3A_765, %select_n3A_766 : vector<1x512xi32>
    %shift_right_arithmetic3A_810 = arith.constant 1 : i32
    %shift_right_arithmetic3A_811 = vector.broadcast %shift_right_arithmetic3A_810 : i32 to vector<1x512xi32>
    %shift_right_arithmetic3A_812 = arith.shrsi %add3A_809, %shift_right_arithmetic3A_811 : vector<1x512xi32>
    %convert_element_type3A_813 = arith.trunci %shift_right_arithmetic3A_812 : vector<1x512xi32> to vector<1x512xi16>
    %bitcast_convert_type3A_814 = tpu.bitcast %convert_element_type3A_813 : vector<1x512xi16> -> vector<1x512xbf16>
    %ge3A_815 = vector.broadcast %bitcast_convert_type3A_814 : vector<1x512xbf16> to vector<576x512xbf16>
    %ge3A_816 = arith.cmpf oge, %bitcast_convert_type3A_4, %ge3A_815 : vector<576x512xbf16>
    %slice3A_817 = vector.extract_strided_slice %ge3A_816 {offsets = [0, 0], sizes = [192, 512], strides = [1, 1]} : vector<576x512xi1> to vector<192x512xi1>
    %broadcast_in_dim3A_818 = vector.broadcast %scan3A : bf16 to vector<192x512xbf16>
    %broadcast_in_dim3A_819 = vector.broadcast %scan3A_12 : bf16 to vector<192x512xbf16>
    %select_n3A_820 = arith.select %slice3A_817, %broadcast_in_dim3A_818, %broadcast_in_dim3A_819 : vector<192x512xi1>, vector<192x512xbf16>
    %reduce_sum3A_821 = arith.constant dense<0.000000e+00> : vector<512xbf16>
    %reduce_sum3A_822 = vector.multi_reduction <add>, %select_n3A_820, %reduce_sum3A_821 [0] : vector<192x512xbf16> to vector<512xbf16>
    %broadcast_in_dim3A_823 = vector.shape_cast %reduce_sum3A_822 : vector<512xbf16> to vector<1x512xbf16>
    %slice3A_824 = vector.extract_strided_slice %ge3A_816 {offsets = [192, 0], sizes = [192, 512], strides = [1, 1]} : vector<576x512xi1> to vector<192x512xi1>
    %broadcast_in_dim3A_825 = vector.broadcast %scan3A : bf16 to vector<192x512xbf16>
    %broadcast_in_dim3A_826 = vector.broadcast %scan3A_12 : bf16 to vector<192x512xbf16>
    %select_n3A_827 = arith.select %slice3A_824, %broadcast_in_dim3A_825, %broadcast_in_dim3A_826 : vector<192x512xi1>, vector<192x512xbf16>
    %reduce_sum3A_828 = arith.constant dense<0.000000e+00> : vector<512xbf16>
    %reduce_sum3A_829 = vector.multi_reduction <add>, %select_n3A_827, %reduce_sum3A_828 [0] : vector<192x512xbf16> to vector<512xbf16>
    %broadcast_in_dim3A_830 = vector.shape_cast %reduce_sum3A_829 : vector<512xbf16> to vector<1x512xbf16>
    %slice3A_831 = vector.extract_strided_slice %ge3A_816 {offsets = [384, 0], sizes = [192, 512], strides = [1, 1]} : vector<576x512xi1> to vector<192x512xi1>
    %broadcast_in_dim3A_832 = vector.broadcast %scan3A : bf16 to vector<192x512xbf16>
    %broadcast_in_dim3A_833 = vector.broadcast %scan3A_12 : bf16 to vector<192x512xbf16>
    %select_n3A_834 = arith.select %slice3A_831, %broadcast_in_dim3A_832, %broadcast_in_dim3A_833 : vector<192x512xi1>, vector<192x512xbf16>
    %reduce_sum3A_835 = arith.constant dense<0.000000e+00> : vector<512xbf16>
    %reduce_sum3A_836 = vector.multi_reduction <add>, %select_n3A_834, %reduce_sum3A_835 [0] : vector<192x512xbf16> to vector<512xbf16>
    %broadcast_in_dim3A_837 = vector.shape_cast %reduce_sum3A_836 : vector<512xbf16> to vector<1x512xbf16>
    %convert_element_type3A_838 = arith.extf %broadcast_in_dim3A_823 : vector<1x512xbf16> to vector<1x512xf32>
    %convert_element_type3A_839 = arith.extf %broadcast_in_dim3A_830 : vector<1x512xbf16> to vector<1x512xf32>
    %add3A_840 = arith.addf %convert_element_type3A_838, %convert_element_type3A_839 : vector<1x512xf32>
    %convert_element_type3A_841 = arith.extf %broadcast_in_dim3A_837 : vector<1x512xbf16> to vector<1x512xf32>
    %add3A_842 = arith.addf %add3A_840, %convert_element_type3A_841 : vector<1x512xf32>
    %ge3A_843 = vector.broadcast %scan3A_13 : f32 to vector<1x512xf32>
    %ge3A_844 = arith.cmpf oge, %add3A_842, %ge3A_843 : vector<1x512xf32>
    %select_n3A_845 = arith.select %ge3A_844, %shift_right_arithmetic3A_812, %select_n3A_765 : vector<1x512xi1>, vector<1x512xi32>
    %select_n3A_846 = arith.select %ge3A_844, %select_n3A_766, %shift_right_arithmetic3A_812 : vector<1x512xi1>, vector<1x512xi32>
    %add3A_847 = arith.addi %select_n3A_807, %select_n3A_803 : vector<1x512xi32>
    %shift_right_arithmetic3A_848 = arith.constant 1 : i32
    %shift_right_arithmetic3A_849 = vector.broadcast %shift_right_arithmetic3A_848 : i32 to vector<1x512xi32>
    %shift_right_arithmetic3A_850 = arith.shrsi %add3A_847, %shift_right_arithmetic3A_849 : vector<1x512xi32>
    %convert_element_type3A_851 = arith.trunci %shift_right_arithmetic3A_850 : vector<1x512xi32> to vector<1x512xi16>
    %bitcast_convert_type3A_852 = tpu.bitcast %convert_element_type3A_851 : vector<1x512xi16> -> vector<1x512xbf16>
    %le3A_853 = vector.broadcast %bitcast_convert_type3A_852 : vector<1x512xbf16> to vector<576x512xbf16>
    %le3A_854 = arith.cmpf ole, %bitcast_convert_type3A_4, %le3A_853 : vector<576x512xbf16>
    %slice3A_855 = vector.extract_strided_slice %le3A_854 {offsets = [0, 0], sizes = [192, 512], strides = [1, 1]} : vector<576x512xi1> to vector<192x512xi1>
    %broadcast_in_dim3A_856 = vector.broadcast %scan3A : bf16 to vector<192x512xbf16>
    %broadcast_in_dim3A_857 = vector.broadcast %scan3A_12 : bf16 to vector<192x512xbf16>
    %select_n3A_858 = arith.select %slice3A_855, %broadcast_in_dim3A_856, %broadcast_in_dim3A_857 : vector<192x512xi1>, vector<192x512xbf16>
    %reduce_sum3A_859 = arith.constant dense<0.000000e+00> : vector<512xbf16>
    %reduce_sum3A_860 = vector.multi_reduction <add>, %select_n3A_858, %reduce_sum3A_859 [0] : vector<192x512xbf16> to vector<512xbf16>
    %broadcast_in_dim3A_861 = vector.shape_cast %reduce_sum3A_860 : vector<512xbf16> to vector<1x512xbf16>
    %slice3A_862 = vector.extract_strided_slice %le3A_854 {offsets = [192, 0], sizes = [192, 512], strides = [1, 1]} : vector<576x512xi1> to vector<192x512xi1>
    %broadcast_in_dim3A_863 = vector.broadcast %scan3A : bf16 to vector<192x512xbf16>
    %broadcast_in_dim3A_864 = vector.broadcast %scan3A_12 : bf16 to vector<192x512xbf16>
    %select_n3A_865 = arith.select %slice3A_862, %broadcast_in_dim3A_863, %broadcast_in_dim3A_864 : vector<192x512xi1>, vector<192x512xbf16>
    %reduce_sum3A_866 = arith.constant dense<0.000000e+00> : vector<512xbf16>
    %reduce_sum3A_867 = vector.multi_reduction <add>, %select_n3A_865, %reduce_sum3A_866 [0] : vector<192x512xbf16> to vector<512xbf16>
    %broadcast_in_dim3A_868 = vector.shape_cast %reduce_sum3A_867 : vector<512xbf16> to vector<1x512xbf16>
    %slice3A_869 = vector.extract_strided_slice %le3A_854 {offsets = [384, 0], sizes = [192, 512], strides = [1, 1]} : vector<576x512xi1> to vector<192x512xi1>
    %broadcast_in_dim3A_870 = vector.broadcast %scan3A : bf16 to vector<192x512xbf16>
    %broadcast_in_dim3A_871 = vector.broadcast %scan3A_12 : bf16 to vector<192x512xbf16>
    %select_n3A_872 = arith.select %slice3A_869, %broadcast_in_dim3A_870, %broadcast_in_dim3A_871 : vector<192x512xi1>, vector<192x512xbf16>
    %reduce_sum3A_873 = arith.constant dense<0.000000e+00> : vector<512xbf16>
    %reduce_sum3A_874 = vector.multi_reduction <add>, %select_n3A_872, %reduce_sum3A_873 [0] : vector<192x512xbf16> to vector<512xbf16>
    %broadcast_in_dim3A_875 = vector.shape_cast %reduce_sum3A_874 : vector<512xbf16> to vector<1x512xbf16>
    %convert_element_type3A_876 = arith.extf %broadcast_in_dim3A_861 : vector<1x512xbf16> to vector<1x512xf32>
    %convert_element_type3A_877 = arith.extf %broadcast_in_dim3A_868 : vector<1x512xbf16> to vector<1x512xf32>
    %add3A_878 = arith.addf %convert_element_type3A_876, %convert_element_type3A_877 : vector<1x512xf32>
    %convert_element_type3A_879 = arith.extf %broadcast_in_dim3A_875 : vector<1x512xbf16> to vector<1x512xf32>
    %add3A_880 = arith.addf %add3A_878, %convert_element_type3A_879 : vector<1x512xf32>
    %ge3A_881 = vector.broadcast %scan3A_13 : f32 to vector<1x512xf32>
    %ge3A_882 = arith.cmpf oge, %add3A_880, %ge3A_881 : vector<1x512xf32>
    %select_n3A_883 = arith.select %ge3A_882, %shift_right_arithmetic3A_850, %select_n3A_803 : vector<1x512xi1>, vector<1x512xi32>
    %add3A_884 = arith.constant 1 : i32
    %add3A_885 = vector.broadcast %add3A_884 : i32 to vector<1x512xi32>
    %add3A_886 = arith.addi %shift_right_arithmetic3A_850, %add3A_885 : vector<1x512xi32>
    %select_n3A_887 = arith.select %ge3A_882, %select_n3A_807, %add3A_886 : vector<1x512xi1>, vector<1x512xi32>
    %scan3A_888 = arith.constant 11 : i32
    %add3A_889 = arith.addi %select_n3A_845, %select_n3A_846 : vector<1x512xi32>
    %shift_right_arithmetic3A_890 = arith.constant 1 : i32
    %shift_right_arithmetic3A_891 = vector.broadcast %shift_right_arithmetic3A_890 : i32 to vector<1x512xi32>
    %shift_right_arithmetic3A_892 = arith.shrsi %add3A_889, %shift_right_arithmetic3A_891 : vector<1x512xi32>
    %convert_element_type3A_893 = arith.trunci %shift_right_arithmetic3A_892 : vector<1x512xi32> to vector<1x512xi16>
    %bitcast_convert_type3A_894 = tpu.bitcast %convert_element_type3A_893 : vector<1x512xi16> -> vector<1x512xbf16>
    %ge3A_895 = vector.broadcast %bitcast_convert_type3A_894 : vector<1x512xbf16> to vector<576x512xbf16>
    %ge3A_896 = arith.cmpf oge, %bitcast_convert_type3A_4, %ge3A_895 : vector<576x512xbf16>
    %slice3A_897 = vector.extract_strided_slice %ge3A_896 {offsets = [0, 0], sizes = [192, 512], strides = [1, 1]} : vector<576x512xi1> to vector<192x512xi1>
    %broadcast_in_dim3A_898 = vector.broadcast %scan3A : bf16 to vector<192x512xbf16>
    %broadcast_in_dim3A_899 = vector.broadcast %scan3A_12 : bf16 to vector<192x512xbf16>
    %select_n3A_900 = arith.select %slice3A_897, %broadcast_in_dim3A_898, %broadcast_in_dim3A_899 : vector<192x512xi1>, vector<192x512xbf16>
    %reduce_sum3A_901 = arith.constant dense<0.000000e+00> : vector<512xbf16>
    %reduce_sum3A_902 = vector.multi_reduction <add>, %select_n3A_900, %reduce_sum3A_901 [0] : vector<192x512xbf16> to vector<512xbf16>
    %broadcast_in_dim3A_903 = vector.shape_cast %reduce_sum3A_902 : vector<512xbf16> to vector<1x512xbf16>
    %slice3A_904 = vector.extract_strided_slice %ge3A_896 {offsets = [192, 0], sizes = [192, 512], strides = [1, 1]} : vector<576x512xi1> to vector<192x512xi1>
    %broadcast_in_dim3A_905 = vector.broadcast %scan3A : bf16 to vector<192x512xbf16>
    %broadcast_in_dim3A_906 = vector.broadcast %scan3A_12 : bf16 to vector<192x512xbf16>
    %select_n3A_907 = arith.select %slice3A_904, %broadcast_in_dim3A_905, %broadcast_in_dim3A_906 : vector<192x512xi1>, vector<192x512xbf16>
    %reduce_sum3A_908 = arith.constant dense<0.000000e+00> : vector<512xbf16>
    %reduce_sum3A_909 = vector.multi_reduction <add>, %select_n3A_907, %reduce_sum3A_908 [0] : vector<192x512xbf16> to vector<512xbf16>
    %broadcast_in_dim3A_910 = vector.shape_cast %reduce_sum3A_909 : vector<512xbf16> to vector<1x512xbf16>
    %slice3A_911 = vector.extract_strided_slice %ge3A_896 {offsets = [384, 0], sizes = [192, 512], strides = [1, 1]} : vector<576x512xi1> to vector<192x512xi1>
    %broadcast_in_dim3A_912 = vector.broadcast %scan3A : bf16 to vector<192x512xbf16>
    %broadcast_in_dim3A_913 = vector.broadcast %scan3A_12 : bf16 to vector<192x512xbf16>
    %select_n3A_914 = arith.select %slice3A_911, %broadcast_in_dim3A_912, %broadcast_in_dim3A_913 : vector<192x512xi1>, vector<192x512xbf16>
    %reduce_sum3A_915 = arith.constant dense<0.000000e+00> : vector<512xbf16>
    %reduce_sum3A_916 = vector.multi_reduction <add>, %select_n3A_914, %reduce_sum3A_915 [0] : vector<192x512xbf16> to vector<512xbf16>
    %broadcast_in_dim3A_917 = vector.shape_cast %reduce_sum3A_916 : vector<512xbf16> to vector<1x512xbf16>
    %convert_element_type3A_918 = arith.extf %broadcast_in_dim3A_903 : vector<1x512xbf16> to vector<1x512xf32>
    %convert_element_type3A_919 = arith.extf %broadcast_in_dim3A_910 : vector<1x512xbf16> to vector<1x512xf32>
    %add3A_920 = arith.addf %convert_element_type3A_918, %convert_element_type3A_919 : vector<1x512xf32>
    %convert_element_type3A_921 = arith.extf %broadcast_in_dim3A_917 : vector<1x512xbf16> to vector<1x512xf32>
    %add3A_922 = arith.addf %add3A_920, %convert_element_type3A_921 : vector<1x512xf32>
    %ge3A_923 = vector.broadcast %scan3A_13 : f32 to vector<1x512xf32>
    %ge3A_924 = arith.cmpf oge, %add3A_922, %ge3A_923 : vector<1x512xf32>
    %select_n3A_925 = arith.select %ge3A_924, %shift_right_arithmetic3A_892, %select_n3A_845 : vector<1x512xi1>, vector<1x512xi32>
    %select_n3A_926 = arith.select %ge3A_924, %select_n3A_846, %shift_right_arithmetic3A_892 : vector<1x512xi1>, vector<1x512xi32>
    %add3A_927 = arith.addi %select_n3A_887, %select_n3A_883 : vector<1x512xi32>
    %shift_right_arithmetic3A_928 = arith.constant 1 : i32
    %shift_right_arithmetic3A_929 = vector.broadcast %shift_right_arithmetic3A_928 : i32 to vector<1x512xi32>
    %shift_right_arithmetic3A_930 = arith.shrsi %add3A_927, %shift_right_arithmetic3A_929 : vector<1x512xi32>
    %convert_element_type3A_931 = arith.trunci %shift_right_arithmetic3A_930 : vector<1x512xi32> to vector<1x512xi16>
    %bitcast_convert_type3A_932 = tpu.bitcast %convert_element_type3A_931 : vector<1x512xi16> -> vector<1x512xbf16>
    %le3A_933 = vector.broadcast %bitcast_convert_type3A_932 : vector<1x512xbf16> to vector<576x512xbf16>
    %le3A_934 = arith.cmpf ole, %bitcast_convert_type3A_4, %le3A_933 : vector<576x512xbf16>
    %slice3A_935 = vector.extract_strided_slice %le3A_934 {offsets = [0, 0], sizes = [192, 512], strides = [1, 1]} : vector<576x512xi1> to vector<192x512xi1>
    %broadcast_in_dim3A_936 = vector.broadcast %scan3A : bf16 to vector<192x512xbf16>
    %broadcast_in_dim3A_937 = vector.broadcast %scan3A_12 : bf16 to vector<192x512xbf16>
    %select_n3A_938 = arith.select %slice3A_935, %broadcast_in_dim3A_936, %broadcast_in_dim3A_937 : vector<192x512xi1>, vector<192x512xbf16>
    %reduce_sum3A_939 = arith.constant dense<0.000000e+00> : vector<512xbf16>
    %reduce_sum3A_940 = vector.multi_reduction <add>, %select_n3A_938, %reduce_sum3A_939 [0] : vector<192x512xbf16> to vector<512xbf16>
    %broadcast_in_dim3A_941 = vector.shape_cast %reduce_sum3A_940 : vector<512xbf16> to vector<1x512xbf16>
    %slice3A_942 = vector.extract_strided_slice %le3A_934 {offsets = [192, 0], sizes = [192, 512], strides = [1, 1]} : vector<576x512xi1> to vector<192x512xi1>
    %broadcast_in_dim3A_943 = vector.broadcast %scan3A : bf16 to vector<192x512xbf16>
    %broadcast_in_dim3A_944 = vector.broadcast %scan3A_12 : bf16 to vector<192x512xbf16>
    %select_n3A_945 = arith.select %slice3A_942, %broadcast_in_dim3A_943, %broadcast_in_dim3A_944 : vector<192x512xi1>, vector<192x512xbf16>
    %reduce_sum3A_946 = arith.constant dense<0.000000e+00> : vector<512xbf16>
    %reduce_sum3A_947 = vector.multi_reduction <add>, %select_n3A_945, %reduce_sum3A_946 [0] : vector<192x512xbf16> to vector<512xbf16>
    %broadcast_in_dim3A_948 = vector.shape_cast %reduce_sum3A_947 : vector<512xbf16> to vector<1x512xbf16>
    %slice3A_949 = vector.extract_strided_slice %le3A_934 {offsets = [384, 0], sizes = [192, 512], strides = [1, 1]} : vector<576x512xi1> to vector<192x512xi1>
    %broadcast_in_dim3A_950 = vector.broadcast %scan3A : bf16 to vector<192x512xbf16>
    %broadcast_in_dim3A_951 = vector.broadcast %scan3A_12 : bf16 to vector<192x512xbf16>
    %select_n3A_952 = arith.select %slice3A_949, %broadcast_in_dim3A_950, %broadcast_in_dim3A_951 : vector<192x512xi1>, vector<192x512xbf16>
    %reduce_sum3A_953 = arith.constant dense<0.000000e+00> : vector<512xbf16>
    %reduce_sum3A_954 = vector.multi_reduction <add>, %select_n3A_952, %reduce_sum3A_953 [0] : vector<192x512xbf16> to vector<512xbf16>
    %broadcast_in_dim3A_955 = vector.shape_cast %reduce_sum3A_954 : vector<512xbf16> to vector<1x512xbf16>
    %convert_element_type3A_956 = arith.extf %broadcast_in_dim3A_941 : vector<1x512xbf16> to vector<1x512xf32>
    %convert_element_type3A_957 = arith.extf %broadcast_in_dim3A_948 : vector<1x512xbf16> to vector<1x512xf32>
    %add3A_958 = arith.addf %convert_element_type3A_956, %convert_element_type3A_957 : vector<1x512xf32>
    %convert_element_type3A_959 = arith.extf %broadcast_in_dim3A_955 : vector<1x512xbf16> to vector<1x512xf32>
    %add3A_960 = arith.addf %add3A_958, %convert_element_type3A_959 : vector<1x512xf32>
    %ge3A_961 = vector.broadcast %scan3A_13 : f32 to vector<1x512xf32>
    %ge3A_962 = arith.cmpf oge, %add3A_960, %ge3A_961 : vector<1x512xf32>
    %select_n3A_963 = arith.select %ge3A_962, %shift_right_arithmetic3A_930, %select_n3A_883 : vector<1x512xi1>, vector<1x512xi32>
    %add3A_964 = arith.constant 1 : i32
    %add3A_965 = vector.broadcast %add3A_964 : i32 to vector<1x512xi32>
    %add3A_966 = arith.addi %shift_right_arithmetic3A_930, %add3A_965 : vector<1x512xi32>
    %select_n3A_967 = arith.select %ge3A_962, %select_n3A_887, %add3A_966 : vector<1x512xi1>, vector<1x512xi32>
    %scan3A_968 = arith.constant 12 : i32
    %add3A_969 = arith.addi %select_n3A_925, %select_n3A_926 : vector<1x512xi32>
    %shift_right_arithmetic3A_970 = arith.constant 1 : i32
    %shift_right_arithmetic3A_971 = vector.broadcast %shift_right_arithmetic3A_970 : i32 to vector<1x512xi32>
    %shift_right_arithmetic3A_972 = arith.shrsi %add3A_969, %shift_right_arithmetic3A_971 : vector<1x512xi32>
    %convert_element_type3A_973 = arith.trunci %shift_right_arithmetic3A_972 : vector<1x512xi32> to vector<1x512xi16>
    %bitcast_convert_type3A_974 = tpu.bitcast %convert_element_type3A_973 : vector<1x512xi16> -> vector<1x512xbf16>
    %ge3A_975 = vector.broadcast %bitcast_convert_type3A_974 : vector<1x512xbf16> to vector<576x512xbf16>
    %ge3A_976 = arith.cmpf oge, %bitcast_convert_type3A_4, %ge3A_975 : vector<576x512xbf16>
    %slice3A_977 = vector.extract_strided_slice %ge3A_976 {offsets = [0, 0], sizes = [192, 512], strides = [1, 1]} : vector<576x512xi1> to vector<192x512xi1>
    %broadcast_in_dim3A_978 = vector.broadcast %scan3A : bf16 to vector<192x512xbf16>
    %broadcast_in_dim3A_979 = vector.broadcast %scan3A_12 : bf16 to vector<192x512xbf16>
    %select_n3A_980 = arith.select %slice3A_977, %broadcast_in_dim3A_978, %broadcast_in_dim3A_979 : vector<192x512xi1>, vector<192x512xbf16>
    %reduce_sum3A_981 = arith.constant dense<0.000000e+00> : vector<512xbf16>
    %reduce_sum3A_982 = vector.multi_reduction <add>, %select_n3A_980, %reduce_sum3A_981 [0] : vector<192x512xbf16> to vector<512xbf16>
    %broadcast_in_dim3A_983 = vector.shape_cast %reduce_sum3A_982 : vector<512xbf16> to vector<1x512xbf16>
    %slice3A_984 = vector.extract_strided_slice %ge3A_976 {offsets = [192, 0], sizes = [192, 512], strides = [1, 1]} : vector<576x512xi1> to vector<192x512xi1>
    %broadcast_in_dim3A_985 = vector.broadcast %scan3A : bf16 to vector<192x512xbf16>
    %broadcast_in_dim3A_986 = vector.broadcast %scan3A_12 : bf16 to vector<192x512xbf16>
    %select_n3A_987 = arith.select %slice3A_984, %broadcast_in_dim3A_985, %broadcast_in_dim3A_986 : vector<192x512xi1>, vector<192x512xbf16>
    %reduce_sum3A_988 = arith.constant dense<0.000000e+00> : vector<512xbf16>
    %reduce_sum3A_989 = vector.multi_reduction <add>, %select_n3A_987, %reduce_sum3A_988 [0] : vector<192x512xbf16> to vector<512xbf16>
    %broadcast_in_dim3A_990 = vector.shape_cast %reduce_sum3A_989 : vector<512xbf16> to vector<1x512xbf16>
    %slice3A_991 = vector.extract_strided_slice %ge3A_976 {offsets = [384, 0], sizes = [192, 512], strides = [1, 1]} : vector<576x512xi1> to vector<192x512xi1>
    %broadcast_in_dim3A_992 = vector.broadcast %scan3A : bf16 to vector<192x512xbf16>
    %broadcast_in_dim3A_993 = vector.broadcast %scan3A_12 : bf16 to vector<192x512xbf16>
    %select_n3A_994 = arith.select %slice3A_991, %broadcast_in_dim3A_992, %broadcast_in_dim3A_993 : vector<192x512xi1>, vector<192x512xbf16>
    %reduce_sum3A_995 = arith.constant dense<0.000000e+00> : vector<512xbf16>
    %reduce_sum3A_996 = vector.multi_reduction <add>, %select_n3A_994, %reduce_sum3A_995 [0] : vector<192x512xbf16> to vector<512xbf16>
    %broadcast_in_dim3A_997 = vector.shape_cast %reduce_sum3A_996 : vector<512xbf16> to vector<1x512xbf16>
    %convert_element_type3A_998 = arith.extf %broadcast_in_dim3A_983 : vector<1x512xbf16> to vector<1x512xf32>
    %convert_element_type3A_999 = arith.extf %broadcast_in_dim3A_990 : vector<1x512xbf16> to vector<1x512xf32>
    %add3A_1000 = arith.addf %convert_element_type3A_998, %convert_element_type3A_999 : vector<1x512xf32>
    %convert_element_type3A_1001 = arith.extf %broadcast_in_dim3A_997 : vector<1x512xbf16> to vector<1x512xf32>
    %add3A_1002 = arith.addf %add3A_1000, %convert_element_type3A_1001 : vector<1x512xf32>
    %ge3A_1003 = vector.broadcast %scan3A_13 : f32 to vector<1x512xf32>
    %ge3A_1004 = arith.cmpf oge, %add3A_1002, %ge3A_1003 : vector<1x512xf32>
    %select_n3A_1005 = arith.select %ge3A_1004, %shift_right_arithmetic3A_972, %select_n3A_925 : vector<1x512xi1>, vector<1x512xi32>
    %select_n3A_1006 = arith.select %ge3A_1004, %select_n3A_926, %shift_right_arithmetic3A_972 : vector<1x512xi1>, vector<1x512xi32>
    %add3A_1007 = arith.addi %select_n3A_967, %select_n3A_963 : vector<1x512xi32>
    %shift_right_arithmetic3A_1008 = arith.constant 1 : i32
    %shift_right_arithmetic3A_1009 = vector.broadcast %shift_right_arithmetic3A_1008 : i32 to vector<1x512xi32>
    %shift_right_arithmetic3A_1010 = arith.shrsi %add3A_1007, %shift_right_arithmetic3A_1009 : vector<1x512xi32>
    %convert_element_type3A_1011 = arith.trunci %shift_right_arithmetic3A_1010 : vector<1x512xi32> to vector<1x512xi16>
    %bitcast_convert_type3A_1012 = tpu.bitcast %convert_element_type3A_1011 : vector<1x512xi16> -> vector<1x512xbf16>
    %le3A_1013 = vector.broadcast %bitcast_convert_type3A_1012 : vector<1x512xbf16> to vector<576x512xbf16>
    %le3A_1014 = arith.cmpf ole, %bitcast_convert_type3A_4, %le3A_1013 : vector<576x512xbf16>
    %slice3A_1015 = vector.extract_strided_slice %le3A_1014 {offsets = [0, 0], sizes = [192, 512], strides = [1, 1]} : vector<576x512xi1> to vector<192x512xi1>
    %broadcast_in_dim3A_1016 = vector.broadcast %scan3A : bf16 to vector<192x512xbf16>
    %broadcast_in_dim3A_1017 = vector.broadcast %scan3A_12 : bf16 to vector<192x512xbf16>
    %select_n3A_1018 = arith.select %slice3A_1015, %broadcast_in_dim3A_1016, %broadcast_in_dim3A_1017 : vector<192x512xi1>, vector<192x512xbf16>
    %reduce_sum3A_1019 = arith.constant dense<0.000000e+00> : vector<512xbf16>
    %reduce_sum3A_1020 = vector.multi_reduction <add>, %select_n3A_1018, %reduce_sum3A_1019 [0] : vector<192x512xbf16> to vector<512xbf16>
    %broadcast_in_dim3A_1021 = vector.shape_cast %reduce_sum3A_1020 : vector<512xbf16> to vector<1x512xbf16>
    %slice3A_1022 = vector.extract_strided_slice %le3A_1014 {offsets = [192, 0], sizes = [192, 512], strides = [1, 1]} : vector<576x512xi1> to vector<192x512xi1>
    %broadcast_in_dim3A_1023 = vector.broadcast %scan3A : bf16 to vector<192x512xbf16>
    %broadcast_in_dim3A_1024 = vector.broadcast %scan3A_12 : bf16 to vector<192x512xbf16>
    %select_n3A_1025 = arith.select %slice3A_1022, %broadcast_in_dim3A_1023, %broadcast_in_dim3A_1024 : vector<192x512xi1>, vector<192x512xbf16>
    %reduce_sum3A_1026 = arith.constant dense<0.000000e+00> : vector<512xbf16>
    %reduce_sum3A_1027 = vector.multi_reduction <add>, %select_n3A_1025, %reduce_sum3A_1026 [0] : vector<192x512xbf16> to vector<512xbf16>
    %broadcast_in_dim3A_1028 = vector.shape_cast %reduce_sum3A_1027 : vector<512xbf16> to vector<1x512xbf16>
    %slice3A_1029 = vector.extract_strided_slice %le3A_1014 {offsets = [384, 0], sizes = [192, 512], strides = [1, 1]} : vector<576x512xi1> to vector<192x512xi1>
    %broadcast_in_dim3A_1030 = vector.broadcast %scan3A : bf16 to vector<192x512xbf16>
    %broadcast_in_dim3A_1031 = vector.broadcast %scan3A_12 : bf16 to vector<192x512xbf16>
    %select_n3A_1032 = arith.select %slice3A_1029, %broadcast_in_dim3A_1030, %broadcast_in_dim3A_1031 : vector<192x512xi1>, vector<192x512xbf16>
    %reduce_sum3A_1033 = arith.constant dense<0.000000e+00> : vector<512xbf16>
    %reduce_sum3A_1034 = vector.multi_reduction <add>, %select_n3A_1032, %reduce_sum3A_1033 [0] : vector<192x512xbf16> to vector<512xbf16>
    %broadcast_in_dim3A_1035 = vector.shape_cast %reduce_sum3A_1034 : vector<512xbf16> to vector<1x512xbf16>
    %convert_element_type3A_1036 = arith.extf %broadcast_in_dim3A_1021 : vector<1x512xbf16> to vector<1x512xf32>
    %convert_element_type3A_1037 = arith.extf %broadcast_in_dim3A_1028 : vector<1x512xbf16> to vector<1x512xf32>
    %add3A_1038 = arith.addf %convert_element_type3A_1036, %convert_element_type3A_1037 : vector<1x512xf32>
    %convert_element_type3A_1039 = arith.extf %broadcast_in_dim3A_1035 : vector<1x512xbf16> to vector<1x512xf32>
    %add3A_1040 = arith.addf %add3A_1038, %convert_element_type3A_1039 : vector<1x512xf32>
    %ge3A_1041 = vector.broadcast %scan3A_13 : f32 to vector<1x512xf32>
    %ge3A_1042 = arith.cmpf oge, %add3A_1040, %ge3A_1041 : vector<1x512xf32>
    %select_n3A_1043 = arith.select %ge3A_1042, %shift_right_arithmetic3A_1010, %select_n3A_963 : vector<1x512xi1>, vector<1x512xi32>
    %add3A_1044 = arith.constant 1 : i32
    %add3A_1045 = vector.broadcast %add3A_1044 : i32 to vector<1x512xi32>
    %add3A_1046 = arith.addi %shift_right_arithmetic3A_1010, %add3A_1045 : vector<1x512xi32>
    %select_n3A_1047 = arith.select %ge3A_1042, %select_n3A_967, %add3A_1046 : vector<1x512xi1>, vector<1x512xi32>
    %scan3A_1048 = arith.constant 13 : i32
    %add3A_1049 = arith.addi %select_n3A_1005, %select_n3A_1006 : vector<1x512xi32>
    %shift_right_arithmetic3A_1050 = arith.constant 1 : i32
    %shift_right_arithmetic3A_1051 = vector.broadcast %shift_right_arithmetic3A_1050 : i32 to vector<1x512xi32>
    %shift_right_arithmetic3A_1052 = arith.shrsi %add3A_1049, %shift_right_arithmetic3A_1051 : vector<1x512xi32>
    %convert_element_type3A_1053 = arith.trunci %shift_right_arithmetic3A_1052 : vector<1x512xi32> to vector<1x512xi16>
    %bitcast_convert_type3A_1054 = tpu.bitcast %convert_element_type3A_1053 : vector<1x512xi16> -> vector<1x512xbf16>
    %ge3A_1055 = vector.broadcast %bitcast_convert_type3A_1054 : vector<1x512xbf16> to vector<576x512xbf16>
    %ge3A_1056 = arith.cmpf oge, %bitcast_convert_type3A_4, %ge3A_1055 : vector<576x512xbf16>
    %slice3A_1057 = vector.extract_strided_slice %ge3A_1056 {offsets = [0, 0], sizes = [192, 512], strides = [1, 1]} : vector<576x512xi1> to vector<192x512xi1>
    %broadcast_in_dim3A_1058 = vector.broadcast %scan3A : bf16 to vector<192x512xbf16>
    %broadcast_in_dim3A_1059 = vector.broadcast %scan3A_12 : bf16 to vector<192x512xbf16>
    %select_n3A_1060 = arith.select %slice3A_1057, %broadcast_in_dim3A_1058, %broadcast_in_dim3A_1059 : vector<192x512xi1>, vector<192x512xbf16>
    %reduce_sum3A_1061 = arith.constant dense<0.000000e+00> : vector<512xbf16>
    %reduce_sum3A_1062 = vector.multi_reduction <add>, %select_n3A_1060, %reduce_sum3A_1061 [0] : vector<192x512xbf16> to vector<512xbf16>
    %broadcast_in_dim3A_1063 = vector.shape_cast %reduce_sum3A_1062 : vector<512xbf16> to vector<1x512xbf16>
    %slice3A_1064 = vector.extract_strided_slice %ge3A_1056 {offsets = [192, 0], sizes = [192, 512], strides = [1, 1]} : vector<576x512xi1> to vector<192x512xi1>
    %broadcast_in_dim3A_1065 = vector.broadcast %scan3A : bf16 to vector<192x512xbf16>
    %broadcast_in_dim3A_1066 = vector.broadcast %scan3A_12 : bf16 to vector<192x512xbf16>
    %select_n3A_1067 = arith.select %slice3A_1064, %broadcast_in_dim3A_1065, %broadcast_in_dim3A_1066 : vector<192x512xi1>, vector<192x512xbf16>
    %reduce_sum3A_1068 = arith.constant dense<0.000000e+00> : vector<512xbf16>
    %reduce_sum3A_1069 = vector.multi_reduction <add>, %select_n3A_1067, %reduce_sum3A_1068 [0] : vector<192x512xbf16> to vector<512xbf16>
    %broadcast_in_dim3A_1070 = vector.shape_cast %reduce_sum3A_1069 : vector<512xbf16> to vector<1x512xbf16>
    %slice3A_1071 = vector.extract_strided_slice %ge3A_1056 {offsets = [384, 0], sizes = [192, 512], strides = [1, 1]} : vector<576x512xi1> to vector<192x512xi1>
    %broadcast_in_dim3A_1072 = vector.broadcast %scan3A : bf16 to vector<192x512xbf16>
    %broadcast_in_dim3A_1073 = vector.broadcast %scan3A_12 : bf16 to vector<192x512xbf16>
    %select_n3A_1074 = arith.select %slice3A_1071, %broadcast_in_dim3A_1072, %broadcast_in_dim3A_1073 : vector<192x512xi1>, vector<192x512xbf16>
    %reduce_sum3A_1075 = arith.constant dense<0.000000e+00> : vector<512xbf16>
    %reduce_sum3A_1076 = vector.multi_reduction <add>, %select_n3A_1074, %reduce_sum3A_1075 [0] : vector<192x512xbf16> to vector<512xbf16>
    %broadcast_in_dim3A_1077 = vector.shape_cast %reduce_sum3A_1076 : vector<512xbf16> to vector<1x512xbf16>
    %convert_element_type3A_1078 = arith.extf %broadcast_in_dim3A_1063 : vector<1x512xbf16> to vector<1x512xf32>
    %convert_element_type3A_1079 = arith.extf %broadcast_in_dim3A_1070 : vector<1x512xbf16> to vector<1x512xf32>
    %add3A_1080 = arith.addf %convert_element_type3A_1078, %convert_element_type3A_1079 : vector<1x512xf32>
    %convert_element_type3A_1081 = arith.extf %broadcast_in_dim3A_1077 : vector<1x512xbf16> to vector<1x512xf32>
    %add3A_1082 = arith.addf %add3A_1080, %convert_element_type3A_1081 : vector<1x512xf32>
    %ge3A_1083 = vector.broadcast %scan3A_13 : f32 to vector<1x512xf32>
    %ge3A_1084 = arith.cmpf oge, %add3A_1082, %ge3A_1083 : vector<1x512xf32>
    %select_n3A_1085 = arith.select %ge3A_1084, %shift_right_arithmetic3A_1052, %select_n3A_1005 : vector<1x512xi1>, vector<1x512xi32>
    %select_n3A_1086 = arith.select %ge3A_1084, %select_n3A_1006, %shift_right_arithmetic3A_1052 : vector<1x512xi1>, vector<1x512xi32>
    %add3A_1087 = arith.addi %select_n3A_1047, %select_n3A_1043 : vector<1x512xi32>
    %shift_right_arithmetic3A_1088 = arith.constant 1 : i32
    %shift_right_arithmetic3A_1089 = vector.broadcast %shift_right_arithmetic3A_1088 : i32 to vector<1x512xi32>
    %shift_right_arithmetic3A_1090 = arith.shrsi %add3A_1087, %shift_right_arithmetic3A_1089 : vector<1x512xi32>
    %convert_element_type3A_1091 = arith.trunci %shift_right_arithmetic3A_1090 : vector<1x512xi32> to vector<1x512xi16>
    %bitcast_convert_type3A_1092 = tpu.bitcast %convert_element_type3A_1091 : vector<1x512xi16> -> vector<1x512xbf16>
    %le3A_1093 = vector.broadcast %bitcast_convert_type3A_1092 : vector<1x512xbf16> to vector<576x512xbf16>
    %le3A_1094 = arith.cmpf ole, %bitcast_convert_type3A_4, %le3A_1093 : vector<576x512xbf16>
    %slice3A_1095 = vector.extract_strided_slice %le3A_1094 {offsets = [0, 0], sizes = [192, 512], strides = [1, 1]} : vector<576x512xi1> to vector<192x512xi1>
    %broadcast_in_dim3A_1096 = vector.broadcast %scan3A : bf16 to vector<192x512xbf16>
    %broadcast_in_dim3A_1097 = vector.broadcast %scan3A_12 : bf16 to vector<192x512xbf16>
    %select_n3A_1098 = arith.select %slice3A_1095, %broadcast_in_dim3A_1096, %broadcast_in_dim3A_1097 : vector<192x512xi1>, vector<192x512xbf16>
    %reduce_sum3A_1099 = arith.constant dense<0.000000e+00> : vector<512xbf16>
    %reduce_sum3A_1100 = vector.multi_reduction <add>, %select_n3A_1098, %reduce_sum3A_1099 [0] : vector<192x512xbf16> to vector<512xbf16>
    %broadcast_in_dim3A_1101 = vector.shape_cast %reduce_sum3A_1100 : vector<512xbf16> to vector<1x512xbf16>
    %slice3A_1102 = vector.extract_strided_slice %le3A_1094 {offsets = [192, 0], sizes = [192, 512], strides = [1, 1]} : vector<576x512xi1> to vector<192x512xi1>
    %broadcast_in_dim3A_1103 = vector.broadcast %scan3A : bf16 to vector<192x512xbf16>
    %broadcast_in_dim3A_1104 = vector.broadcast %scan3A_12 : bf16 to vector<192x512xbf16>
    %select_n3A_1105 = arith.select %slice3A_1102, %broadcast_in_dim3A_1103, %broadcast_in_dim3A_1104 : vector<192x512xi1>, vector<192x512xbf16>
    %reduce_sum3A_1106 = arith.constant dense<0.000000e+00> : vector<512xbf16>
    %reduce_sum3A_1107 = vector.multi_reduction <add>, %select_n3A_1105, %reduce_sum3A_1106 [0] : vector<192x512xbf16> to vector<512xbf16>
    %broadcast_in_dim3A_1108 = vector.shape_cast %reduce_sum3A_1107 : vector<512xbf16> to vector<1x512xbf16>
    %slice3A_1109 = vector.extract_strided_slice %le3A_1094 {offsets = [384, 0], sizes = [192, 512], strides = [1, 1]} : vector<576x512xi1> to vector<192x512xi1>
    %broadcast_in_dim3A_1110 = vector.broadcast %scan3A : bf16 to vector<192x512xbf16>
    %broadcast_in_dim3A_1111 = vector.broadcast %scan3A_12 : bf16 to vector<192x512xbf16>
    %select_n3A_1112 = arith.select %slice3A_1109, %broadcast_in_dim3A_1110, %broadcast_in_dim3A_1111 : vector<192x512xi1>, vector<192x512xbf16>
    %reduce_sum3A_1113 = arith.constant dense<0.000000e+00> : vector<512xbf16>
    %reduce_sum3A_1114 = vector.multi_reduction <add>, %select_n3A_1112, %reduce_sum3A_1113 [0] : vector<192x512xbf16> to vector<512xbf16>
    %broadcast_in_dim3A_1115 = vector.shape_cast %reduce_sum3A_1114 : vector<512xbf16> to vector<1x512xbf16>
    %convert_element_type3A_1116 = arith.extf %broadcast_in_dim3A_1101 : vector<1x512xbf16> to vector<1x512xf32>
    %convert_element_type3A_1117 = arith.extf %broadcast_in_dim3A_1108 : vector<1x512xbf16> to vector<1x512xf32>
    %add3A_1118 = arith.addf %convert_element_type3A_1116, %convert_element_type3A_1117 : vector<1x512xf32>
    %convert_element_type3A_1119 = arith.extf %broadcast_in_dim3A_1115 : vector<1x512xbf16> to vector<1x512xf32>
    %add3A_1120 = arith.addf %add3A_1118, %convert_element_type3A_1119 : vector<1x512xf32>
    %ge3A_1121 = vector.broadcast %scan3A_13 : f32 to vector<1x512xf32>
    %ge3A_1122 = arith.cmpf oge, %add3A_1120, %ge3A_1121 : vector<1x512xf32>
    %select_n3A_1123 = arith.select %ge3A_1122, %shift_right_arithmetic3A_1090, %select_n3A_1043 : vector<1x512xi1>, vector<1x512xi32>
    %add3A_1124 = arith.constant 1 : i32
    %add3A_1125 = vector.broadcast %add3A_1124 : i32 to vector<1x512xi32>
    %add3A_1126 = arith.addi %shift_right_arithmetic3A_1090, %add3A_1125 : vector<1x512xi32>
    %select_n3A_1127 = arith.select %ge3A_1122, %select_n3A_1047, %add3A_1126 : vector<1x512xi1>, vector<1x512xi32>
    %shift_left3A = arith.constant 16 : i32
    %shift_left3A_1128 = vector.broadcast %shift_left3A : i32 to vector<1x512xi32>
    %shift_left3A_1129 = arith.shli %select_n3A_1085, %shift_left3A_1128 : vector<1x512xi32>
    %add3A_1130 = arith.constant 1 : i32
    %add3A_1131 = vector.broadcast %add3A_1130 : i32 to vector<1x512xi32>
    %add3A_1132 = arith.addi %select_n3A_1085, %add3A_1131 : vector<1x512xi32>
    %shift_left3A_1133 = arith.constant 16 : i32
    %shift_left3A_1134 = vector.broadcast %shift_left3A_1133 : i32 to vector<1x512xi32>
    %shift_left3A_1135 = arith.shli %add3A_1132, %shift_left3A_1134 : vector<1x512xi32>
    %shift_left3A_1136 = arith.constant 16 : i32
    %shift_left3A_1137 = vector.broadcast %shift_left3A_1136 : i32 to vector<1x512xi32>
    %shift_left3A_1138 = arith.shli %select_n3A_1127, %shift_left3A_1137 : vector<1x512xi32>
    %add3A_1139 = arith.constant 1 : i32
    %add3A_1140 = vector.broadcast %add3A_1139 : i32 to vector<1x512xi32>
    %add3A_1141 = arith.addi %select_n3A_1127, %add3A_1140 : vector<1x512xi32>
    %shift_left3A_1142 = arith.constant 16 : i32
    %shift_left3A_1143 = vector.broadcast %shift_left3A_1142 : i32 to vector<1x512xi32>
    %shift_left3A_1144 = arith.shli %add3A_1141, %shift_left3A_1143 : vector<1x512xi32>
    %sub3A = arith.constant 1 : i32
    %sub3A_1145 = vector.broadcast %sub3A : i32 to vector<1x512xi32>
    %sub3A_1146 = arith.subi %shift_left3A_1144, %sub3A_1145 : vector<1x512xi32>
    %scan3A_1147 = arith.constant 58 : i32
    %scan3A_1148 = arith.constant 0 : i32
    %add3A_1149 = arith.addi %shift_left3A_1129, %shift_left3A_1135 : vector<1x512xi32>
    %shift_right_arithmetic3A_1150 = arith.constant 1 : i32
    %shift_right_arithmetic3A_1151 = vector.broadcast %shift_right_arithmetic3A_1150 : i32 to vector<1x512xi32>
    %shift_right_arithmetic3A_1152 = arith.shrsi %add3A_1149, %shift_right_arithmetic3A_1151 : vector<1x512xi32>
    %ge3A_1153 = vector.broadcast %shift_right_arithmetic3A_1152 : vector<1x512xi32> to vector<576x512xi32>
    %ge3A_1154 = arith.cmpi sge, %bitcast_convert_type3A, %ge3A_1153 : vector<576x512xi32>
    %convert_element_type3A_1155 = arith.extui %ge3A_1154 : vector<576x512xi1> to vector<576x512xi32>
    %reduce_sum3A_1156 = arith.constant dense<0> : vector<512xi32>
    %reduce_sum3A_1157 = vector.multi_reduction <add>, %convert_element_type3A_1155, %reduce_sum3A_1156 [0] : vector<576x512xi32> to vector<512xi32>
    %broadcast_in_dim3A_1158 = vector.shape_cast %reduce_sum3A_1157 : vector<512xi32> to vector<1x512xi32>
    %ge3A_1159 = vector.broadcast %scan3A_1147 : i32 to vector<1x512xi32>
    %ge3A_1160 = arith.cmpi sge, %broadcast_in_dim3A_1158, %ge3A_1159 : vector<1x512xi32>
    %select_n3A_1161 = arith.select %ge3A_1160, %shift_right_arithmetic3A_1152, %shift_left3A_1129 : vector<1x512xi1>, vector<1x512xi32>
    %select_n3A_1162 = arith.select %ge3A_1160, %shift_left3A_1135, %shift_right_arithmetic3A_1152 : vector<1x512xi1>, vector<1x512xi32>
    %add3A_1163 = arith.addi %shift_left3A_1138, %sub3A_1146 : vector<1x512xi32>
    %shift_right_arithmetic3A_1164 = arith.constant 1 : i32
    %shift_right_arithmetic3A_1165 = vector.broadcast %shift_right_arithmetic3A_1164 : i32 to vector<1x512xi32>
    %shift_right_arithmetic3A_1166 = arith.shrsi %add3A_1163, %shift_right_arithmetic3A_1165 : vector<1x512xi32>
    %le3A_1167 = vector.broadcast %shift_right_arithmetic3A_1166 : vector<1x512xi32> to vector<576x512xi32>
    %le3A_1168 = arith.cmpi sle, %bitcast_convert_type3A, %le3A_1167 : vector<576x512xi32>
    %convert_element_type3A_1169 = arith.extui %le3A_1168 : vector<576x512xi1> to vector<576x512xi32>
    %reduce_sum3A_1170 = arith.constant dense<0> : vector<512xi32>
    %reduce_sum3A_1171 = vector.multi_reduction <add>, %convert_element_type3A_1169, %reduce_sum3A_1170 [0] : vector<576x512xi32> to vector<512xi32>
    %broadcast_in_dim3A_1172 = vector.shape_cast %reduce_sum3A_1171 : vector<512xi32> to vector<1x512xi32>
    %ge3A_1173 = vector.broadcast %scan3A_1147 : i32 to vector<1x512xi32>
    %ge3A_1174 = arith.cmpi sge, %broadcast_in_dim3A_1172, %ge3A_1173 : vector<1x512xi32>
    %select_n3A_1175 = arith.select %ge3A_1174, %shift_right_arithmetic3A_1166, %sub3A_1146 : vector<1x512xi1>, vector<1x512xi32>
    %add3A_1176 = arith.constant 1 : i32
    %add3A_1177 = vector.broadcast %add3A_1176 : i32 to vector<1x512xi32>
    %add3A_1178 = arith.addi %shift_right_arithmetic3A_1166, %add3A_1177 : vector<1x512xi32>
    %select_n3A_1179 = arith.select %ge3A_1174, %shift_left3A_1138, %add3A_1178 : vector<1x512xi1>, vector<1x512xi32>
    %scan3A_1180 = arith.constant 1 : i32
    %add3A_1181 = arith.addi %select_n3A_1161, %select_n3A_1162 : vector<1x512xi32>
    %shift_right_arithmetic3A_1182 = arith.constant 1 : i32
    %shift_right_arithmetic3A_1183 = vector.broadcast %shift_right_arithmetic3A_1182 : i32 to vector<1x512xi32>
    %shift_right_arithmetic3A_1184 = arith.shrsi %add3A_1181, %shift_right_arithmetic3A_1183 : vector<1x512xi32>
    %ge3A_1185 = vector.broadcast %shift_right_arithmetic3A_1184 : vector<1x512xi32> to vector<576x512xi32>
    %ge3A_1186 = arith.cmpi sge, %bitcast_convert_type3A, %ge3A_1185 : vector<576x512xi32>
    %convert_element_type3A_1187 = arith.extui %ge3A_1186 : vector<576x512xi1> to vector<576x512xi32>
    %reduce_sum3A_1188 = arith.constant dense<0> : vector<512xi32>
    %reduce_sum3A_1189 = vector.multi_reduction <add>, %convert_element_type3A_1187, %reduce_sum3A_1188 [0] : vector<576x512xi32> to vector<512xi32>
    %broadcast_in_dim3A_1190 = vector.shape_cast %reduce_sum3A_1189 : vector<512xi32> to vector<1x512xi32>
    %ge3A_1191 = vector.broadcast %scan3A_1147 : i32 to vector<1x512xi32>
    %ge3A_1192 = arith.cmpi sge, %broadcast_in_dim3A_1190, %ge3A_1191 : vector<1x512xi32>
    %select_n3A_1193 = arith.select %ge3A_1192, %shift_right_arithmetic3A_1184, %select_n3A_1161 : vector<1x512xi1>, vector<1x512xi32>
    %select_n3A_1194 = arith.select %ge3A_1192, %select_n3A_1162, %shift_right_arithmetic3A_1184 : vector<1x512xi1>, vector<1x512xi32>
    %add3A_1195 = arith.addi %select_n3A_1179, %select_n3A_1175 : vector<1x512xi32>
    %shift_right_arithmetic3A_1196 = arith.constant 1 : i32
    %shift_right_arithmetic3A_1197 = vector.broadcast %shift_right_arithmetic3A_1196 : i32 to vector<1x512xi32>
    %shift_right_arithmetic3A_1198 = arith.shrsi %add3A_1195, %shift_right_arithmetic3A_1197 : vector<1x512xi32>
    %le3A_1199 = vector.broadcast %shift_right_arithmetic3A_1198 : vector<1x512xi32> to vector<576x512xi32>
    %le3A_1200 = arith.cmpi sle, %bitcast_convert_type3A, %le3A_1199 : vector<576x512xi32>
    %convert_element_type3A_1201 = arith.extui %le3A_1200 : vector<576x512xi1> to vector<576x512xi32>
    %reduce_sum3A_1202 = arith.constant dense<0> : vector<512xi32>
    %reduce_sum3A_1203 = vector.multi_reduction <add>, %convert_element_type3A_1201, %reduce_sum3A_1202 [0] : vector<576x512xi32> to vector<512xi32>
    %broadcast_in_dim3A_1204 = vector.shape_cast %reduce_sum3A_1203 : vector<512xi32> to vector<1x512xi32>
    %ge3A_1205 = vector.broadcast %scan3A_1147 : i32 to vector<1x512xi32>
    %ge3A_1206 = arith.cmpi sge, %broadcast_in_dim3A_1204, %ge3A_1205 : vector<1x512xi32>
    %select_n3A_1207 = arith.select %ge3A_1206, %shift_right_arithmetic3A_1198, %select_n3A_1175 : vector<1x512xi1>, vector<1x512xi32>
    %add3A_1208 = arith.constant 1 : i32
    %add3A_1209 = vector.broadcast %add3A_1208 : i32 to vector<1x512xi32>
    %add3A_1210 = arith.addi %shift_right_arithmetic3A_1198, %add3A_1209 : vector<1x512xi32>
    %select_n3A_1211 = arith.select %ge3A_1206, %select_n3A_1179, %add3A_1210 : vector<1x512xi1>, vector<1x512xi32>
    %sub3A_1212 = vector.broadcast %select_n3A_1193 : vector<1x512xi32> to vector<576x512xi32>
    %sub3A_1213 = arith.subi %bitcast_convert_type3A, %sub3A_1212 : vector<576x512xi32>
    %jit3A = arith.constant 0 : i32
    %jit3A_1214 = arith.constant 16384 : i32
    %max3A = vector.broadcast %jit3A : i32 to vector<576x512xi32>
    %max3A_1215 = arith.maxsi %max3A, %sub3A_1213 : vector<576x512xi32>
    %min3A = vector.broadcast %jit3A_1214 : i32 to vector<576x512xi32>
    %min3A_1216 = arith.minsi %min3A, %max3A_1215 : vector<576x512xi32>
    %convert_element_type3A_1217 = arith.trunci %min3A_1216 : vector<576x512xi32> to vector<576x512xi16>
    %bitcast_convert_type3A_1218 = tpu.bitcast %convert_element_type3A_1217 : vector<576x512xi16> -> vector<576x512xbf16>
    %sub3A_1219 = vector.broadcast %select_n3A_1211 : vector<1x512xi32> to vector<576x512xi32>
    %sub3A_1220 = arith.subi %bitcast_convert_type3A, %sub3A_1219 : vector<576x512xi32>
    %jit3A_1221 = arith.constant 0 : i32
    %jit3A_1222 = arith.constant 16384 : i32
    %max3A_1223 = vector.broadcast %jit3A_1221 : i32 to vector<576x512xi32>
    %max3A_1224 = arith.maxsi %max3A_1223, %sub3A_1220 : vector<576x512xi32>
    %min3A_1225 = vector.broadcast %jit3A_1222 : i32 to vector<576x512xi32>
    %min3A_1226 = arith.minsi %min3A_1225, %max3A_1224 : vector<576x512xi32>
    %convert_element_type3A_1227 = arith.trunci %min3A_1226 : vector<576x512xi32> to vector<576x512xi16>
    %bitcast_convert_type3A_1228 = tpu.bitcast %convert_element_type3A_1227 : vector<576x512xi16> -> vector<576x512xbf16>
    %broadcast_in_dim3A_1229 = arith.constant 0 : i32
    %broadcast_in_dim3A_1230 = vector.broadcast %broadcast_in_dim3A_1229 : i32 to vector<1x512xi32>
    %broadcast_in_dim3A_1231 = arith.constant 16384 : i32
    %broadcast_in_dim3A_1232 = vector.broadcast %broadcast_in_dim3A_1231 : i32 to vector<1x512xi32>
    %broadcast_in_dim3A_1233 = arith.constant 0 : i32
    %broadcast_in_dim3A_1234 = vector.broadcast %broadcast_in_dim3A_1233 : i32 to vector<1x512xi32>
    %sub3A_1235 = arith.subi %select_n3A_1207, %select_n3A_1211 : vector<1x512xi32>
    %scan3A_1236 = arith.constant 1.000000e+00 : bf16
    %scan3A_1237 = arith.constant 0.000000e+00 : bf16
    %scan3A_1238 = arith.constant 5.800000e+01 : f32
    %scan3A_1239 = arith.constant 0 : i32
    %add3A_1240 = arith.addi %broadcast_in_dim3A_1230, %broadcast_in_dim3A_1232 : vector<1x512xi32>
    %shift_right_arithmetic3A_1241 = arith.constant 1 : i32
    %shift_right_arithmetic3A_1242 = vector.broadcast %shift_right_arithmetic3A_1241 : i32 to vector<1x512xi32>
    %shift_right_arithmetic3A_1243 = arith.shrsi %add3A_1240, %shift_right_arithmetic3A_1242 : vector<1x512xi32>
    %convert_element_type3A_1244 = arith.trunci %shift_right_arithmetic3A_1243 : vector<1x512xi32> to vector<1x512xi16>
    %bitcast_convert_type3A_1245 = tpu.bitcast %convert_element_type3A_1244 : vector<1x512xi16> -> vector<1x512xbf16>
    %ge3A_1246 = vector.broadcast %bitcast_convert_type3A_1245 : vector<1x512xbf16> to vector<576x512xbf16>
    %ge3A_1247 = arith.cmpf oge, %bitcast_convert_type3A_1218, %ge3A_1246 : vector<576x512xbf16>
    %slice3A_1248 = vector.extract_strided_slice %ge3A_1247 {offsets = [0, 0], sizes = [192, 512], strides = [1, 1]} : vector<576x512xi1> to vector<192x512xi1>
    %broadcast_in_dim3A_1249 = vector.broadcast %scan3A_1236 : bf16 to vector<192x512xbf16>
    %broadcast_in_dim3A_1250 = vector.broadcast %scan3A_1237 : bf16 to vector<192x512xbf16>
    %select_n3A_1251 = arith.select %slice3A_1248, %broadcast_in_dim3A_1249, %broadcast_in_dim3A_1250 : vector<192x512xi1>, vector<192x512xbf16>
    %reduce_sum3A_1252 = arith.constant dense<0.000000e+00> : vector<512xbf16>
    %reduce_sum3A_1253 = vector.multi_reduction <add>, %select_n3A_1251, %reduce_sum3A_1252 [0] : vector<192x512xbf16> to vector<512xbf16>
    %broadcast_in_dim3A_1254 = vector.shape_cast %reduce_sum3A_1253 : vector<512xbf16> to vector<1x512xbf16>
    %slice3A_1255 = vector.extract_strided_slice %ge3A_1247 {offsets = [192, 0], sizes = [192, 512], strides = [1, 1]} : vector<576x512xi1> to vector<192x512xi1>
    %broadcast_in_dim3A_1256 = vector.broadcast %scan3A_1236 : bf16 to vector<192x512xbf16>
    %broadcast_in_dim3A_1257 = vector.broadcast %scan3A_1237 : bf16 to vector<192x512xbf16>
    %select_n3A_1258 = arith.select %slice3A_1255, %broadcast_in_dim3A_1256, %broadcast_in_dim3A_1257 : vector<192x512xi1>, vector<192x512xbf16>
    %reduce_sum3A_1259 = arith.constant dense<0.000000e+00> : vector<512xbf16>
    %reduce_sum3A_1260 = vector.multi_reduction <add>, %select_n3A_1258, %reduce_sum3A_1259 [0] : vector<192x512xbf16> to vector<512xbf16>
    %broadcast_in_dim3A_1261 = vector.shape_cast %reduce_sum3A_1260 : vector<512xbf16> to vector<1x512xbf16>
    %slice3A_1262 = vector.extract_strided_slice %ge3A_1247 {offsets = [384, 0], sizes = [192, 512], strides = [1, 1]} : vector<576x512xi1> to vector<192x512xi1>
    %broadcast_in_dim3A_1263 = vector.broadcast %scan3A_1236 : bf16 to vector<192x512xbf16>
    %broadcast_in_dim3A_1264 = vector.broadcast %scan3A_1237 : bf16 to vector<192x512xbf16>
    %select_n3A_1265 = arith.select %slice3A_1262, %broadcast_in_dim3A_1263, %broadcast_in_dim3A_1264 : vector<192x512xi1>, vector<192x512xbf16>
    %reduce_sum3A_1266 = arith.constant dense<0.000000e+00> : vector<512xbf16>
    %reduce_sum3A_1267 = vector.multi_reduction <add>, %select_n3A_1265, %reduce_sum3A_1266 [0] : vector<192x512xbf16> to vector<512xbf16>
    %broadcast_in_dim3A_1268 = vector.shape_cast %reduce_sum3A_1267 : vector<512xbf16> to vector<1x512xbf16>
    %convert_element_type3A_1269 = arith.extf %broadcast_in_dim3A_1254 : vector<1x512xbf16> to vector<1x512xf32>
    %convert_element_type3A_1270 = arith.extf %broadcast_in_dim3A_1261 : vector<1x512xbf16> to vector<1x512xf32>
    %add3A_1271 = arith.addf %convert_element_type3A_1269, %convert_element_type3A_1270 : vector<1x512xf32>
    %convert_element_type3A_1272 = arith.extf %broadcast_in_dim3A_1268 : vector<1x512xbf16> to vector<1x512xf32>
    %add3A_1273 = arith.addf %add3A_1271, %convert_element_type3A_1272 : vector<1x512xf32>
    %ge3A_1274 = vector.broadcast %scan3A_1238 : f32 to vector<1x512xf32>
    %ge3A_1275 = arith.cmpf oge, %add3A_1273, %ge3A_1274 : vector<1x512xf32>
    %select_n3A_1276 = arith.select %ge3A_1275, %shift_right_arithmetic3A_1243, %broadcast_in_dim3A_1230 : vector<1x512xi1>, vector<1x512xi32>
    %select_n3A_1277 = arith.select %ge3A_1275, %broadcast_in_dim3A_1232, %shift_right_arithmetic3A_1243 : vector<1x512xi1>, vector<1x512xi32>
    %add3A_1278 = arith.addi %broadcast_in_dim3A_1234, %sub3A_1235 : vector<1x512xi32>
    %shift_right_arithmetic3A_1279 = arith.constant 1 : i32
    %shift_right_arithmetic3A_1280 = vector.broadcast %shift_right_arithmetic3A_1279 : i32 to vector<1x512xi32>
    %shift_right_arithmetic3A_1281 = arith.shrsi %add3A_1278, %shift_right_arithmetic3A_1280 : vector<1x512xi32>
    %convert_element_type3A_1282 = arith.trunci %shift_right_arithmetic3A_1281 : vector<1x512xi32> to vector<1x512xi16>
    %bitcast_convert_type3A_1283 = tpu.bitcast %convert_element_type3A_1282 : vector<1x512xi16> -> vector<1x512xbf16>
    %le3A_1284 = vector.broadcast %bitcast_convert_type3A_1283 : vector<1x512xbf16> to vector<576x512xbf16>
    %le3A_1285 = arith.cmpf ole, %bitcast_convert_type3A_1228, %le3A_1284 : vector<576x512xbf16>
    %slice3A_1286 = vector.extract_strided_slice %le3A_1285 {offsets = [0, 0], sizes = [192, 512], strides = [1, 1]} : vector<576x512xi1> to vector<192x512xi1>
    %broadcast_in_dim3A_1287 = vector.broadcast %scan3A_1236 : bf16 to vector<192x512xbf16>
    %broadcast_in_dim3A_1288 = vector.broadcast %scan3A_1237 : bf16 to vector<192x512xbf16>
    %select_n3A_1289 = arith.select %slice3A_1286, %broadcast_in_dim3A_1287, %broadcast_in_dim3A_1288 : vector<192x512xi1>, vector<192x512xbf16>
    %reduce_sum3A_1290 = arith.constant dense<0.000000e+00> : vector<512xbf16>
    %reduce_sum3A_1291 = vector.multi_reduction <add>, %select_n3A_1289, %reduce_sum3A_1290 [0] : vector<192x512xbf16> to vector<512xbf16>
    %broadcast_in_dim3A_1292 = vector.shape_cast %reduce_sum3A_1291 : vector<512xbf16> to vector<1x512xbf16>
    %slice3A_1293 = vector.extract_strided_slice %le3A_1285 {offsets = [192, 0], sizes = [192, 512], strides = [1, 1]} : vector<576x512xi1> to vector<192x512xi1>
    %broadcast_in_dim3A_1294 = vector.broadcast %scan3A_1236 : bf16 to vector<192x512xbf16>
    %broadcast_in_dim3A_1295 = vector.broadcast %scan3A_1237 : bf16 to vector<192x512xbf16>
    %select_n3A_1296 = arith.select %slice3A_1293, %broadcast_in_dim3A_1294, %broadcast_in_dim3A_1295 : vector<192x512xi1>, vector<192x512xbf16>
    %reduce_sum3A_1297 = arith.constant dense<0.000000e+00> : vector<512xbf16>
    %reduce_sum3A_1298 = vector.multi_reduction <add>, %select_n3A_1296, %reduce_sum3A_1297 [0] : vector<192x512xbf16> to vector<512xbf16>
    %broadcast_in_dim3A_1299 = vector.shape_cast %reduce_sum3A_1298 : vector<512xbf16> to vector<1x512xbf16>
    %slice3A_1300 = vector.extract_strided_slice %le3A_1285 {offsets = [384, 0], sizes = [192, 512], strides = [1, 1]} : vector<576x512xi1> to vector<192x512xi1>
    %broadcast_in_dim3A_1301 = vector.broadcast %scan3A_1236 : bf16 to vector<192x512xbf16>
    %broadcast_in_dim3A_1302 = vector.broadcast %scan3A_1237 : bf16 to vector<192x512xbf16>
    %select_n3A_1303 = arith.select %slice3A_1300, %broadcast_in_dim3A_1301, %broadcast_in_dim3A_1302 : vector<192x512xi1>, vector<192x512xbf16>
    %reduce_sum3A_1304 = arith.constant dense<0.000000e+00> : vector<512xbf16>
    %reduce_sum3A_1305 = vector.multi_reduction <add>, %select_n3A_1303, %reduce_sum3A_1304 [0] : vector<192x512xbf16> to vector<512xbf16>
    %broadcast_in_dim3A_1306 = vector.shape_cast %reduce_sum3A_1305 : vector<512xbf16> to vector<1x512xbf16>
    %convert_element_type3A_1307 = arith.extf %broadcast_in_dim3A_1292 : vector<1x512xbf16> to vector<1x512xf32>
    %convert_element_type3A_1308 = arith.extf %broadcast_in_dim3A_1299 : vector<1x512xbf16> to vector<1x512xf32>
    %add3A_1309 = arith.addf %convert_element_type3A_1307, %convert_element_type3A_1308 : vector<1x512xf32>
    %convert_element_type3A_1310 = arith.extf %broadcast_in_dim3A_1306 : vector<1x512xbf16> to vector<1x512xf32>
    %add3A_1311 = arith.addf %add3A_1309, %convert_element_type3A_1310 : vector<1x512xf32>
    %ge3A_1312 = vector.broadcast %scan3A_1238 : f32 to vector<1x512xf32>
    %ge3A_1313 = arith.cmpf oge, %add3A_1311, %ge3A_1312 : vector<1x512xf32>
    %select_n3A_1314 = arith.select %ge3A_1313, %shift_right_arithmetic3A_1281, %sub3A_1235 : vector<1x512xi1>, vector<1x512xi32>
    %add3A_1315 = arith.constant 1 : i32
    %add3A_1316 = vector.broadcast %add3A_1315 : i32 to vector<1x512xi32>
    %add3A_1317 = arith.addi %shift_right_arithmetic3A_1281, %add3A_1316 : vector<1x512xi32>
    %select_n3A_1318 = arith.select %ge3A_1313, %broadcast_in_dim3A_1234, %add3A_1317 : vector<1x512xi1>, vector<1x512xi32>
    %scan3A_1319 = arith.constant 1 : i32
    %add3A_1320 = arith.addi %select_n3A_1276, %select_n3A_1277 : vector<1x512xi32>
    %shift_right_arithmetic3A_1321 = arith.constant 1 : i32
    %shift_right_arithmetic3A_1322 = vector.broadcast %shift_right_arithmetic3A_1321 : i32 to vector<1x512xi32>
    %shift_right_arithmetic3A_1323 = arith.shrsi %add3A_1320, %shift_right_arithmetic3A_1322 : vector<1x512xi32>
    %convert_element_type3A_1324 = arith.trunci %shift_right_arithmetic3A_1323 : vector<1x512xi32> to vector<1x512xi16>
    %bitcast_convert_type3A_1325 = tpu.bitcast %convert_element_type3A_1324 : vector<1x512xi16> -> vector<1x512xbf16>
    %ge3A_1326 = vector.broadcast %bitcast_convert_type3A_1325 : vector<1x512xbf16> to vector<576x512xbf16>
    %ge3A_1327 = arith.cmpf oge, %bitcast_convert_type3A_1218, %ge3A_1326 : vector<576x512xbf16>
    %slice3A_1328 = vector.extract_strided_slice %ge3A_1327 {offsets = [0, 0], sizes = [192, 512], strides = [1, 1]} : vector<576x512xi1> to vector<192x512xi1>
    %broadcast_in_dim3A_1329 = vector.broadcast %scan3A_1236 : bf16 to vector<192x512xbf16>
    %broadcast_in_dim3A_1330 = vector.broadcast %scan3A_1237 : bf16 to vector<192x512xbf16>
    %select_n3A_1331 = arith.select %slice3A_1328, %broadcast_in_dim3A_1329, %broadcast_in_dim3A_1330 : vector<192x512xi1>, vector<192x512xbf16>
    %reduce_sum3A_1332 = arith.constant dense<0.000000e+00> : vector<512xbf16>
    %reduce_sum3A_1333 = vector.multi_reduction <add>, %select_n3A_1331, %reduce_sum3A_1332 [0] : vector<192x512xbf16> to vector<512xbf16>
    %broadcast_in_dim3A_1334 = vector.shape_cast %reduce_sum3A_1333 : vector<512xbf16> to vector<1x512xbf16>
    %slice3A_1335 = vector.extract_strided_slice %ge3A_1327 {offsets = [192, 0], sizes = [192, 512], strides = [1, 1]} : vector<576x512xi1> to vector<192x512xi1>
    %broadcast_in_dim3A_1336 = vector.broadcast %scan3A_1236 : bf16 to vector<192x512xbf16>
    %broadcast_in_dim3A_1337 = vector.broadcast %scan3A_1237 : bf16 to vector<192x512xbf16>
    %select_n3A_1338 = arith.select %slice3A_1335, %broadcast_in_dim3A_1336, %broadcast_in_dim3A_1337 : vector<192x512xi1>, vector<192x512xbf16>
    %reduce_sum3A_1339 = arith.constant dense<0.000000e+00> : vector<512xbf16>
    %reduce_sum3A_1340 = vector.multi_reduction <add>, %select_n3A_1338, %reduce_sum3A_1339 [0] : vector<192x512xbf16> to vector<512xbf16>
    %broadcast_in_dim3A_1341 = vector.shape_cast %reduce_sum3A_1340 : vector<512xbf16> to vector<1x512xbf16>
    %slice3A_1342 = vector.extract_strided_slice %ge3A_1327 {offsets = [384, 0], sizes = [192, 512], strides = [1, 1]} : vector<576x512xi1> to vector<192x512xi1>
    %broadcast_in_dim3A_1343 = vector.broadcast %scan3A_1236 : bf16 to vector<192x512xbf16>
    %broadcast_in_dim3A_1344 = vector.broadcast %scan3A_1237 : bf16 to vector<192x512xbf16>
    %select_n3A_1345 = arith.select %slice3A_1342, %broadcast_in_dim3A_1343, %broadcast_in_dim3A_1344 : vector<192x512xi1>, vector<192x512xbf16>
    %reduce_sum3A_1346 = arith.constant dense<0.000000e+00> : vector<512xbf16>
    %reduce_sum3A_1347 = vector.multi_reduction <add>, %select_n3A_1345, %reduce_sum3A_1346 [0] : vector<192x512xbf16> to vector<512xbf16>
    %broadcast_in_dim3A_1348 = vector.shape_cast %reduce_sum3A_1347 : vector<512xbf16> to vector<1x512xbf16>
    %convert_element_type3A_1349 = arith.extf %broadcast_in_dim3A_1334 : vector<1x512xbf16> to vector<1x512xf32>
    %convert_element_type3A_1350 = arith.extf %broadcast_in_dim3A_1341 : vector<1x512xbf16> to vector<1x512xf32>
    %add3A_1351 = arith.addf %convert_element_type3A_1349, %convert_element_type3A_1350 : vector<1x512xf32>
    %convert_element_type3A_1352 = arith.extf %broadcast_in_dim3A_1348 : vector<1x512xbf16> to vector<1x512xf32>
    %add3A_1353 = arith.addf %add3A_1351, %convert_element_type3A_1352 : vector<1x512xf32>
    %ge3A_1354 = vector.broadcast %scan3A_1238 : f32 to vector<1x512xf32>
    %ge3A_1355 = arith.cmpf oge, %add3A_1353, %ge3A_1354 : vector<1x512xf32>
    %select_n3A_1356 = arith.select %ge3A_1355, %shift_right_arithmetic3A_1323, %select_n3A_1276 : vector<1x512xi1>, vector<1x512xi32>
    %select_n3A_1357 = arith.select %ge3A_1355, %select_n3A_1277, %shift_right_arithmetic3A_1323 : vector<1x512xi1>, vector<1x512xi32>
    %add3A_1358 = arith.addi %select_n3A_1318, %select_n3A_1314 : vector<1x512xi32>
    %shift_right_arithmetic3A_1359 = arith.constant 1 : i32
    %shift_right_arithmetic3A_1360 = vector.broadcast %shift_right_arithmetic3A_1359 : i32 to vector<1x512xi32>
    %shift_right_arithmetic3A_1361 = arith.shrsi %add3A_1358, %shift_right_arithmetic3A_1360 : vector<1x512xi32>
    %convert_element_type3A_1362 = arith.trunci %shift_right_arithmetic3A_1361 : vector<1x512xi32> to vector<1x512xi16>
    %bitcast_convert_type3A_1363 = tpu.bitcast %convert_element_type3A_1362 : vector<1x512xi16> -> vector<1x512xbf16>
    %le3A_1364 = vector.broadcast %bitcast_convert_type3A_1363 : vector<1x512xbf16> to vector<576x512xbf16>
    %le3A_1365 = arith.cmpf ole, %bitcast_convert_type3A_1228, %le3A_1364 : vector<576x512xbf16>
    %slice3A_1366 = vector.extract_strided_slice %le3A_1365 {offsets = [0, 0], sizes = [192, 512], strides = [1, 1]} : vector<576x512xi1> to vector<192x512xi1>
    %broadcast_in_dim3A_1367 = vector.broadcast %scan3A_1236 : bf16 to vector<192x512xbf16>
    %broadcast_in_dim3A_1368 = vector.broadcast %scan3A_1237 : bf16 to vector<192x512xbf16>
    %select_n3A_1369 = arith.select %slice3A_1366, %broadcast_in_dim3A_1367, %broadcast_in_dim3A_1368 : vector<192x512xi1>, vector<192x512xbf16>
    %reduce_sum3A_1370 = arith.constant dense<0.000000e+00> : vector<512xbf16>
    %reduce_sum3A_1371 = vector.multi_reduction <add>, %select_n3A_1369, %reduce_sum3A_1370 [0] : vector<192x512xbf16> to vector<512xbf16>
    %broadcast_in_dim3A_1372 = vector.shape_cast %reduce_sum3A_1371 : vector<512xbf16> to vector<1x512xbf16>
    %slice3A_1373 = vector.extract_strided_slice %le3A_1365 {offsets = [192, 0], sizes = [192, 512], strides = [1, 1]} : vector<576x512xi1> to vector<192x512xi1>
    %broadcast_in_dim3A_1374 = vector.broadcast %scan3A_1236 : bf16 to vector<192x512xbf16>
    %broadcast_in_dim3A_1375 = vector.broadcast %scan3A_1237 : bf16 to vector<192x512xbf16>
    %select_n3A_1376 = arith.select %slice3A_1373, %broadcast_in_dim3A_1374, %broadcast_in_dim3A_1375 : vector<192x512xi1>, vector<192x512xbf16>
    %reduce_sum3A_1377 = arith.constant dense<0.000000e+00> : vector<512xbf16>
    %reduce_sum3A_1378 = vector.multi_reduction <add>, %select_n3A_1376, %reduce_sum3A_1377 [0] : vector<192x512xbf16> to vector<512xbf16>
    %broadcast_in_dim3A_1379 = vector.shape_cast %reduce_sum3A_1378 : vector<512xbf16> to vector<1x512xbf16>
    %slice3A_1380 = vector.extract_strided_slice %le3A_1365 {offsets = [384, 0], sizes = [192, 512], strides = [1, 1]} : vector<576x512xi1> to vector<192x512xi1>
    %broadcast_in_dim3A_1381 = vector.broadcast %scan3A_1236 : bf16 to vector<192x512xbf16>
    %broadcast_in_dim3A_1382 = vector.broadcast %scan3A_1237 : bf16 to vector<192x512xbf16>
    %select_n3A_1383 = arith.select %slice3A_1380, %broadcast_in_dim3A_1381, %broadcast_in_dim3A_1382 : vector<192x512xi1>, vector<192x512xbf16>
    %reduce_sum3A_1384 = arith.constant dense<0.000000e+00> : vector<512xbf16>
    %reduce_sum3A_1385 = vector.multi_reduction <add>, %select_n3A_1383, %reduce_sum3A_1384 [0] : vector<192x512xbf16> to vector<512xbf16>
    %broadcast_in_dim3A_1386 = vector.shape_cast %reduce_sum3A_1385 : vector<512xbf16> to vector<1x512xbf16>
    %convert_element_type3A_1387 = arith.extf %broadcast_in_dim3A_1372 : vector<1x512xbf16> to vector<1x512xf32>
    %convert_element_type3A_1388 = arith.extf %broadcast_in_dim3A_1379 : vector<1x512xbf16> to vector<1x512xf32>
    %add3A_1389 = arith.addf %convert_element_type3A_1387, %convert_element_type3A_1388 : vector<1x512xf32>
    %convert_element_type3A_1390 = arith.extf %broadcast_in_dim3A_1386 : vector<1x512xbf16> to vector<1x512xf32>
    %add3A_1391 = arith.addf %add3A_1389, %convert_element_type3A_1390 : vector<1x512xf32>
    %ge3A_1392 = vector.broadcast %scan3A_1238 : f32 to vector<1x512xf32>
    %ge3A_1393 = arith.cmpf oge, %add3A_1391, %ge3A_1392 : vector<1x512xf32>
    %select_n3A_1394 = arith.select %ge3A_1393, %shift_right_arithmetic3A_1361, %select_n3A_1314 : vector<1x512xi1>, vector<1x512xi32>
    %add3A_1395 = arith.constant 1 : i32
    %add3A_1396 = vector.broadcast %add3A_1395 : i32 to vector<1x512xi32>
    %add3A_1397 = arith.addi %shift_right_arithmetic3A_1361, %add3A_1396 : vector<1x512xi32>
    %select_n3A_1398 = arith.select %ge3A_1393, %select_n3A_1318, %add3A_1397 : vector<1x512xi1>, vector<1x512xi32>
    %scan3A_1399 = arith.constant 2 : i32
    %add3A_1400 = arith.addi %select_n3A_1356, %select_n3A_1357 : vector<1x512xi32>
    %shift_right_arithmetic3A_1401 = arith.constant 1 : i32
    %shift_right_arithmetic3A_1402 = vector.broadcast %shift_right_arithmetic3A_1401 : i32 to vector<1x512xi32>
    %shift_right_arithmetic3A_1403 = arith.shrsi %add3A_1400, %shift_right_arithmetic3A_1402 : vector<1x512xi32>
    %convert_element_type3A_1404 = arith.trunci %shift_right_arithmetic3A_1403 : vector<1x512xi32> to vector<1x512xi16>
    %bitcast_convert_type3A_1405 = tpu.bitcast %convert_element_type3A_1404 : vector<1x512xi16> -> vector<1x512xbf16>
    %ge3A_1406 = vector.broadcast %bitcast_convert_type3A_1405 : vector<1x512xbf16> to vector<576x512xbf16>
    %ge3A_1407 = arith.cmpf oge, %bitcast_convert_type3A_1218, %ge3A_1406 : vector<576x512xbf16>
    %slice3A_1408 = vector.extract_strided_slice %ge3A_1407 {offsets = [0, 0], sizes = [192, 512], strides = [1, 1]} : vector<576x512xi1> to vector<192x512xi1>
    %broadcast_in_dim3A_1409 = vector.broadcast %scan3A_1236 : bf16 to vector<192x512xbf16>
    %broadcast_in_dim3A_1410 = vector.broadcast %scan3A_1237 : bf16 to vector<192x512xbf16>
    %select_n3A_1411 = arith.select %slice3A_1408, %broadcast_in_dim3A_1409, %broadcast_in_dim3A_1410 : vector<192x512xi1>, vector<192x512xbf16>
    %reduce_sum3A_1412 = arith.constant dense<0.000000e+00> : vector<512xbf16>
    %reduce_sum3A_1413 = vector.multi_reduction <add>, %select_n3A_1411, %reduce_sum3A_1412 [0] : vector<192x512xbf16> to vector<512xbf16>
    %broadcast_in_dim3A_1414 = vector.shape_cast %reduce_sum3A_1413 : vector<512xbf16> to vector<1x512xbf16>
    %slice3A_1415 = vector.extract_strided_slice %ge3A_1407 {offsets = [192, 0], sizes = [192, 512], strides = [1, 1]} : vector<576x512xi1> to vector<192x512xi1>
    %broadcast_in_dim3A_1416 = vector.broadcast %scan3A_1236 : bf16 to vector<192x512xbf16>
    %broadcast_in_dim3A_1417 = vector.broadcast %scan3A_1237 : bf16 to vector<192x512xbf16>
    %select_n3A_1418 = arith.select %slice3A_1415, %broadcast_in_dim3A_1416, %broadcast_in_dim3A_1417 : vector<192x512xi1>, vector<192x512xbf16>
    %reduce_sum3A_1419 = arith.constant dense<0.000000e+00> : vector<512xbf16>
    %reduce_sum3A_1420 = vector.multi_reduction <add>, %select_n3A_1418, %reduce_sum3A_1419 [0] : vector<192x512xbf16> to vector<512xbf16>
    %broadcast_in_dim3A_1421 = vector.shape_cast %reduce_sum3A_1420 : vector<512xbf16> to vector<1x512xbf16>
    %slice3A_1422 = vector.extract_strided_slice %ge3A_1407 {offsets = [384, 0], sizes = [192, 512], strides = [1, 1]} : vector<576x512xi1> to vector<192x512xi1>
    %broadcast_in_dim3A_1423 = vector.broadcast %scan3A_1236 : bf16 to vector<192x512xbf16>
    %broadcast_in_dim3A_1424 = vector.broadcast %scan3A_1237 : bf16 to vector<192x512xbf16>
    %select_n3A_1425 = arith.select %slice3A_1422, %broadcast_in_dim3A_1423, %broadcast_in_dim3A_1424 : vector<192x512xi1>, vector<192x512xbf16>
    %reduce_sum3A_1426 = arith.constant dense<0.000000e+00> : vector<512xbf16>
    %reduce_sum3A_1427 = vector.multi_reduction <add>, %select_n3A_1425, %reduce_sum3A_1426 [0] : vector<192x512xbf16> to vector<512xbf16>
    %broadcast_in_dim3A_1428 = vector.shape_cast %reduce_sum3A_1427 : vector<512xbf16> to vector<1x512xbf16>
    %convert_element_type3A_1429 = arith.extf %broadcast_in_dim3A_1414 : vector<1x512xbf16> to vector<1x512xf32>
    %convert_element_type3A_1430 = arith.extf %broadcast_in_dim3A_1421 : vector<1x512xbf16> to vector<1x512xf32>
    %add3A_1431 = arith.addf %convert_element_type3A_1429, %convert_element_type3A_1430 : vector<1x512xf32>
    %convert_element_type3A_1432 = arith.extf %broadcast_in_dim3A_1428 : vector<1x512xbf16> to vector<1x512xf32>
    %add3A_1433 = arith.addf %add3A_1431, %convert_element_type3A_1432 : vector<1x512xf32>
    %ge3A_1434 = vector.broadcast %scan3A_1238 : f32 to vector<1x512xf32>
    %ge3A_1435 = arith.cmpf oge, %add3A_1433, %ge3A_1434 : vector<1x512xf32>
    %select_n3A_1436 = arith.select %ge3A_1435, %shift_right_arithmetic3A_1403, %select_n3A_1356 : vector<1x512xi1>, vector<1x512xi32>
    %select_n3A_1437 = arith.select %ge3A_1435, %select_n3A_1357, %shift_right_arithmetic3A_1403 : vector<1x512xi1>, vector<1x512xi32>
    %add3A_1438 = arith.addi %select_n3A_1398, %select_n3A_1394 : vector<1x512xi32>
    %shift_right_arithmetic3A_1439 = arith.constant 1 : i32
    %shift_right_arithmetic3A_1440 = vector.broadcast %shift_right_arithmetic3A_1439 : i32 to vector<1x512xi32>
    %shift_right_arithmetic3A_1441 = arith.shrsi %add3A_1438, %shift_right_arithmetic3A_1440 : vector<1x512xi32>
    %convert_element_type3A_1442 = arith.trunci %shift_right_arithmetic3A_1441 : vector<1x512xi32> to vector<1x512xi16>
    %bitcast_convert_type3A_1443 = tpu.bitcast %convert_element_type3A_1442 : vector<1x512xi16> -> vector<1x512xbf16>
    %le3A_1444 = vector.broadcast %bitcast_convert_type3A_1443 : vector<1x512xbf16> to vector<576x512xbf16>
    %le3A_1445 = arith.cmpf ole, %bitcast_convert_type3A_1228, %le3A_1444 : vector<576x512xbf16>
    %slice3A_1446 = vector.extract_strided_slice %le3A_1445 {offsets = [0, 0], sizes = [192, 512], strides = [1, 1]} : vector<576x512xi1> to vector<192x512xi1>
    %broadcast_in_dim3A_1447 = vector.broadcast %scan3A_1236 : bf16 to vector<192x512xbf16>
    %broadcast_in_dim3A_1448 = vector.broadcast %scan3A_1237 : bf16 to vector<192x512xbf16>
    %select_n3A_1449 = arith.select %slice3A_1446, %broadcast_in_dim3A_1447, %broadcast_in_dim3A_1448 : vector<192x512xi1>, vector<192x512xbf16>
    %reduce_sum3A_1450 = arith.constant dense<0.000000e+00> : vector<512xbf16>
    %reduce_sum3A_1451 = vector.multi_reduction <add>, %select_n3A_1449, %reduce_sum3A_1450 [0] : vector<192x512xbf16> to vector<512xbf16>
    %broadcast_in_dim3A_1452 = vector.shape_cast %reduce_sum3A_1451 : vector<512xbf16> to vector<1x512xbf16>
    %slice3A_1453 = vector.extract_strided_slice %le3A_1445 {offsets = [192, 0], sizes = [192, 512], strides = [1, 1]} : vector<576x512xi1> to vector<192x512xi1>
    %broadcast_in_dim3A_1454 = vector.broadcast %scan3A_1236 : bf16 to vector<192x512xbf16>
    %broadcast_in_dim3A_1455 = vector.broadcast %scan3A_1237 : bf16 to vector<192x512xbf16>
    %select_n3A_1456 = arith.select %slice3A_1453, %broadcast_in_dim3A_1454, %broadcast_in_dim3A_1455 : vector<192x512xi1>, vector<192x512xbf16>
    %reduce_sum3A_1457 = arith.constant dense<0.000000e+00> : vector<512xbf16>
    %reduce_sum3A_1458 = vector.multi_reduction <add>, %select_n3A_1456, %reduce_sum3A_1457 [0] : vector<192x512xbf16> to vector<512xbf16>
    %broadcast_in_dim3A_1459 = vector.shape_cast %reduce_sum3A_1458 : vector<512xbf16> to vector<1x512xbf16>
    %slice3A_1460 = vector.extract_strided_slice %le3A_1445 {offsets = [384, 0], sizes = [192, 512], strides = [1, 1]} : vector<576x512xi1> to vector<192x512xi1>
    %broadcast_in_dim3A_1461 = vector.broadcast %scan3A_1236 : bf16 to vector<192x512xbf16>
    %broadcast_in_dim3A_1462 = vector.broadcast %scan3A_1237 : bf16 to vector<192x512xbf16>
    %select_n3A_1463 = arith.select %slice3A_1460, %broadcast_in_dim3A_1461, %broadcast_in_dim3A_1462 : vector<192x512xi1>, vector<192x512xbf16>
    %reduce_sum3A_1464 = arith.constant dense<0.000000e+00> : vector<512xbf16>
    %reduce_sum3A_1465 = vector.multi_reduction <add>, %select_n3A_1463, %reduce_sum3A_1464 [0] : vector<192x512xbf16> to vector<512xbf16>
    %broadcast_in_dim3A_1466 = vector.shape_cast %reduce_sum3A_1465 : vector<512xbf16> to vector<1x512xbf16>
    %convert_element_type3A_1467 = arith.extf %broadcast_in_dim3A_1452 : vector<1x512xbf16> to vector<1x512xf32>
    %convert_element_type3A_1468 = arith.extf %broadcast_in_dim3A_1459 : vector<1x512xbf16> to vector<1x512xf32>
    %add3A_1469 = arith.addf %convert_element_type3A_1467, %convert_element_type3A_1468 : vector<1x512xf32>
    %convert_element_type3A_1470 = arith.extf %broadcast_in_dim3A_1466 : vector<1x512xbf16> to vector<1x512xf32>
    %add3A_1471 = arith.addf %add3A_1469, %convert_element_type3A_1470 : vector<1x512xf32>
    %ge3A_1472 = vector.broadcast %scan3A_1238 : f32 to vector<1x512xf32>
    %ge3A_1473 = arith.cmpf oge, %add3A_1471, %ge3A_1472 : vector<1x512xf32>
    %select_n3A_1474 = arith.select %ge3A_1473, %shift_right_arithmetic3A_1441, %select_n3A_1394 : vector<1x512xi1>, vector<1x512xi32>
    %add3A_1475 = arith.constant 1 : i32
    %add3A_1476 = vector.broadcast %add3A_1475 : i32 to vector<1x512xi32>
    %add3A_1477 = arith.addi %shift_right_arithmetic3A_1441, %add3A_1476 : vector<1x512xi32>
    %select_n3A_1478 = arith.select %ge3A_1473, %select_n3A_1398, %add3A_1477 : vector<1x512xi1>, vector<1x512xi32>
    %scan3A_1479 = arith.constant 3 : i32
    %add3A_1480 = arith.addi %select_n3A_1436, %select_n3A_1437 : vector<1x512xi32>
    %shift_right_arithmetic3A_1481 = arith.constant 1 : i32
    %shift_right_arithmetic3A_1482 = vector.broadcast %shift_right_arithmetic3A_1481 : i32 to vector<1x512xi32>
    %shift_right_arithmetic3A_1483 = arith.shrsi %add3A_1480, %shift_right_arithmetic3A_1482 : vector<1x512xi32>
    %convert_element_type3A_1484 = arith.trunci %shift_right_arithmetic3A_1483 : vector<1x512xi32> to vector<1x512xi16>
    %bitcast_convert_type3A_1485 = tpu.bitcast %convert_element_type3A_1484 : vector<1x512xi16> -> vector<1x512xbf16>
    %ge3A_1486 = vector.broadcast %bitcast_convert_type3A_1485 : vector<1x512xbf16> to vector<576x512xbf16>
    %ge3A_1487 = arith.cmpf oge, %bitcast_convert_type3A_1218, %ge3A_1486 : vector<576x512xbf16>
    %slice3A_1488 = vector.extract_strided_slice %ge3A_1487 {offsets = [0, 0], sizes = [192, 512], strides = [1, 1]} : vector<576x512xi1> to vector<192x512xi1>
    %broadcast_in_dim3A_1489 = vector.broadcast %scan3A_1236 : bf16 to vector<192x512xbf16>
    %broadcast_in_dim3A_1490 = vector.broadcast %scan3A_1237 : bf16 to vector<192x512xbf16>
    %select_n3A_1491 = arith.select %slice3A_1488, %broadcast_in_dim3A_1489, %broadcast_in_dim3A_1490 : vector<192x512xi1>, vector<192x512xbf16>
    %reduce_sum3A_1492 = arith.constant dense<0.000000e+00> : vector<512xbf16>
    %reduce_sum3A_1493 = vector.multi_reduction <add>, %select_n3A_1491, %reduce_sum3A_1492 [0] : vector<192x512xbf16> to vector<512xbf16>
    %broadcast_in_dim3A_1494 = vector.shape_cast %reduce_sum3A_1493 : vector<512xbf16> to vector<1x512xbf16>
    %slice3A_1495 = vector.extract_strided_slice %ge3A_1487 {offsets = [192, 0], sizes = [192, 512], strides = [1, 1]} : vector<576x512xi1> to vector<192x512xi1>
    %broadcast_in_dim3A_1496 = vector.broadcast %scan3A_1236 : bf16 to vector<192x512xbf16>
    %broadcast_in_dim3A_1497 = vector.broadcast %scan3A_1237 : bf16 to vector<192x512xbf16>
    %select_n3A_1498 = arith.select %slice3A_1495, %broadcast_in_dim3A_1496, %broadcast_in_dim3A_1497 : vector<192x512xi1>, vector<192x512xbf16>
    %reduce_sum3A_1499 = arith.constant dense<0.000000e+00> : vector<512xbf16>
    %reduce_sum3A_1500 = vector.multi_reduction <add>, %select_n3A_1498, %reduce_sum3A_1499 [0] : vector<192x512xbf16> to vector<512xbf16>
    %broadcast_in_dim3A_1501 = vector.shape_cast %reduce_sum3A_1500 : vector<512xbf16> to vector<1x512xbf16>
    %slice3A_1502 = vector.extract_strided_slice %ge3A_1487 {offsets = [384, 0], sizes = [192, 512], strides = [1, 1]} : vector<576x512xi1> to vector<192x512xi1>
    %broadcast_in_dim3A_1503 = vector.broadcast %scan3A_1236 : bf16 to vector<192x512xbf16>
    %broadcast_in_dim3A_1504 = vector.broadcast %scan3A_1237 : bf16 to vector<192x512xbf16>
    %select_n3A_1505 = arith.select %slice3A_1502, %broadcast_in_dim3A_1503, %broadcast_in_dim3A_1504 : vector<192x512xi1>, vector<192x512xbf16>
    %reduce_sum3A_1506 = arith.constant dense<0.000000e+00> : vector<512xbf16>
    %reduce_sum3A_1507 = vector.multi_reduction <add>, %select_n3A_1505, %reduce_sum3A_1506 [0] : vector<192x512xbf16> to vector<512xbf16>
    %broadcast_in_dim3A_1508 = vector.shape_cast %reduce_sum3A_1507 : vector<512xbf16> to vector<1x512xbf16>
    %convert_element_type3A_1509 = arith.extf %broadcast_in_dim3A_1494 : vector<1x512xbf16> to vector<1x512xf32>
    %convert_element_type3A_1510 = arith.extf %broadcast_in_dim3A_1501 : vector<1x512xbf16> to vector<1x512xf32>
    %add3A_1511 = arith.addf %convert_element_type3A_1509, %convert_element_type3A_1510 : vector<1x512xf32>
    %convert_element_type3A_1512 = arith.extf %broadcast_in_dim3A_1508 : vector<1x512xbf16> to vector<1x512xf32>
    %add3A_1513 = arith.addf %add3A_1511, %convert_element_type3A_1512 : vector<1x512xf32>
    %ge3A_1514 = vector.broadcast %scan3A_1238 : f32 to vector<1x512xf32>
    %ge3A_1515 = arith.cmpf oge, %add3A_1513, %ge3A_1514 : vector<1x512xf32>
    %select_n3A_1516 = arith.select %ge3A_1515, %shift_right_arithmetic3A_1483, %select_n3A_1436 : vector<1x512xi1>, vector<1x512xi32>
    %select_n3A_1517 = arith.select %ge3A_1515, %select_n3A_1437, %shift_right_arithmetic3A_1483 : vector<1x512xi1>, vector<1x512xi32>
    %add3A_1518 = arith.addi %select_n3A_1478, %select_n3A_1474 : vector<1x512xi32>
    %shift_right_arithmetic3A_1519 = arith.constant 1 : i32
    %shift_right_arithmetic3A_1520 = vector.broadcast %shift_right_arithmetic3A_1519 : i32 to vector<1x512xi32>
    %shift_right_arithmetic3A_1521 = arith.shrsi %add3A_1518, %shift_right_arithmetic3A_1520 : vector<1x512xi32>
    %convert_element_type3A_1522 = arith.trunci %shift_right_arithmetic3A_1521 : vector<1x512xi32> to vector<1x512xi16>
    %bitcast_convert_type3A_1523 = tpu.bitcast %convert_element_type3A_1522 : vector<1x512xi16> -> vector<1x512xbf16>
    %le3A_1524 = vector.broadcast %bitcast_convert_type3A_1523 : vector<1x512xbf16> to vector<576x512xbf16>
    %le3A_1525 = arith.cmpf ole, %bitcast_convert_type3A_1228, %le3A_1524 : vector<576x512xbf16>
    %slice3A_1526 = vector.extract_strided_slice %le3A_1525 {offsets = [0, 0], sizes = [192, 512], strides = [1, 1]} : vector<576x512xi1> to vector<192x512xi1>
    %broadcast_in_dim3A_1527 = vector.broadcast %scan3A_1236 : bf16 to vector<192x512xbf16>
    %broadcast_in_dim3A_1528 = vector.broadcast %scan3A_1237 : bf16 to vector<192x512xbf16>
    %select_n3A_1529 = arith.select %slice3A_1526, %broadcast_in_dim3A_1527, %broadcast_in_dim3A_1528 : vector<192x512xi1>, vector<192x512xbf16>
    %reduce_sum3A_1530 = arith.constant dense<0.000000e+00> : vector<512xbf16>
    %reduce_sum3A_1531 = vector.multi_reduction <add>, %select_n3A_1529, %reduce_sum3A_1530 [0] : vector<192x512xbf16> to vector<512xbf16>
    %broadcast_in_dim3A_1532 = vector.shape_cast %reduce_sum3A_1531 : vector<512xbf16> to vector<1x512xbf16>
    %slice3A_1533 = vector.extract_strided_slice %le3A_1525 {offsets = [192, 0], sizes = [192, 512], strides = [1, 1]} : vector<576x512xi1> to vector<192x512xi1>
    %broadcast_in_dim3A_1534 = vector.broadcast %scan3A_1236 : bf16 to vector<192x512xbf16>
    %broadcast_in_dim3A_1535 = vector.broadcast %scan3A_1237 : bf16 to vector<192x512xbf16>
    %select_n3A_1536 = arith.select %slice3A_1533, %broadcast_in_dim3A_1534, %broadcast_in_dim3A_1535 : vector<192x512xi1>, vector<192x512xbf16>
    %reduce_sum3A_1537 = arith.constant dense<0.000000e+00> : vector<512xbf16>
    %reduce_sum3A_1538 = vector.multi_reduction <add>, %select_n3A_1536, %reduce_sum3A_1537 [0] : vector<192x512xbf16> to vector<512xbf16>
    %broadcast_in_dim3A_1539 = vector.shape_cast %reduce_sum3A_1538 : vector<512xbf16> to vector<1x512xbf16>
    %slice3A_1540 = vector.extract_strided_slice %le3A_1525 {offsets = [384, 0], sizes = [192, 512], strides = [1, 1]} : vector<576x512xi1> to vector<192x512xi1>
    %broadcast_in_dim3A_1541 = vector.broadcast %scan3A_1236 : bf16 to vector<192x512xbf16>
    %broadcast_in_dim3A_1542 = vector.broadcast %scan3A_1237 : bf16 to vector<192x512xbf16>
    %select_n3A_1543 = arith.select %slice3A_1540, %broadcast_in_dim3A_1541, %broadcast_in_dim3A_1542 : vector<192x512xi1>, vector<192x512xbf16>
    %reduce_sum3A_1544 = arith.constant dense<0.000000e+00> : vector<512xbf16>
    %reduce_sum3A_1545 = vector.multi_reduction <add>, %select_n3A_1543, %reduce_sum3A_1544 [0] : vector<192x512xbf16> to vector<512xbf16>
    %broadcast_in_dim3A_1546 = vector.shape_cast %reduce_sum3A_1545 : vector<512xbf16> to vector<1x512xbf16>
    %convert_element_type3A_1547 = arith.extf %broadcast_in_dim3A_1532 : vector<1x512xbf16> to vector<1x512xf32>
    %convert_element_type3A_1548 = arith.extf %broadcast_in_dim3A_1539 : vector<1x512xbf16> to vector<1x512xf32>
    %add3A_1549 = arith.addf %convert_element_type3A_1547, %convert_element_type3A_1548 : vector<1x512xf32>
    %convert_element_type3A_1550 = arith.extf %broadcast_in_dim3A_1546 : vector<1x512xbf16> to vector<1x512xf32>
    %add3A_1551 = arith.addf %add3A_1549, %convert_element_type3A_1550 : vector<1x512xf32>
    %ge3A_1552 = vector.broadcast %scan3A_1238 : f32 to vector<1x512xf32>
    %ge3A_1553 = arith.cmpf oge, %add3A_1551, %ge3A_1552 : vector<1x512xf32>
    %select_n3A_1554 = arith.select %ge3A_1553, %shift_right_arithmetic3A_1521, %select_n3A_1474 : vector<1x512xi1>, vector<1x512xi32>
    %add3A_1555 = arith.constant 1 : i32
    %add3A_1556 = vector.broadcast %add3A_1555 : i32 to vector<1x512xi32>
    %add3A_1557 = arith.addi %shift_right_arithmetic3A_1521, %add3A_1556 : vector<1x512xi32>
    %select_n3A_1558 = arith.select %ge3A_1553, %select_n3A_1478, %add3A_1557 : vector<1x512xi1>, vector<1x512xi32>
    %scan3A_1559 = arith.constant 4 : i32
    %add3A_1560 = arith.addi %select_n3A_1516, %select_n3A_1517 : vector<1x512xi32>
    %shift_right_arithmetic3A_1561 = arith.constant 1 : i32
    %shift_right_arithmetic3A_1562 = vector.broadcast %shift_right_arithmetic3A_1561 : i32 to vector<1x512xi32>
    %shift_right_arithmetic3A_1563 = arith.shrsi %add3A_1560, %shift_right_arithmetic3A_1562 : vector<1x512xi32>
    %convert_element_type3A_1564 = arith.trunci %shift_right_arithmetic3A_1563 : vector<1x512xi32> to vector<1x512xi16>
    %bitcast_convert_type3A_1565 = tpu.bitcast %convert_element_type3A_1564 : vector<1x512xi16> -> vector<1x512xbf16>
    %ge3A_1566 = vector.broadcast %bitcast_convert_type3A_1565 : vector<1x512xbf16> to vector<576x512xbf16>
    %ge3A_1567 = arith.cmpf oge, %bitcast_convert_type3A_1218, %ge3A_1566 : vector<576x512xbf16>
    %slice3A_1568 = vector.extract_strided_slice %ge3A_1567 {offsets = [0, 0], sizes = [192, 512], strides = [1, 1]} : vector<576x512xi1> to vector<192x512xi1>
    %broadcast_in_dim3A_1569 = vector.broadcast %scan3A_1236 : bf16 to vector<192x512xbf16>
    %broadcast_in_dim3A_1570 = vector.broadcast %scan3A_1237 : bf16 to vector<192x512xbf16>
    %select_n3A_1571 = arith.select %slice3A_1568, %broadcast_in_dim3A_1569, %broadcast_in_dim3A_1570 : vector<192x512xi1>, vector<192x512xbf16>
    %reduce_sum3A_1572 = arith.constant dense<0.000000e+00> : vector<512xbf16>
    %reduce_sum3A_1573 = vector.multi_reduction <add>, %select_n3A_1571, %reduce_sum3A_1572 [0] : vector<192x512xbf16> to vector<512xbf16>
    %broadcast_in_dim3A_1574 = vector.shape_cast %reduce_sum3A_1573 : vector<512xbf16> to vector<1x512xbf16>
    %slice3A_1575 = vector.extract_strided_slice %ge3A_1567 {offsets = [192, 0], sizes = [192, 512], strides = [1, 1]} : vector<576x512xi1> to vector<192x512xi1>
    %broadcast_in_dim3A_1576 = vector.broadcast %scan3A_1236 : bf16 to vector<192x512xbf16>
    %broadcast_in_dim3A_1577 = vector.broadcast %scan3A_1237 : bf16 to vector<192x512xbf16>
    %select_n3A_1578 = arith.select %slice3A_1575, %broadcast_in_dim3A_1576, %broadcast_in_dim3A_1577 : vector<192x512xi1>, vector<192x512xbf16>
    %reduce_sum3A_1579 = arith.constant dense<0.000000e+00> : vector<512xbf16>
    %reduce_sum3A_1580 = vector.multi_reduction <add>, %select_n3A_1578, %reduce_sum3A_1579 [0] : vector<192x512xbf16> to vector<512xbf16>
    %broadcast_in_dim3A_1581 = vector.shape_cast %reduce_sum3A_1580 : vector<512xbf16> to vector<1x512xbf16>
    %slice3A_1582 = vector.extract_strided_slice %ge3A_1567 {offsets = [384, 0], sizes = [192, 512], strides = [1, 1]} : vector<576x512xi1> to vector<192x512xi1>
    %broadcast_in_dim3A_1583 = vector.broadcast %scan3A_1236 : bf16 to vector<192x512xbf16>
    %broadcast_in_dim3A_1584 = vector.broadcast %scan3A_1237 : bf16 to vector<192x512xbf16>
    %select_n3A_1585 = arith.select %slice3A_1582, %broadcast_in_dim3A_1583, %broadcast_in_dim3A_1584 : vector<192x512xi1>, vector<192x512xbf16>
    %reduce_sum3A_1586 = arith.constant dense<0.000000e+00> : vector<512xbf16>
    %reduce_sum3A_1587 = vector.multi_reduction <add>, %select_n3A_1585, %reduce_sum3A_1586 [0] : vector<192x512xbf16> to vector<512xbf16>
    %broadcast_in_dim3A_1588 = vector.shape_cast %reduce_sum3A_1587 : vector<512xbf16> to vector<1x512xbf16>
    %convert_element_type3A_1589 = arith.extf %broadcast_in_dim3A_1574 : vector<1x512xbf16> to vector<1x512xf32>
    %convert_element_type3A_1590 = arith.extf %broadcast_in_dim3A_1581 : vector<1x512xbf16> to vector<1x512xf32>
    %add3A_1591 = arith.addf %convert_element_type3A_1589, %convert_element_type3A_1590 : vector<1x512xf32>
    %convert_element_type3A_1592 = arith.extf %broadcast_in_dim3A_1588 : vector<1x512xbf16> to vector<1x512xf32>
    %add3A_1593 = arith.addf %add3A_1591, %convert_element_type3A_1592 : vector<1x512xf32>
    %ge3A_1594 = vector.broadcast %scan3A_1238 : f32 to vector<1x512xf32>
    %ge3A_1595 = arith.cmpf oge, %add3A_1593, %ge3A_1594 : vector<1x512xf32>
    %select_n3A_1596 = arith.select %ge3A_1595, %shift_right_arithmetic3A_1563, %select_n3A_1516 : vector<1x512xi1>, vector<1x512xi32>
    %select_n3A_1597 = arith.select %ge3A_1595, %select_n3A_1517, %shift_right_arithmetic3A_1563 : vector<1x512xi1>, vector<1x512xi32>
    %add3A_1598 = arith.addi %select_n3A_1558, %select_n3A_1554 : vector<1x512xi32>
    %shift_right_arithmetic3A_1599 = arith.constant 1 : i32
    %shift_right_arithmetic3A_1600 = vector.broadcast %shift_right_arithmetic3A_1599 : i32 to vector<1x512xi32>
    %shift_right_arithmetic3A_1601 = arith.shrsi %add3A_1598, %shift_right_arithmetic3A_1600 : vector<1x512xi32>
    %convert_element_type3A_1602 = arith.trunci %shift_right_arithmetic3A_1601 : vector<1x512xi32> to vector<1x512xi16>
    %bitcast_convert_type3A_1603 = tpu.bitcast %convert_element_type3A_1602 : vector<1x512xi16> -> vector<1x512xbf16>
    %le3A_1604 = vector.broadcast %bitcast_convert_type3A_1603 : vector<1x512xbf16> to vector<576x512xbf16>
    %le3A_1605 = arith.cmpf ole, %bitcast_convert_type3A_1228, %le3A_1604 : vector<576x512xbf16>
    %slice3A_1606 = vector.extract_strided_slice %le3A_1605 {offsets = [0, 0], sizes = [192, 512], strides = [1, 1]} : vector<576x512xi1> to vector<192x512xi1>
    %broadcast_in_dim3A_1607 = vector.broadcast %scan3A_1236 : bf16 to vector<192x512xbf16>
    %broadcast_in_dim3A_1608 = vector.broadcast %scan3A_1237 : bf16 to vector<192x512xbf16>
    %select_n3A_1609 = arith.select %slice3A_1606, %broadcast_in_dim3A_1607, %broadcast_in_dim3A_1608 : vector<192x512xi1>, vector<192x512xbf16>
    %reduce_sum3A_1610 = arith.constant dense<0.000000e+00> : vector<512xbf16>
    %reduce_sum3A_1611 = vector.multi_reduction <add>, %select_n3A_1609, %reduce_sum3A_1610 [0] : vector<192x512xbf16> to vector<512xbf16>
    %broadcast_in_dim3A_1612 = vector.shape_cast %reduce_sum3A_1611 : vector<512xbf16> to vector<1x512xbf16>
    %slice3A_1613 = vector.extract_strided_slice %le3A_1605 {offsets = [192, 0], sizes = [192, 512], strides = [1, 1]} : vector<576x512xi1> to vector<192x512xi1>
    %broadcast_in_dim3A_1614 = vector.broadcast %scan3A_1236 : bf16 to vector<192x512xbf16>
    %broadcast_in_dim3A_1615 = vector.broadcast %scan3A_1237 : bf16 to vector<192x512xbf16>
    %select_n3A_1616 = arith.select %slice3A_1613, %broadcast_in_dim3A_1614, %broadcast_in_dim3A_1615 : vector<192x512xi1>, vector<192x512xbf16>
    %reduce_sum3A_1617 = arith.constant dense<0.000000e+00> : vector<512xbf16>
    %reduce_sum3A_1618 = vector.multi_reduction <add>, %select_n3A_1616, %reduce_sum3A_1617 [0] : vector<192x512xbf16> to vector<512xbf16>
    %broadcast_in_dim3A_1619 = vector.shape_cast %reduce_sum3A_1618 : vector<512xbf16> to vector<1x512xbf16>
    %slice3A_1620 = vector.extract_strided_slice %le3A_1605 {offsets = [384, 0], sizes = [192, 512], strides = [1, 1]} : vector<576x512xi1> to vector<192x512xi1>
    %broadcast_in_dim3A_1621 = vector.broadcast %scan3A_1236 : bf16 to vector<192x512xbf16>
    %broadcast_in_dim3A_1622 = vector.broadcast %scan3A_1237 : bf16 to vector<192x512xbf16>
    %select_n3A_1623 = arith.select %slice3A_1620, %broadcast_in_dim3A_1621, %broadcast_in_dim3A_1622 : vector<192x512xi1>, vector<192x512xbf16>
    %reduce_sum3A_1624 = arith.constant dense<0.000000e+00> : vector<512xbf16>
    %reduce_sum3A_1625 = vector.multi_reduction <add>, %select_n3A_1623, %reduce_sum3A_1624 [0] : vector<192x512xbf16> to vector<512xbf16>
    %broadcast_in_dim3A_1626 = vector.shape_cast %reduce_sum3A_1625 : vector<512xbf16> to vector<1x512xbf16>
    %convert_element_type3A_1627 = arith.extf %broadcast_in_dim3A_1612 : vector<1x512xbf16> to vector<1x512xf32>
    %convert_element_type3A_1628 = arith.extf %broadcast_in_dim3A_1619 : vector<1x512xbf16> to vector<1x512xf32>
    %add3A_1629 = arith.addf %convert_element_type3A_1627, %convert_element_type3A_1628 : vector<1x512xf32>
    %convert_element_type3A_1630 = arith.extf %broadcast_in_dim3A_1626 : vector<1x512xbf16> to vector<1x512xf32>
    %add3A_1631 = arith.addf %add3A_1629, %convert_element_type3A_1630 : vector<1x512xf32>
    %ge3A_1632 = vector.broadcast %scan3A_1238 : f32 to vector<1x512xf32>
    %ge3A_1633 = arith.cmpf oge, %add3A_1631, %ge3A_1632 : vector<1x512xf32>
    %select_n3A_1634 = arith.select %ge3A_1633, %shift_right_arithmetic3A_1601, %select_n3A_1554 : vector<1x512xi1>, vector<1x512xi32>
    %add3A_1635 = arith.constant 1 : i32
    %add3A_1636 = vector.broadcast %add3A_1635 : i32 to vector<1x512xi32>
    %add3A_1637 = arith.addi %shift_right_arithmetic3A_1601, %add3A_1636 : vector<1x512xi32>
    %select_n3A_1638 = arith.select %ge3A_1633, %select_n3A_1558, %add3A_1637 : vector<1x512xi1>, vector<1x512xi32>
    %scan3A_1639 = arith.constant 5 : i32
    %add3A_1640 = arith.addi %select_n3A_1596, %select_n3A_1597 : vector<1x512xi32>
    %shift_right_arithmetic3A_1641 = arith.constant 1 : i32
    %shift_right_arithmetic3A_1642 = vector.broadcast %shift_right_arithmetic3A_1641 : i32 to vector<1x512xi32>
    %shift_right_arithmetic3A_1643 = arith.shrsi %add3A_1640, %shift_right_arithmetic3A_1642 : vector<1x512xi32>
    %convert_element_type3A_1644 = arith.trunci %shift_right_arithmetic3A_1643 : vector<1x512xi32> to vector<1x512xi16>
    %bitcast_convert_type3A_1645 = tpu.bitcast %convert_element_type3A_1644 : vector<1x512xi16> -> vector<1x512xbf16>
    %ge3A_1646 = vector.broadcast %bitcast_convert_type3A_1645 : vector<1x512xbf16> to vector<576x512xbf16>
    %ge3A_1647 = arith.cmpf oge, %bitcast_convert_type3A_1218, %ge3A_1646 : vector<576x512xbf16>
    %slice3A_1648 = vector.extract_strided_slice %ge3A_1647 {offsets = [0, 0], sizes = [192, 512], strides = [1, 1]} : vector<576x512xi1> to vector<192x512xi1>
    %broadcast_in_dim3A_1649 = vector.broadcast %scan3A_1236 : bf16 to vector<192x512xbf16>
    %broadcast_in_dim3A_1650 = vector.broadcast %scan3A_1237 : bf16 to vector<192x512xbf16>
    %select_n3A_1651 = arith.select %slice3A_1648, %broadcast_in_dim3A_1649, %broadcast_in_dim3A_1650 : vector<192x512xi1>, vector<192x512xbf16>
    %reduce_sum3A_1652 = arith.constant dense<0.000000e+00> : vector<512xbf16>
    %reduce_sum3A_1653 = vector.multi_reduction <add>, %select_n3A_1651, %reduce_sum3A_1652 [0] : vector<192x512xbf16> to vector<512xbf16>
    %broadcast_in_dim3A_1654 = vector.shape_cast %reduce_sum3A_1653 : vector<512xbf16> to vector<1x512xbf16>
    %slice3A_1655 = vector.extract_strided_slice %ge3A_1647 {offsets = [192, 0], sizes = [192, 512], strides = [1, 1]} : vector<576x512xi1> to vector<192x512xi1>
    %broadcast_in_dim3A_1656 = vector.broadcast %scan3A_1236 : bf16 to vector<192x512xbf16>
    %broadcast_in_dim3A_1657 = vector.broadcast %scan3A_1237 : bf16 to vector<192x512xbf16>
    %select_n3A_1658 = arith.select %slice3A_1655, %broadcast_in_dim3A_1656, %broadcast_in_dim3A_1657 : vector<192x512xi1>, vector<192x512xbf16>
    %reduce_sum3A_1659 = arith.constant dense<0.000000e+00> : vector<512xbf16>
    %reduce_sum3A_1660 = vector.multi_reduction <add>, %select_n3A_1658, %reduce_sum3A_1659 [0] : vector<192x512xbf16> to vector<512xbf16>
    %broadcast_in_dim3A_1661 = vector.shape_cast %reduce_sum3A_1660 : vector<512xbf16> to vector<1x512xbf16>
    %slice3A_1662 = vector.extract_strided_slice %ge3A_1647 {offsets = [384, 0], sizes = [192, 512], strides = [1, 1]} : vector<576x512xi1> to vector<192x512xi1>
    %broadcast_in_dim3A_1663 = vector.broadcast %scan3A_1236 : bf16 to vector<192x512xbf16>
    %broadcast_in_dim3A_1664 = vector.broadcast %scan3A_1237 : bf16 to vector<192x512xbf16>
    %select_n3A_1665 = arith.select %slice3A_1662, %broadcast_in_dim3A_1663, %broadcast_in_dim3A_1664 : vector<192x512xi1>, vector<192x512xbf16>
    %reduce_sum3A_1666 = arith.constant dense<0.000000e+00> : vector<512xbf16>
    %reduce_sum3A_1667 = vector.multi_reduction <add>, %select_n3A_1665, %reduce_sum3A_1666 [0] : vector<192x512xbf16> to vector<512xbf16>
    %broadcast_in_dim3A_1668 = vector.shape_cast %reduce_sum3A_1667 : vector<512xbf16> to vector<1x512xbf16>
    %convert_element_type3A_1669 = arith.extf %broadcast_in_dim3A_1654 : vector<1x512xbf16> to vector<1x512xf32>
    %convert_element_type3A_1670 = arith.extf %broadcast_in_dim3A_1661 : vector<1x512xbf16> to vector<1x512xf32>
    %add3A_1671 = arith.addf %convert_element_type3A_1669, %convert_element_type3A_1670 : vector<1x512xf32>
    %convert_element_type3A_1672 = arith.extf %broadcast_in_dim3A_1668 : vector<1x512xbf16> to vector<1x512xf32>
    %add3A_1673 = arith.addf %add3A_1671, %convert_element_type3A_1672 : vector<1x512xf32>
    %ge3A_1674 = vector.broadcast %scan3A_1238 : f32 to vector<1x512xf32>
    %ge3A_1675 = arith.cmpf oge, %add3A_1673, %ge3A_1674 : vector<1x512xf32>
    %select_n3A_1676 = arith.select %ge3A_1675, %shift_right_arithmetic3A_1643, %select_n3A_1596 : vector<1x512xi1>, vector<1x512xi32>
    %select_n3A_1677 = arith.select %ge3A_1675, %select_n3A_1597, %shift_right_arithmetic3A_1643 : vector<1x512xi1>, vector<1x512xi32>
    %add3A_1678 = arith.addi %select_n3A_1638, %select_n3A_1634 : vector<1x512xi32>
    %shift_right_arithmetic3A_1679 = arith.constant 1 : i32
    %shift_right_arithmetic3A_1680 = vector.broadcast %shift_right_arithmetic3A_1679 : i32 to vector<1x512xi32>
    %shift_right_arithmetic3A_1681 = arith.shrsi %add3A_1678, %shift_right_arithmetic3A_1680 : vector<1x512xi32>
    %convert_element_type3A_1682 = arith.trunci %shift_right_arithmetic3A_1681 : vector<1x512xi32> to vector<1x512xi16>
    %bitcast_convert_type3A_1683 = tpu.bitcast %convert_element_type3A_1682 : vector<1x512xi16> -> vector<1x512xbf16>
    %le3A_1684 = vector.broadcast %bitcast_convert_type3A_1683 : vector<1x512xbf16> to vector<576x512xbf16>
    %le3A_1685 = arith.cmpf ole, %bitcast_convert_type3A_1228, %le3A_1684 : vector<576x512xbf16>
    %slice3A_1686 = vector.extract_strided_slice %le3A_1685 {offsets = [0, 0], sizes = [192, 512], strides = [1, 1]} : vector<576x512xi1> to vector<192x512xi1>
    %broadcast_in_dim3A_1687 = vector.broadcast %scan3A_1236 : bf16 to vector<192x512xbf16>
    %broadcast_in_dim3A_1688 = vector.broadcast %scan3A_1237 : bf16 to vector<192x512xbf16>
    %select_n3A_1689 = arith.select %slice3A_1686, %broadcast_in_dim3A_1687, %broadcast_in_dim3A_1688 : vector<192x512xi1>, vector<192x512xbf16>
    %reduce_sum3A_1690 = arith.constant dense<0.000000e+00> : vector<512xbf16>
    %reduce_sum3A_1691 = vector.multi_reduction <add>, %select_n3A_1689, %reduce_sum3A_1690 [0] : vector<192x512xbf16> to vector<512xbf16>
    %broadcast_in_dim3A_1692 = vector.shape_cast %reduce_sum3A_1691 : vector<512xbf16> to vector<1x512xbf16>
    %slice3A_1693 = vector.extract_strided_slice %le3A_1685 {offsets = [192, 0], sizes = [192, 512], strides = [1, 1]} : vector<576x512xi1> to vector<192x512xi1>
    %broadcast_in_dim3A_1694 = vector.broadcast %scan3A_1236 : bf16 to vector<192x512xbf16>
    %broadcast_in_dim3A_1695 = vector.broadcast %scan3A_1237 : bf16 to vector<192x512xbf16>
    %select_n3A_1696 = arith.select %slice3A_1693, %broadcast_in_dim3A_1694, %broadcast_in_dim3A_1695 : vector<192x512xi1>, vector<192x512xbf16>
    %reduce_sum3A_1697 = arith.constant dense<0.000000e+00> : vector<512xbf16>
    %reduce_sum3A_1698 = vector.multi_reduction <add>, %select_n3A_1696, %reduce_sum3A_1697 [0] : vector<192x512xbf16> to vector<512xbf16>
    %broadcast_in_dim3A_1699 = vector.shape_cast %reduce_sum3A_1698 : vector<512xbf16> to vector<1x512xbf16>
    %slice3A_1700 = vector.extract_strided_slice %le3A_1685 {offsets = [384, 0], sizes = [192, 512], strides = [1, 1]} : vector<576x512xi1> to vector<192x512xi1>
    %broadcast_in_dim3A_1701 = vector.broadcast %scan3A_1236 : bf16 to vector<192x512xbf16>
    %broadcast_in_dim3A_1702 = vector.broadcast %scan3A_1237 : bf16 to vector<192x512xbf16>
    %select_n3A_1703 = arith.select %slice3A_1700, %broadcast_in_dim3A_1701, %broadcast_in_dim3A_1702 : vector<192x512xi1>, vector<192x512xbf16>
    %reduce_sum3A_1704 = arith.constant dense<0.000000e+00> : vector<512xbf16>
    %reduce_sum3A_1705 = vector.multi_reduction <add>, %select_n3A_1703, %reduce_sum3A_1704 [0] : vector<192x512xbf16> to vector<512xbf16>
    %broadcast_in_dim3A_1706 = vector.shape_cast %reduce_sum3A_1705 : vector<512xbf16> to vector<1x512xbf16>
    %convert_element_type3A_1707 = arith.extf %broadcast_in_dim3A_1692 : vector<1x512xbf16> to vector<1x512xf32>
    %convert_element_type3A_1708 = arith.extf %broadcast_in_dim3A_1699 : vector<1x512xbf16> to vector<1x512xf32>
    %add3A_1709 = arith.addf %convert_element_type3A_1707, %convert_element_type3A_1708 : vector<1x512xf32>
    %convert_element_type3A_1710 = arith.extf %broadcast_in_dim3A_1706 : vector<1x512xbf16> to vector<1x512xf32>
    %add3A_1711 = arith.addf %add3A_1709, %convert_element_type3A_1710 : vector<1x512xf32>
    %ge3A_1712 = vector.broadcast %scan3A_1238 : f32 to vector<1x512xf32>
    %ge3A_1713 = arith.cmpf oge, %add3A_1711, %ge3A_1712 : vector<1x512xf32>
    %select_n3A_1714 = arith.select %ge3A_1713, %shift_right_arithmetic3A_1681, %select_n3A_1634 : vector<1x512xi1>, vector<1x512xi32>
    %add3A_1715 = arith.constant 1 : i32
    %add3A_1716 = vector.broadcast %add3A_1715 : i32 to vector<1x512xi32>
    %add3A_1717 = arith.addi %shift_right_arithmetic3A_1681, %add3A_1716 : vector<1x512xi32>
    %select_n3A_1718 = arith.select %ge3A_1713, %select_n3A_1638, %add3A_1717 : vector<1x512xi1>, vector<1x512xi32>
    %scan3A_1719 = arith.constant 6 : i32
    %add3A_1720 = arith.addi %select_n3A_1676, %select_n3A_1677 : vector<1x512xi32>
    %shift_right_arithmetic3A_1721 = arith.constant 1 : i32
    %shift_right_arithmetic3A_1722 = vector.broadcast %shift_right_arithmetic3A_1721 : i32 to vector<1x512xi32>
    %shift_right_arithmetic3A_1723 = arith.shrsi %add3A_1720, %shift_right_arithmetic3A_1722 : vector<1x512xi32>
    %convert_element_type3A_1724 = arith.trunci %shift_right_arithmetic3A_1723 : vector<1x512xi32> to vector<1x512xi16>
    %bitcast_convert_type3A_1725 = tpu.bitcast %convert_element_type3A_1724 : vector<1x512xi16> -> vector<1x512xbf16>
    %ge3A_1726 = vector.broadcast %bitcast_convert_type3A_1725 : vector<1x512xbf16> to vector<576x512xbf16>
    %ge3A_1727 = arith.cmpf oge, %bitcast_convert_type3A_1218, %ge3A_1726 : vector<576x512xbf16>
    %slice3A_1728 = vector.extract_strided_slice %ge3A_1727 {offsets = [0, 0], sizes = [192, 512], strides = [1, 1]} : vector<576x512xi1> to vector<192x512xi1>
    %broadcast_in_dim3A_1729 = vector.broadcast %scan3A_1236 : bf16 to vector<192x512xbf16>
    %broadcast_in_dim3A_1730 = vector.broadcast %scan3A_1237 : bf16 to vector<192x512xbf16>
    %select_n3A_1731 = arith.select %slice3A_1728, %broadcast_in_dim3A_1729, %broadcast_in_dim3A_1730 : vector<192x512xi1>, vector<192x512xbf16>
    %reduce_sum3A_1732 = arith.constant dense<0.000000e+00> : vector<512xbf16>
    %reduce_sum3A_1733 = vector.multi_reduction <add>, %select_n3A_1731, %reduce_sum3A_1732 [0] : vector<192x512xbf16> to vector<512xbf16>
    %broadcast_in_dim3A_1734 = vector.shape_cast %reduce_sum3A_1733 : vector<512xbf16> to vector<1x512xbf16>
    %slice3A_1735 = vector.extract_strided_slice %ge3A_1727 {offsets = [192, 0], sizes = [192, 512], strides = [1, 1]} : vector<576x512xi1> to vector<192x512xi1>
    %broadcast_in_dim3A_1736 = vector.broadcast %scan3A_1236 : bf16 to vector<192x512xbf16>
    %broadcast_in_dim3A_1737 = vector.broadcast %scan3A_1237 : bf16 to vector<192x512xbf16>
    %select_n3A_1738 = arith.select %slice3A_1735, %broadcast_in_dim3A_1736, %broadcast_in_dim3A_1737 : vector<192x512xi1>, vector<192x512xbf16>
    %reduce_sum3A_1739 = arith.constant dense<0.000000e+00> : vector<512xbf16>
    %reduce_sum3A_1740 = vector.multi_reduction <add>, %select_n3A_1738, %reduce_sum3A_1739 [0] : vector<192x512xbf16> to vector<512xbf16>
    %broadcast_in_dim3A_1741 = vector.shape_cast %reduce_sum3A_1740 : vector<512xbf16> to vector<1x512xbf16>
    %slice3A_1742 = vector.extract_strided_slice %ge3A_1727 {offsets = [384, 0], sizes = [192, 512], strides = [1, 1]} : vector<576x512xi1> to vector<192x512xi1>
    %broadcast_in_dim3A_1743 = vector.broadcast %scan3A_1236 : bf16 to vector<192x512xbf16>
    %broadcast_in_dim3A_1744 = vector.broadcast %scan3A_1237 : bf16 to vector<192x512xbf16>
    %select_n3A_1745 = arith.select %slice3A_1742, %broadcast_in_dim3A_1743, %broadcast_in_dim3A_1744 : vector<192x512xi1>, vector<192x512xbf16>
    %reduce_sum3A_1746 = arith.constant dense<0.000000e+00> : vector<512xbf16>
    %reduce_sum3A_1747 = vector.multi_reduction <add>, %select_n3A_1745, %reduce_sum3A_1746 [0] : vector<192x512xbf16> to vector<512xbf16>
    %broadcast_in_dim3A_1748 = vector.shape_cast %reduce_sum3A_1747 : vector<512xbf16> to vector<1x512xbf16>
    %convert_element_type3A_1749 = arith.extf %broadcast_in_dim3A_1734 : vector<1x512xbf16> to vector<1x512xf32>
    %convert_element_type3A_1750 = arith.extf %broadcast_in_dim3A_1741 : vector<1x512xbf16> to vector<1x512xf32>
    %add3A_1751 = arith.addf %convert_element_type3A_1749, %convert_element_type3A_1750 : vector<1x512xf32>
    %convert_element_type3A_1752 = arith.extf %broadcast_in_dim3A_1748 : vector<1x512xbf16> to vector<1x512xf32>
    %add3A_1753 = arith.addf %add3A_1751, %convert_element_type3A_1752 : vector<1x512xf32>
    %ge3A_1754 = vector.broadcast %scan3A_1238 : f32 to vector<1x512xf32>
    %ge3A_1755 = arith.cmpf oge, %add3A_1753, %ge3A_1754 : vector<1x512xf32>
    %select_n3A_1756 = arith.select %ge3A_1755, %shift_right_arithmetic3A_1723, %select_n3A_1676 : vector<1x512xi1>, vector<1x512xi32>
    %select_n3A_1757 = arith.select %ge3A_1755, %select_n3A_1677, %shift_right_arithmetic3A_1723 : vector<1x512xi1>, vector<1x512xi32>
    %add3A_1758 = arith.addi %select_n3A_1718, %select_n3A_1714 : vector<1x512xi32>
    %shift_right_arithmetic3A_1759 = arith.constant 1 : i32
    %shift_right_arithmetic3A_1760 = vector.broadcast %shift_right_arithmetic3A_1759 : i32 to vector<1x512xi32>
    %shift_right_arithmetic3A_1761 = arith.shrsi %add3A_1758, %shift_right_arithmetic3A_1760 : vector<1x512xi32>
    %convert_element_type3A_1762 = arith.trunci %shift_right_arithmetic3A_1761 : vector<1x512xi32> to vector<1x512xi16>
    %bitcast_convert_type3A_1763 = tpu.bitcast %convert_element_type3A_1762 : vector<1x512xi16> -> vector<1x512xbf16>
    %le3A_1764 = vector.broadcast %bitcast_convert_type3A_1763 : vector<1x512xbf16> to vector<576x512xbf16>
    %le3A_1765 = arith.cmpf ole, %bitcast_convert_type3A_1228, %le3A_1764 : vector<576x512xbf16>
    %slice3A_1766 = vector.extract_strided_slice %le3A_1765 {offsets = [0, 0], sizes = [192, 512], strides = [1, 1]} : vector<576x512xi1> to vector<192x512xi1>
    %broadcast_in_dim3A_1767 = vector.broadcast %scan3A_1236 : bf16 to vector<192x512xbf16>
    %broadcast_in_dim3A_1768 = vector.broadcast %scan3A_1237 : bf16 to vector<192x512xbf16>
    %select_n3A_1769 = arith.select %slice3A_1766, %broadcast_in_dim3A_1767, %broadcast_in_dim3A_1768 : vector<192x512xi1>, vector<192x512xbf16>
    %reduce_sum3A_1770 = arith.constant dense<0.000000e+00> : vector<512xbf16>
    %reduce_sum3A_1771 = vector.multi_reduction <add>, %select_n3A_1769, %reduce_sum3A_1770 [0] : vector<192x512xbf16> to vector<512xbf16>
    %broadcast_in_dim3A_1772 = vector.shape_cast %reduce_sum3A_1771 : vector<512xbf16> to vector<1x512xbf16>
    %slice3A_1773 = vector.extract_strided_slice %le3A_1765 {offsets = [192, 0], sizes = [192, 512], strides = [1, 1]} : vector<576x512xi1> to vector<192x512xi1>
    %broadcast_in_dim3A_1774 = vector.broadcast %scan3A_1236 : bf16 to vector<192x512xbf16>
    %broadcast_in_dim3A_1775 = vector.broadcast %scan3A_1237 : bf16 to vector<192x512xbf16>
    %select_n3A_1776 = arith.select %slice3A_1773, %broadcast_in_dim3A_1774, %broadcast_in_dim3A_1775 : vector<192x512xi1>, vector<192x512xbf16>
    %reduce_sum3A_1777 = arith.constant dense<0.000000e+00> : vector<512xbf16>
    %reduce_sum3A_1778 = vector.multi_reduction <add>, %select_n3A_1776, %reduce_sum3A_1777 [0] : vector<192x512xbf16> to vector<512xbf16>
    %broadcast_in_dim3A_1779 = vector.shape_cast %reduce_sum3A_1778 : vector<512xbf16> to vector<1x512xbf16>
    %slice3A_1780 = vector.extract_strided_slice %le3A_1765 {offsets = [384, 0], sizes = [192, 512], strides = [1, 1]} : vector<576x512xi1> to vector<192x512xi1>
    %broadcast_in_dim3A_1781 = vector.broadcast %scan3A_1236 : bf16 to vector<192x512xbf16>
    %broadcast_in_dim3A_1782 = vector.broadcast %scan3A_1237 : bf16 to vector<192x512xbf16>
    %select_n3A_1783 = arith.select %slice3A_1780, %broadcast_in_dim3A_1781, %broadcast_in_dim3A_1782 : vector<192x512xi1>, vector<192x512xbf16>
    %reduce_sum3A_1784 = arith.constant dense<0.000000e+00> : vector<512xbf16>
    %reduce_sum3A_1785 = vector.multi_reduction <add>, %select_n3A_1783, %reduce_sum3A_1784 [0] : vector<192x512xbf16> to vector<512xbf16>
    %broadcast_in_dim3A_1786 = vector.shape_cast %reduce_sum3A_1785 : vector<512xbf16> to vector<1x512xbf16>
    %convert_element_type3A_1787 = arith.extf %broadcast_in_dim3A_1772 : vector<1x512xbf16> to vector<1x512xf32>
    %convert_element_type3A_1788 = arith.extf %broadcast_in_dim3A_1779 : vector<1x512xbf16> to vector<1x512xf32>
    %add3A_1789 = arith.addf %convert_element_type3A_1787, %convert_element_type3A_1788 : vector<1x512xf32>
    %convert_element_type3A_1790 = arith.extf %broadcast_in_dim3A_1786 : vector<1x512xbf16> to vector<1x512xf32>
    %add3A_1791 = arith.addf %add3A_1789, %convert_element_type3A_1790 : vector<1x512xf32>
    %ge3A_1792 = vector.broadcast %scan3A_1238 : f32 to vector<1x512xf32>
    %ge3A_1793 = arith.cmpf oge, %add3A_1791, %ge3A_1792 : vector<1x512xf32>
    %select_n3A_1794 = arith.select %ge3A_1793, %shift_right_arithmetic3A_1761, %select_n3A_1714 : vector<1x512xi1>, vector<1x512xi32>
    %add3A_1795 = arith.constant 1 : i32
    %add3A_1796 = vector.broadcast %add3A_1795 : i32 to vector<1x512xi32>
    %add3A_1797 = arith.addi %shift_right_arithmetic3A_1761, %add3A_1796 : vector<1x512xi32>
    %select_n3A_1798 = arith.select %ge3A_1793, %select_n3A_1718, %add3A_1797 : vector<1x512xi1>, vector<1x512xi32>
    %scan3A_1799 = arith.constant 7 : i32
    %add3A_1800 = arith.addi %select_n3A_1756, %select_n3A_1757 : vector<1x512xi32>
    %shift_right_arithmetic3A_1801 = arith.constant 1 : i32
    %shift_right_arithmetic3A_1802 = vector.broadcast %shift_right_arithmetic3A_1801 : i32 to vector<1x512xi32>
    %shift_right_arithmetic3A_1803 = arith.shrsi %add3A_1800, %shift_right_arithmetic3A_1802 : vector<1x512xi32>
    %convert_element_type3A_1804 = arith.trunci %shift_right_arithmetic3A_1803 : vector<1x512xi32> to vector<1x512xi16>
    %bitcast_convert_type3A_1805 = tpu.bitcast %convert_element_type3A_1804 : vector<1x512xi16> -> vector<1x512xbf16>
    %ge3A_1806 = vector.broadcast %bitcast_convert_type3A_1805 : vector<1x512xbf16> to vector<576x512xbf16>
    %ge3A_1807 = arith.cmpf oge, %bitcast_convert_type3A_1218, %ge3A_1806 : vector<576x512xbf16>
    %slice3A_1808 = vector.extract_strided_slice %ge3A_1807 {offsets = [0, 0], sizes = [192, 512], strides = [1, 1]} : vector<576x512xi1> to vector<192x512xi1>
    %broadcast_in_dim3A_1809 = vector.broadcast %scan3A_1236 : bf16 to vector<192x512xbf16>
    %broadcast_in_dim3A_1810 = vector.broadcast %scan3A_1237 : bf16 to vector<192x512xbf16>
    %select_n3A_1811 = arith.select %slice3A_1808, %broadcast_in_dim3A_1809, %broadcast_in_dim3A_1810 : vector<192x512xi1>, vector<192x512xbf16>
    %reduce_sum3A_1812 = arith.constant dense<0.000000e+00> : vector<512xbf16>
    %reduce_sum3A_1813 = vector.multi_reduction <add>, %select_n3A_1811, %reduce_sum3A_1812 [0] : vector<192x512xbf16> to vector<512xbf16>
    %broadcast_in_dim3A_1814 = vector.shape_cast %reduce_sum3A_1813 : vector<512xbf16> to vector<1x512xbf16>
    %slice3A_1815 = vector.extract_strided_slice %ge3A_1807 {offsets = [192, 0], sizes = [192, 512], strides = [1, 1]} : vector<576x512xi1> to vector<192x512xi1>
    %broadcast_in_dim3A_1816 = vector.broadcast %scan3A_1236 : bf16 to vector<192x512xbf16>
    %broadcast_in_dim3A_1817 = vector.broadcast %scan3A_1237 : bf16 to vector<192x512xbf16>
    %select_n3A_1818 = arith.select %slice3A_1815, %broadcast_in_dim3A_1816, %broadcast_in_dim3A_1817 : vector<192x512xi1>, vector<192x512xbf16>
    %reduce_sum3A_1819 = arith.constant dense<0.000000e+00> : vector<512xbf16>
    %reduce_sum3A_1820 = vector.multi_reduction <add>, %select_n3A_1818, %reduce_sum3A_1819 [0] : vector<192x512xbf16> to vector<512xbf16>
    %broadcast_in_dim3A_1821 = vector.shape_cast %reduce_sum3A_1820 : vector<512xbf16> to vector<1x512xbf16>
    %slice3A_1822 = vector.extract_strided_slice %ge3A_1807 {offsets = [384, 0], sizes = [192, 512], strides = [1, 1]} : vector<576x512xi1> to vector<192x512xi1>
    %broadcast_in_dim3A_1823 = vector.broadcast %scan3A_1236 : bf16 to vector<192x512xbf16>
    %broadcast_in_dim3A_1824 = vector.broadcast %scan3A_1237 : bf16 to vector<192x512xbf16>
    %select_n3A_1825 = arith.select %slice3A_1822, %broadcast_in_dim3A_1823, %broadcast_in_dim3A_1824 : vector<192x512xi1>, vector<192x512xbf16>
    %reduce_sum3A_1826 = arith.constant dense<0.000000e+00> : vector<512xbf16>
    %reduce_sum3A_1827 = vector.multi_reduction <add>, %select_n3A_1825, %reduce_sum3A_1826 [0] : vector<192x512xbf16> to vector<512xbf16>
    %broadcast_in_dim3A_1828 = vector.shape_cast %reduce_sum3A_1827 : vector<512xbf16> to vector<1x512xbf16>
    %convert_element_type3A_1829 = arith.extf %broadcast_in_dim3A_1814 : vector<1x512xbf16> to vector<1x512xf32>
    %convert_element_type3A_1830 = arith.extf %broadcast_in_dim3A_1821 : vector<1x512xbf16> to vector<1x512xf32>
    %add3A_1831 = arith.addf %convert_element_type3A_1829, %convert_element_type3A_1830 : vector<1x512xf32>
    %convert_element_type3A_1832 = arith.extf %broadcast_in_dim3A_1828 : vector<1x512xbf16> to vector<1x512xf32>
    %add3A_1833 = arith.addf %add3A_1831, %convert_element_type3A_1832 : vector<1x512xf32>
    %ge3A_1834 = vector.broadcast %scan3A_1238 : f32 to vector<1x512xf32>
    %ge3A_1835 = arith.cmpf oge, %add3A_1833, %ge3A_1834 : vector<1x512xf32>
    %select_n3A_1836 = arith.select %ge3A_1835, %shift_right_arithmetic3A_1803, %select_n3A_1756 : vector<1x512xi1>, vector<1x512xi32>
    %select_n3A_1837 = arith.select %ge3A_1835, %select_n3A_1757, %shift_right_arithmetic3A_1803 : vector<1x512xi1>, vector<1x512xi32>
    %add3A_1838 = arith.addi %select_n3A_1798, %select_n3A_1794 : vector<1x512xi32>
    %shift_right_arithmetic3A_1839 = arith.constant 1 : i32
    %shift_right_arithmetic3A_1840 = vector.broadcast %shift_right_arithmetic3A_1839 : i32 to vector<1x512xi32>
    %shift_right_arithmetic3A_1841 = arith.shrsi %add3A_1838, %shift_right_arithmetic3A_1840 : vector<1x512xi32>
    %convert_element_type3A_1842 = arith.trunci %shift_right_arithmetic3A_1841 : vector<1x512xi32> to vector<1x512xi16>
    %bitcast_convert_type3A_1843 = tpu.bitcast %convert_element_type3A_1842 : vector<1x512xi16> -> vector<1x512xbf16>
    %le3A_1844 = vector.broadcast %bitcast_convert_type3A_1843 : vector<1x512xbf16> to vector<576x512xbf16>
    %le3A_1845 = arith.cmpf ole, %bitcast_convert_type3A_1228, %le3A_1844 : vector<576x512xbf16>
    %slice3A_1846 = vector.extract_strided_slice %le3A_1845 {offsets = [0, 0], sizes = [192, 512], strides = [1, 1]} : vector<576x512xi1> to vector<192x512xi1>
    %broadcast_in_dim3A_1847 = vector.broadcast %scan3A_1236 : bf16 to vector<192x512xbf16>
    %broadcast_in_dim3A_1848 = vector.broadcast %scan3A_1237 : bf16 to vector<192x512xbf16>
    %select_n3A_1849 = arith.select %slice3A_1846, %broadcast_in_dim3A_1847, %broadcast_in_dim3A_1848 : vector<192x512xi1>, vector<192x512xbf16>
    %reduce_sum3A_1850 = arith.constant dense<0.000000e+00> : vector<512xbf16>
    %reduce_sum3A_1851 = vector.multi_reduction <add>, %select_n3A_1849, %reduce_sum3A_1850 [0] : vector<192x512xbf16> to vector<512xbf16>
    %broadcast_in_dim3A_1852 = vector.shape_cast %reduce_sum3A_1851 : vector<512xbf16> to vector<1x512xbf16>
    %slice3A_1853 = vector.extract_strided_slice %le3A_1845 {offsets = [192, 0], sizes = [192, 512], strides = [1, 1]} : vector<576x512xi1> to vector<192x512xi1>
    %broadcast_in_dim3A_1854 = vector.broadcast %scan3A_1236 : bf16 to vector<192x512xbf16>
    %broadcast_in_dim3A_1855 = vector.broadcast %scan3A_1237 : bf16 to vector<192x512xbf16>
    %select_n3A_1856 = arith.select %slice3A_1853, %broadcast_in_dim3A_1854, %broadcast_in_dim3A_1855 : vector<192x512xi1>, vector<192x512xbf16>
    %reduce_sum3A_1857 = arith.constant dense<0.000000e+00> : vector<512xbf16>
    %reduce_sum3A_1858 = vector.multi_reduction <add>, %select_n3A_1856, %reduce_sum3A_1857 [0] : vector<192x512xbf16> to vector<512xbf16>
    %broadcast_in_dim3A_1859 = vector.shape_cast %reduce_sum3A_1858 : vector<512xbf16> to vector<1x512xbf16>
    %slice3A_1860 = vector.extract_strided_slice %le3A_1845 {offsets = [384, 0], sizes = [192, 512], strides = [1, 1]} : vector<576x512xi1> to vector<192x512xi1>
    %broadcast_in_dim3A_1861 = vector.broadcast %scan3A_1236 : bf16 to vector<192x512xbf16>
    %broadcast_in_dim3A_1862 = vector.broadcast %scan3A_1237 : bf16 to vector<192x512xbf16>
    %select_n3A_1863 = arith.select %slice3A_1860, %broadcast_in_dim3A_1861, %broadcast_in_dim3A_1862 : vector<192x512xi1>, vector<192x512xbf16>
    %reduce_sum3A_1864 = arith.constant dense<0.000000e+00> : vector<512xbf16>
    %reduce_sum3A_1865 = vector.multi_reduction <add>, %select_n3A_1863, %reduce_sum3A_1864 [0] : vector<192x512xbf16> to vector<512xbf16>
    %broadcast_in_dim3A_1866 = vector.shape_cast %reduce_sum3A_1865 : vector<512xbf16> to vector<1x512xbf16>
    %convert_element_type3A_1867 = arith.extf %broadcast_in_dim3A_1852 : vector<1x512xbf16> to vector<1x512xf32>
    %convert_element_type3A_1868 = arith.extf %broadcast_in_dim3A_1859 : vector<1x512xbf16> to vector<1x512xf32>
    %add3A_1869 = arith.addf %convert_element_type3A_1867, %convert_element_type3A_1868 : vector<1x512xf32>
    %convert_element_type3A_1870 = arith.extf %broadcast_in_dim3A_1866 : vector<1x512xbf16> to vector<1x512xf32>
    %add3A_1871 = arith.addf %add3A_1869, %convert_element_type3A_1870 : vector<1x512xf32>
    %ge3A_1872 = vector.broadcast %scan3A_1238 : f32 to vector<1x512xf32>
    %ge3A_1873 = arith.cmpf oge, %add3A_1871, %ge3A_1872 : vector<1x512xf32>
    %select_n3A_1874 = arith.select %ge3A_1873, %shift_right_arithmetic3A_1841, %select_n3A_1794 : vector<1x512xi1>, vector<1x512xi32>
    %add3A_1875 = arith.constant 1 : i32
    %add3A_1876 = vector.broadcast %add3A_1875 : i32 to vector<1x512xi32>
    %add3A_1877 = arith.addi %shift_right_arithmetic3A_1841, %add3A_1876 : vector<1x512xi32>
    %select_n3A_1878 = arith.select %ge3A_1873, %select_n3A_1798, %add3A_1877 : vector<1x512xi1>, vector<1x512xi32>
    %scan3A_1879 = arith.constant 8 : i32
    %add3A_1880 = arith.addi %select_n3A_1836, %select_n3A_1837 : vector<1x512xi32>
    %shift_right_arithmetic3A_1881 = arith.constant 1 : i32
    %shift_right_arithmetic3A_1882 = vector.broadcast %shift_right_arithmetic3A_1881 : i32 to vector<1x512xi32>
    %shift_right_arithmetic3A_1883 = arith.shrsi %add3A_1880, %shift_right_arithmetic3A_1882 : vector<1x512xi32>
    %convert_element_type3A_1884 = arith.trunci %shift_right_arithmetic3A_1883 : vector<1x512xi32> to vector<1x512xi16>
    %bitcast_convert_type3A_1885 = tpu.bitcast %convert_element_type3A_1884 : vector<1x512xi16> -> vector<1x512xbf16>
    %ge3A_1886 = vector.broadcast %bitcast_convert_type3A_1885 : vector<1x512xbf16> to vector<576x512xbf16>
    %ge3A_1887 = arith.cmpf oge, %bitcast_convert_type3A_1218, %ge3A_1886 : vector<576x512xbf16>
    %slice3A_1888 = vector.extract_strided_slice %ge3A_1887 {offsets = [0, 0], sizes = [192, 512], strides = [1, 1]} : vector<576x512xi1> to vector<192x512xi1>
    %broadcast_in_dim3A_1889 = vector.broadcast %scan3A_1236 : bf16 to vector<192x512xbf16>
    %broadcast_in_dim3A_1890 = vector.broadcast %scan3A_1237 : bf16 to vector<192x512xbf16>
    %select_n3A_1891 = arith.select %slice3A_1888, %broadcast_in_dim3A_1889, %broadcast_in_dim3A_1890 : vector<192x512xi1>, vector<192x512xbf16>
    %reduce_sum3A_1892 = arith.constant dense<0.000000e+00> : vector<512xbf16>
    %reduce_sum3A_1893 = vector.multi_reduction <add>, %select_n3A_1891, %reduce_sum3A_1892 [0] : vector<192x512xbf16> to vector<512xbf16>
    %broadcast_in_dim3A_1894 = vector.shape_cast %reduce_sum3A_1893 : vector<512xbf16> to vector<1x512xbf16>
    %slice3A_1895 = vector.extract_strided_slice %ge3A_1887 {offsets = [192, 0], sizes = [192, 512], strides = [1, 1]} : vector<576x512xi1> to vector<192x512xi1>
    %broadcast_in_dim3A_1896 = vector.broadcast %scan3A_1236 : bf16 to vector<192x512xbf16>
    %broadcast_in_dim3A_1897 = vector.broadcast %scan3A_1237 : bf16 to vector<192x512xbf16>
    %select_n3A_1898 = arith.select %slice3A_1895, %broadcast_in_dim3A_1896, %broadcast_in_dim3A_1897 : vector<192x512xi1>, vector<192x512xbf16>
    %reduce_sum3A_1899 = arith.constant dense<0.000000e+00> : vector<512xbf16>
    %reduce_sum3A_1900 = vector.multi_reduction <add>, %select_n3A_1898, %reduce_sum3A_1899 [0] : vector<192x512xbf16> to vector<512xbf16>
    %broadcast_in_dim3A_1901 = vector.shape_cast %reduce_sum3A_1900 : vector<512xbf16> to vector<1x512xbf16>
    %slice3A_1902 = vector.extract_strided_slice %ge3A_1887 {offsets = [384, 0], sizes = [192, 512], strides = [1, 1]} : vector<576x512xi1> to vector<192x512xi1>
    %broadcast_in_dim3A_1903 = vector.broadcast %scan3A_1236 : bf16 to vector<192x512xbf16>
    %broadcast_in_dim3A_1904 = vector.broadcast %scan3A_1237 : bf16 to vector<192x512xbf16>
    %select_n3A_1905 = arith.select %slice3A_1902, %broadcast_in_dim3A_1903, %broadcast_in_dim3A_1904 : vector<192x512xi1>, vector<192x512xbf16>
    %reduce_sum3A_1906 = arith.constant dense<0.000000e+00> : vector<512xbf16>
    %reduce_sum3A_1907 = vector.multi_reduction <add>, %select_n3A_1905, %reduce_sum3A_1906 [0] : vector<192x512xbf16> to vector<512xbf16>
    %broadcast_in_dim3A_1908 = vector.shape_cast %reduce_sum3A_1907 : vector<512xbf16> to vector<1x512xbf16>
    %convert_element_type3A_1909 = arith.extf %broadcast_in_dim3A_1894 : vector<1x512xbf16> to vector<1x512xf32>
    %convert_element_type3A_1910 = arith.extf %broadcast_in_dim3A_1901 : vector<1x512xbf16> to vector<1x512xf32>
    %add3A_1911 = arith.addf %convert_element_type3A_1909, %convert_element_type3A_1910 : vector<1x512xf32>
    %convert_element_type3A_1912 = arith.extf %broadcast_in_dim3A_1908 : vector<1x512xbf16> to vector<1x512xf32>
    %add3A_1913 = arith.addf %add3A_1911, %convert_element_type3A_1912 : vector<1x512xf32>
    %ge3A_1914 = vector.broadcast %scan3A_1238 : f32 to vector<1x512xf32>
    %ge3A_1915 = arith.cmpf oge, %add3A_1913, %ge3A_1914 : vector<1x512xf32>
    %select_n3A_1916 = arith.select %ge3A_1915, %shift_right_arithmetic3A_1883, %select_n3A_1836 : vector<1x512xi1>, vector<1x512xi32>
    %select_n3A_1917 = arith.select %ge3A_1915, %select_n3A_1837, %shift_right_arithmetic3A_1883 : vector<1x512xi1>, vector<1x512xi32>
    %add3A_1918 = arith.addi %select_n3A_1878, %select_n3A_1874 : vector<1x512xi32>
    %shift_right_arithmetic3A_1919 = arith.constant 1 : i32
    %shift_right_arithmetic3A_1920 = vector.broadcast %shift_right_arithmetic3A_1919 : i32 to vector<1x512xi32>
    %shift_right_arithmetic3A_1921 = arith.shrsi %add3A_1918, %shift_right_arithmetic3A_1920 : vector<1x512xi32>
    %convert_element_type3A_1922 = arith.trunci %shift_right_arithmetic3A_1921 : vector<1x512xi32> to vector<1x512xi16>
    %bitcast_convert_type3A_1923 = tpu.bitcast %convert_element_type3A_1922 : vector<1x512xi16> -> vector<1x512xbf16>
    %le3A_1924 = vector.broadcast %bitcast_convert_type3A_1923 : vector<1x512xbf16> to vector<576x512xbf16>
    %le3A_1925 = arith.cmpf ole, %bitcast_convert_type3A_1228, %le3A_1924 : vector<576x512xbf16>
    %slice3A_1926 = vector.extract_strided_slice %le3A_1925 {offsets = [0, 0], sizes = [192, 512], strides = [1, 1]} : vector<576x512xi1> to vector<192x512xi1>
    %broadcast_in_dim3A_1927 = vector.broadcast %scan3A_1236 : bf16 to vector<192x512xbf16>
    %broadcast_in_dim3A_1928 = vector.broadcast %scan3A_1237 : bf16 to vector<192x512xbf16>
    %select_n3A_1929 = arith.select %slice3A_1926, %broadcast_in_dim3A_1927, %broadcast_in_dim3A_1928 : vector<192x512xi1>, vector<192x512xbf16>
    %reduce_sum3A_1930 = arith.constant dense<0.000000e+00> : vector<512xbf16>
    %reduce_sum3A_1931 = vector.multi_reduction <add>, %select_n3A_1929, %reduce_sum3A_1930 [0] : vector<192x512xbf16> to vector<512xbf16>
    %broadcast_in_dim3A_1932 = vector.shape_cast %reduce_sum3A_1931 : vector<512xbf16> to vector<1x512xbf16>
    %slice3A_1933 = vector.extract_strided_slice %le3A_1925 {offsets = [192, 0], sizes = [192, 512], strides = [1, 1]} : vector<576x512xi1> to vector<192x512xi1>
    %broadcast_in_dim3A_1934 = vector.broadcast %scan3A_1236 : bf16 to vector<192x512xbf16>
    %broadcast_in_dim3A_1935 = vector.broadcast %scan3A_1237 : bf16 to vector<192x512xbf16>
    %select_n3A_1936 = arith.select %slice3A_1933, %broadcast_in_dim3A_1934, %broadcast_in_dim3A_1935 : vector<192x512xi1>, vector<192x512xbf16>
    %reduce_sum3A_1937 = arith.constant dense<0.000000e+00> : vector<512xbf16>
    %reduce_sum3A_1938 = vector.multi_reduction <add>, %select_n3A_1936, %reduce_sum3A_1937 [0] : vector<192x512xbf16> to vector<512xbf16>
    %broadcast_in_dim3A_1939 = vector.shape_cast %reduce_sum3A_1938 : vector<512xbf16> to vector<1x512xbf16>
    %slice3A_1940 = vector.extract_strided_slice %le3A_1925 {offsets = [384, 0], sizes = [192, 512], strides = [1, 1]} : vector<576x512xi1> to vector<192x512xi1>
    %broadcast_in_dim3A_1941 = vector.broadcast %scan3A_1236 : bf16 to vector<192x512xbf16>
    %broadcast_in_dim3A_1942 = vector.broadcast %scan3A_1237 : bf16 to vector<192x512xbf16>
    %select_n3A_1943 = arith.select %slice3A_1940, %broadcast_in_dim3A_1941, %broadcast_in_dim3A_1942 : vector<192x512xi1>, vector<192x512xbf16>
    %reduce_sum3A_1944 = arith.constant dense<0.000000e+00> : vector<512xbf16>
    %reduce_sum3A_1945 = vector.multi_reduction <add>, %select_n3A_1943, %reduce_sum3A_1944 [0] : vector<192x512xbf16> to vector<512xbf16>
    %broadcast_in_dim3A_1946 = vector.shape_cast %reduce_sum3A_1945 : vector<512xbf16> to vector<1x512xbf16>
    %convert_element_type3A_1947 = arith.extf %broadcast_in_dim3A_1932 : vector<1x512xbf16> to vector<1x512xf32>
    %convert_element_type3A_1948 = arith.extf %broadcast_in_dim3A_1939 : vector<1x512xbf16> to vector<1x512xf32>
    %add3A_1949 = arith.addf %convert_element_type3A_1947, %convert_element_type3A_1948 : vector<1x512xf32>
    %convert_element_type3A_1950 = arith.extf %broadcast_in_dim3A_1946 : vector<1x512xbf16> to vector<1x512xf32>
    %add3A_1951 = arith.addf %add3A_1949, %convert_element_type3A_1950 : vector<1x512xf32>
    %ge3A_1952 = vector.broadcast %scan3A_1238 : f32 to vector<1x512xf32>
    %ge3A_1953 = arith.cmpf oge, %add3A_1951, %ge3A_1952 : vector<1x512xf32>
    %select_n3A_1954 = arith.select %ge3A_1953, %shift_right_arithmetic3A_1921, %select_n3A_1874 : vector<1x512xi1>, vector<1x512xi32>
    %add3A_1955 = arith.constant 1 : i32
    %add3A_1956 = vector.broadcast %add3A_1955 : i32 to vector<1x512xi32>
    %add3A_1957 = arith.addi %shift_right_arithmetic3A_1921, %add3A_1956 : vector<1x512xi32>
    %select_n3A_1958 = arith.select %ge3A_1953, %select_n3A_1878, %add3A_1957 : vector<1x512xi1>, vector<1x512xi32>
    %scan3A_1959 = arith.constant 9 : i32
    %add3A_1960 = arith.addi %select_n3A_1916, %select_n3A_1917 : vector<1x512xi32>
    %shift_right_arithmetic3A_1961 = arith.constant 1 : i32
    %shift_right_arithmetic3A_1962 = vector.broadcast %shift_right_arithmetic3A_1961 : i32 to vector<1x512xi32>
    %shift_right_arithmetic3A_1963 = arith.shrsi %add3A_1960, %shift_right_arithmetic3A_1962 : vector<1x512xi32>
    %convert_element_type3A_1964 = arith.trunci %shift_right_arithmetic3A_1963 : vector<1x512xi32> to vector<1x512xi16>
    %bitcast_convert_type3A_1965 = tpu.bitcast %convert_element_type3A_1964 : vector<1x512xi16> -> vector<1x512xbf16>
    %ge3A_1966 = vector.broadcast %bitcast_convert_type3A_1965 : vector<1x512xbf16> to vector<576x512xbf16>
    %ge3A_1967 = arith.cmpf oge, %bitcast_convert_type3A_1218, %ge3A_1966 : vector<576x512xbf16>
    %slice3A_1968 = vector.extract_strided_slice %ge3A_1967 {offsets = [0, 0], sizes = [192, 512], strides = [1, 1]} : vector<576x512xi1> to vector<192x512xi1>
    %broadcast_in_dim3A_1969 = vector.broadcast %scan3A_1236 : bf16 to vector<192x512xbf16>
    %broadcast_in_dim3A_1970 = vector.broadcast %scan3A_1237 : bf16 to vector<192x512xbf16>
    %select_n3A_1971 = arith.select %slice3A_1968, %broadcast_in_dim3A_1969, %broadcast_in_dim3A_1970 : vector<192x512xi1>, vector<192x512xbf16>
    %reduce_sum3A_1972 = arith.constant dense<0.000000e+00> : vector<512xbf16>
    %reduce_sum3A_1973 = vector.multi_reduction <add>, %select_n3A_1971, %reduce_sum3A_1972 [0] : vector<192x512xbf16> to vector<512xbf16>
    %broadcast_in_dim3A_1974 = vector.shape_cast %reduce_sum3A_1973 : vector<512xbf16> to vector<1x512xbf16>
    %slice3A_1975 = vector.extract_strided_slice %ge3A_1967 {offsets = [192, 0], sizes = [192, 512], strides = [1, 1]} : vector<576x512xi1> to vector<192x512xi1>
    %broadcast_in_dim3A_1976 = vector.broadcast %scan3A_1236 : bf16 to vector<192x512xbf16>
    %broadcast_in_dim3A_1977 = vector.broadcast %scan3A_1237 : bf16 to vector<192x512xbf16>
    %select_n3A_1978 = arith.select %slice3A_1975, %broadcast_in_dim3A_1976, %broadcast_in_dim3A_1977 : vector<192x512xi1>, vector<192x512xbf16>
    %reduce_sum3A_1979 = arith.constant dense<0.000000e+00> : vector<512xbf16>
    %reduce_sum3A_1980 = vector.multi_reduction <add>, %select_n3A_1978, %reduce_sum3A_1979 [0] : vector<192x512xbf16> to vector<512xbf16>
    %broadcast_in_dim3A_1981 = vector.shape_cast %reduce_sum3A_1980 : vector<512xbf16> to vector<1x512xbf16>
    %slice3A_1982 = vector.extract_strided_slice %ge3A_1967 {offsets = [384, 0], sizes = [192, 512], strides = [1, 1]} : vector<576x512xi1> to vector<192x512xi1>
    %broadcast_in_dim3A_1983 = vector.broadcast %scan3A_1236 : bf16 to vector<192x512xbf16>
    %broadcast_in_dim3A_1984 = vector.broadcast %scan3A_1237 : bf16 to vector<192x512xbf16>
    %select_n3A_1985 = arith.select %slice3A_1982, %broadcast_in_dim3A_1983, %broadcast_in_dim3A_1984 : vector<192x512xi1>, vector<192x512xbf16>
    %reduce_sum3A_1986 = arith.constant dense<0.000000e+00> : vector<512xbf16>
    %reduce_sum3A_1987 = vector.multi_reduction <add>, %select_n3A_1985, %reduce_sum3A_1986 [0] : vector<192x512xbf16> to vector<512xbf16>
    %broadcast_in_dim3A_1988 = vector.shape_cast %reduce_sum3A_1987 : vector<512xbf16> to vector<1x512xbf16>
    %convert_element_type3A_1989 = arith.extf %broadcast_in_dim3A_1974 : vector<1x512xbf16> to vector<1x512xf32>
    %convert_element_type3A_1990 = arith.extf %broadcast_in_dim3A_1981 : vector<1x512xbf16> to vector<1x512xf32>
    %add3A_1991 = arith.addf %convert_element_type3A_1989, %convert_element_type3A_1990 : vector<1x512xf32>
    %convert_element_type3A_1992 = arith.extf %broadcast_in_dim3A_1988 : vector<1x512xbf16> to vector<1x512xf32>
    %add3A_1993 = arith.addf %add3A_1991, %convert_element_type3A_1992 : vector<1x512xf32>
    %ge3A_1994 = vector.broadcast %scan3A_1238 : f32 to vector<1x512xf32>
    %ge3A_1995 = arith.cmpf oge, %add3A_1993, %ge3A_1994 : vector<1x512xf32>
    %select_n3A_1996 = arith.select %ge3A_1995, %shift_right_arithmetic3A_1963, %select_n3A_1916 : vector<1x512xi1>, vector<1x512xi32>
    %select_n3A_1997 = arith.select %ge3A_1995, %select_n3A_1917, %shift_right_arithmetic3A_1963 : vector<1x512xi1>, vector<1x512xi32>
    %add3A_1998 = arith.addi %select_n3A_1958, %select_n3A_1954 : vector<1x512xi32>
    %shift_right_arithmetic3A_1999 = arith.constant 1 : i32
    %shift_right_arithmetic3A_2000 = vector.broadcast %shift_right_arithmetic3A_1999 : i32 to vector<1x512xi32>
    %shift_right_arithmetic3A_2001 = arith.shrsi %add3A_1998, %shift_right_arithmetic3A_2000 : vector<1x512xi32>
    %convert_element_type3A_2002 = arith.trunci %shift_right_arithmetic3A_2001 : vector<1x512xi32> to vector<1x512xi16>
    %bitcast_convert_type3A_2003 = tpu.bitcast %convert_element_type3A_2002 : vector<1x512xi16> -> vector<1x512xbf16>
    %le3A_2004 = vector.broadcast %bitcast_convert_type3A_2003 : vector<1x512xbf16> to vector<576x512xbf16>
    %le3A_2005 = arith.cmpf ole, %bitcast_convert_type3A_1228, %le3A_2004 : vector<576x512xbf16>
    %slice3A_2006 = vector.extract_strided_slice %le3A_2005 {offsets = [0, 0], sizes = [192, 512], strides = [1, 1]} : vector<576x512xi1> to vector<192x512xi1>
    %broadcast_in_dim3A_2007 = vector.broadcast %scan3A_1236 : bf16 to vector<192x512xbf16>
    %broadcast_in_dim3A_2008 = vector.broadcast %scan3A_1237 : bf16 to vector<192x512xbf16>
    %select_n3A_2009 = arith.select %slice3A_2006, %broadcast_in_dim3A_2007, %broadcast_in_dim3A_2008 : vector<192x512xi1>, vector<192x512xbf16>
    %reduce_sum3A_2010 = arith.constant dense<0.000000e+00> : vector<512xbf16>
    %reduce_sum3A_2011 = vector.multi_reduction <add>, %select_n3A_2009, %reduce_sum3A_2010 [0] : vector<192x512xbf16> to vector<512xbf16>
    %broadcast_in_dim3A_2012 = vector.shape_cast %reduce_sum3A_2011 : vector<512xbf16> to vector<1x512xbf16>
    %slice3A_2013 = vector.extract_strided_slice %le3A_2005 {offsets = [192, 0], sizes = [192, 512], strides = [1, 1]} : vector<576x512xi1> to vector<192x512xi1>
    %broadcast_in_dim3A_2014 = vector.broadcast %scan3A_1236 : bf16 to vector<192x512xbf16>
    %broadcast_in_dim3A_2015 = vector.broadcast %scan3A_1237 : bf16 to vector<192x512xbf16>
    %select_n3A_2016 = arith.select %slice3A_2013, %broadcast_in_dim3A_2014, %broadcast_in_dim3A_2015 : vector<192x512xi1>, vector<192x512xbf16>
    %reduce_sum3A_2017 = arith.constant dense<0.000000e+00> : vector<512xbf16>
    %reduce_sum3A_2018 = vector.multi_reduction <add>, %select_n3A_2016, %reduce_sum3A_2017 [0] : vector<192x512xbf16> to vector<512xbf16>
    %broadcast_in_dim3A_2019 = vector.shape_cast %reduce_sum3A_2018 : vector<512xbf16> to vector<1x512xbf16>
    %slice3A_2020 = vector.extract_strided_slice %le3A_2005 {offsets = [384, 0], sizes = [192, 512], strides = [1, 1]} : vector<576x512xi1> to vector<192x512xi1>
    %broadcast_in_dim3A_2021 = vector.broadcast %scan3A_1236 : bf16 to vector<192x512xbf16>
    %broadcast_in_dim3A_2022 = vector.broadcast %scan3A_1237 : bf16 to vector<192x512xbf16>
    %select_n3A_2023 = arith.select %slice3A_2020, %broadcast_in_dim3A_2021, %broadcast_in_dim3A_2022 : vector<192x512xi1>, vector<192x512xbf16>
    %reduce_sum3A_2024 = arith.constant dense<0.000000e+00> : vector<512xbf16>
    %reduce_sum3A_2025 = vector.multi_reduction <add>, %select_n3A_2023, %reduce_sum3A_2024 [0] : vector<192x512xbf16> to vector<512xbf16>
    %broadcast_in_dim3A_2026 = vector.shape_cast %reduce_sum3A_2025 : vector<512xbf16> to vector<1x512xbf16>
    %convert_element_type3A_2027 = arith.extf %broadcast_in_dim3A_2012 : vector<1x512xbf16> to vector<1x512xf32>
    %convert_element_type3A_2028 = arith.extf %broadcast_in_dim3A_2019 : vector<1x512xbf16> to vector<1x512xf32>
    %add3A_2029 = arith.addf %convert_element_type3A_2027, %convert_element_type3A_2028 : vector<1x512xf32>
    %convert_element_type3A_2030 = arith.extf %broadcast_in_dim3A_2026 : vector<1x512xbf16> to vector<1x512xf32>
    %add3A_2031 = arith.addf %add3A_2029, %convert_element_type3A_2030 : vector<1x512xf32>
    %ge3A_2032 = vector.broadcast %scan3A_1238 : f32 to vector<1x512xf32>
    %ge3A_2033 = arith.cmpf oge, %add3A_2031, %ge3A_2032 : vector<1x512xf32>
    %select_n3A_2034 = arith.select %ge3A_2033, %shift_right_arithmetic3A_2001, %select_n3A_1954 : vector<1x512xi1>, vector<1x512xi32>
    %add3A_2035 = arith.constant 1 : i32
    %add3A_2036 = vector.broadcast %add3A_2035 : i32 to vector<1x512xi32>
    %add3A_2037 = arith.addi %shift_right_arithmetic3A_2001, %add3A_2036 : vector<1x512xi32>
    %select_n3A_2038 = arith.select %ge3A_2033, %select_n3A_1958, %add3A_2037 : vector<1x512xi1>, vector<1x512xi32>
    %scan3A_2039 = arith.constant 10 : i32
    %add3A_2040 = arith.addi %select_n3A_1996, %select_n3A_1997 : vector<1x512xi32>
    %shift_right_arithmetic3A_2041 = arith.constant 1 : i32
    %shift_right_arithmetic3A_2042 = vector.broadcast %shift_right_arithmetic3A_2041 : i32 to vector<1x512xi32>
    %shift_right_arithmetic3A_2043 = arith.shrsi %add3A_2040, %shift_right_arithmetic3A_2042 : vector<1x512xi32>
    %convert_element_type3A_2044 = arith.trunci %shift_right_arithmetic3A_2043 : vector<1x512xi32> to vector<1x512xi16>
    %bitcast_convert_type3A_2045 = tpu.bitcast %convert_element_type3A_2044 : vector<1x512xi16> -> vector<1x512xbf16>
    %ge3A_2046 = vector.broadcast %bitcast_convert_type3A_2045 : vector<1x512xbf16> to vector<576x512xbf16>
    %ge3A_2047 = arith.cmpf oge, %bitcast_convert_type3A_1218, %ge3A_2046 : vector<576x512xbf16>
    %slice3A_2048 = vector.extract_strided_slice %ge3A_2047 {offsets = [0, 0], sizes = [192, 512], strides = [1, 1]} : vector<576x512xi1> to vector<192x512xi1>
    %broadcast_in_dim3A_2049 = vector.broadcast %scan3A_1236 : bf16 to vector<192x512xbf16>
    %broadcast_in_dim3A_2050 = vector.broadcast %scan3A_1237 : bf16 to vector<192x512xbf16>
    %select_n3A_2051 = arith.select %slice3A_2048, %broadcast_in_dim3A_2049, %broadcast_in_dim3A_2050 : vector<192x512xi1>, vector<192x512xbf16>
    %reduce_sum3A_2052 = arith.constant dense<0.000000e+00> : vector<512xbf16>
    %reduce_sum3A_2053 = vector.multi_reduction <add>, %select_n3A_2051, %reduce_sum3A_2052 [0] : vector<192x512xbf16> to vector<512xbf16>
    %broadcast_in_dim3A_2054 = vector.shape_cast %reduce_sum3A_2053 : vector<512xbf16> to vector<1x512xbf16>
    %slice3A_2055 = vector.extract_strided_slice %ge3A_2047 {offsets = [192, 0], sizes = [192, 512], strides = [1, 1]} : vector<576x512xi1> to vector<192x512xi1>
    %broadcast_in_dim3A_2056 = vector.broadcast %scan3A_1236 : bf16 to vector<192x512xbf16>
    %broadcast_in_dim3A_2057 = vector.broadcast %scan3A_1237 : bf16 to vector<192x512xbf16>
    %select_n3A_2058 = arith.select %slice3A_2055, %broadcast_in_dim3A_2056, %broadcast_in_dim3A_2057 : vector<192x512xi1>, vector<192x512xbf16>
    %reduce_sum3A_2059 = arith.constant dense<0.000000e+00> : vector<512xbf16>
    %reduce_sum3A_2060 = vector.multi_reduction <add>, %select_n3A_2058, %reduce_sum3A_2059 [0] : vector<192x512xbf16> to vector<512xbf16>
    %broadcast_in_dim3A_2061 = vector.shape_cast %reduce_sum3A_2060 : vector<512xbf16> to vector<1x512xbf16>
    %slice3A_2062 = vector.extract_strided_slice %ge3A_2047 {offsets = [384, 0], sizes = [192, 512], strides = [1, 1]} : vector<576x512xi1> to vector<192x512xi1>
    %broadcast_in_dim3A_2063 = vector.broadcast %scan3A_1236 : bf16 to vector<192x512xbf16>
    %broadcast_in_dim3A_2064 = vector.broadcast %scan3A_1237 : bf16 to vector<192x512xbf16>
    %select_n3A_2065 = arith.select %slice3A_2062, %broadcast_in_dim3A_2063, %broadcast_in_dim3A_2064 : vector<192x512xi1>, vector<192x512xbf16>
    %reduce_sum3A_2066 = arith.constant dense<0.000000e+00> : vector<512xbf16>
    %reduce_sum3A_2067 = vector.multi_reduction <add>, %select_n3A_2065, %reduce_sum3A_2066 [0] : vector<192x512xbf16> to vector<512xbf16>
    %broadcast_in_dim3A_2068 = vector.shape_cast %reduce_sum3A_2067 : vector<512xbf16> to vector<1x512xbf16>
    %convert_element_type3A_2069 = arith.extf %broadcast_in_dim3A_2054 : vector<1x512xbf16> to vector<1x512xf32>
    %convert_element_type3A_2070 = arith.extf %broadcast_in_dim3A_2061 : vector<1x512xbf16> to vector<1x512xf32>
    %add3A_2071 = arith.addf %convert_element_type3A_2069, %convert_element_type3A_2070 : vector<1x512xf32>
    %convert_element_type3A_2072 = arith.extf %broadcast_in_dim3A_2068 : vector<1x512xbf16> to vector<1x512xf32>
    %add3A_2073 = arith.addf %add3A_2071, %convert_element_type3A_2072 : vector<1x512xf32>
    %ge3A_2074 = vector.broadcast %scan3A_1238 : f32 to vector<1x512xf32>
    %ge3A_2075 = arith.cmpf oge, %add3A_2073, %ge3A_2074 : vector<1x512xf32>
    %select_n3A_2076 = arith.select %ge3A_2075, %shift_right_arithmetic3A_2043, %select_n3A_1996 : vector<1x512xi1>, vector<1x512xi32>
    %select_n3A_2077 = arith.select %ge3A_2075, %select_n3A_1997, %shift_right_arithmetic3A_2043 : vector<1x512xi1>, vector<1x512xi32>
    %add3A_2078 = arith.addi %select_n3A_2038, %select_n3A_2034 : vector<1x512xi32>
    %shift_right_arithmetic3A_2079 = arith.constant 1 : i32
    %shift_right_arithmetic3A_2080 = vector.broadcast %shift_right_arithmetic3A_2079 : i32 to vector<1x512xi32>
    %shift_right_arithmetic3A_2081 = arith.shrsi %add3A_2078, %shift_right_arithmetic3A_2080 : vector<1x512xi32>
    %convert_element_type3A_2082 = arith.trunci %shift_right_arithmetic3A_2081 : vector<1x512xi32> to vector<1x512xi16>
    %bitcast_convert_type3A_2083 = tpu.bitcast %convert_element_type3A_2082 : vector<1x512xi16> -> vector<1x512xbf16>
    %le3A_2084 = vector.broadcast %bitcast_convert_type3A_2083 : vector<1x512xbf16> to vector<576x512xbf16>
    %le3A_2085 = arith.cmpf ole, %bitcast_convert_type3A_1228, %le3A_2084 : vector<576x512xbf16>
    %slice3A_2086 = vector.extract_strided_slice %le3A_2085 {offsets = [0, 0], sizes = [192, 512], strides = [1, 1]} : vector<576x512xi1> to vector<192x512xi1>
    %broadcast_in_dim3A_2087 = vector.broadcast %scan3A_1236 : bf16 to vector<192x512xbf16>
    %broadcast_in_dim3A_2088 = vector.broadcast %scan3A_1237 : bf16 to vector<192x512xbf16>
    %select_n3A_2089 = arith.select %slice3A_2086, %broadcast_in_dim3A_2087, %broadcast_in_dim3A_2088 : vector<192x512xi1>, vector<192x512xbf16>
    %reduce_sum3A_2090 = arith.constant dense<0.000000e+00> : vector<512xbf16>
    %reduce_sum3A_2091 = vector.multi_reduction <add>, %select_n3A_2089, %reduce_sum3A_2090 [0] : vector<192x512xbf16> to vector<512xbf16>
    %broadcast_in_dim3A_2092 = vector.shape_cast %reduce_sum3A_2091 : vector<512xbf16> to vector<1x512xbf16>
    %slice3A_2093 = vector.extract_strided_slice %le3A_2085 {offsets = [192, 0], sizes = [192, 512], strides = [1, 1]} : vector<576x512xi1> to vector<192x512xi1>
    %broadcast_in_dim3A_2094 = vector.broadcast %scan3A_1236 : bf16 to vector<192x512xbf16>
    %broadcast_in_dim3A_2095 = vector.broadcast %scan3A_1237 : bf16 to vector<192x512xbf16>
    %select_n3A_2096 = arith.select %slice3A_2093, %broadcast_in_dim3A_2094, %broadcast_in_dim3A_2095 : vector<192x512xi1>, vector<192x512xbf16>
    %reduce_sum3A_2097 = arith.constant dense<0.000000e+00> : vector<512xbf16>
    %reduce_sum3A_2098 = vector.multi_reduction <add>, %select_n3A_2096, %reduce_sum3A_2097 [0] : vector<192x512xbf16> to vector<512xbf16>
    %broadcast_in_dim3A_2099 = vector.shape_cast %reduce_sum3A_2098 : vector<512xbf16> to vector<1x512xbf16>
    %slice3A_2100 = vector.extract_strided_slice %le3A_2085 {offsets = [384, 0], sizes = [192, 512], strides = [1, 1]} : vector<576x512xi1> to vector<192x512xi1>
    %broadcast_in_dim3A_2101 = vector.broadcast %scan3A_1236 : bf16 to vector<192x512xbf16>
    %broadcast_in_dim3A_2102 = vector.broadcast %scan3A_1237 : bf16 to vector<192x512xbf16>
    %select_n3A_2103 = arith.select %slice3A_2100, %broadcast_in_dim3A_2101, %broadcast_in_dim3A_2102 : vector<192x512xi1>, vector<192x512xbf16>
    %reduce_sum3A_2104 = arith.constant dense<0.000000e+00> : vector<512xbf16>
    %reduce_sum3A_2105 = vector.multi_reduction <add>, %select_n3A_2103, %reduce_sum3A_2104 [0] : vector<192x512xbf16> to vector<512xbf16>
    %broadcast_in_dim3A_2106 = vector.shape_cast %reduce_sum3A_2105 : vector<512xbf16> to vector<1x512xbf16>
    %convert_element_type3A_2107 = arith.extf %broadcast_in_dim3A_2092 : vector<1x512xbf16> to vector<1x512xf32>
    %convert_element_type3A_2108 = arith.extf %broadcast_in_dim3A_2099 : vector<1x512xbf16> to vector<1x512xf32>
    %add3A_2109 = arith.addf %convert_element_type3A_2107, %convert_element_type3A_2108 : vector<1x512xf32>
    %convert_element_type3A_2110 = arith.extf %broadcast_in_dim3A_2106 : vector<1x512xbf16> to vector<1x512xf32>
    %add3A_2111 = arith.addf %add3A_2109, %convert_element_type3A_2110 : vector<1x512xf32>
    %ge3A_2112 = vector.broadcast %scan3A_1238 : f32 to vector<1x512xf32>
    %ge3A_2113 = arith.cmpf oge, %add3A_2111, %ge3A_2112 : vector<1x512xf32>
    %select_n3A_2114 = arith.select %ge3A_2113, %shift_right_arithmetic3A_2081, %select_n3A_2034 : vector<1x512xi1>, vector<1x512xi32>
    %add3A_2115 = arith.constant 1 : i32
    %add3A_2116 = vector.broadcast %add3A_2115 : i32 to vector<1x512xi32>
    %add3A_2117 = arith.addi %shift_right_arithmetic3A_2081, %add3A_2116 : vector<1x512xi32>
    %select_n3A_2118 = arith.select %ge3A_2113, %select_n3A_2038, %add3A_2117 : vector<1x512xi1>, vector<1x512xi32>
    %scan3A_2119 = arith.constant 11 : i32
    %add3A_2120 = arith.addi %select_n3A_2076, %select_n3A_2077 : vector<1x512xi32>
    %shift_right_arithmetic3A_2121 = arith.constant 1 : i32
    %shift_right_arithmetic3A_2122 = vector.broadcast %shift_right_arithmetic3A_2121 : i32 to vector<1x512xi32>
    %shift_right_arithmetic3A_2123 = arith.shrsi %add3A_2120, %shift_right_arithmetic3A_2122 : vector<1x512xi32>
    %convert_element_type3A_2124 = arith.trunci %shift_right_arithmetic3A_2123 : vector<1x512xi32> to vector<1x512xi16>
    %bitcast_convert_type3A_2125 = tpu.bitcast %convert_element_type3A_2124 : vector<1x512xi16> -> vector<1x512xbf16>
    %ge3A_2126 = vector.broadcast %bitcast_convert_type3A_2125 : vector<1x512xbf16> to vector<576x512xbf16>
    %ge3A_2127 = arith.cmpf oge, %bitcast_convert_type3A_1218, %ge3A_2126 : vector<576x512xbf16>
    %slice3A_2128 = vector.extract_strided_slice %ge3A_2127 {offsets = [0, 0], sizes = [192, 512], strides = [1, 1]} : vector<576x512xi1> to vector<192x512xi1>
    %broadcast_in_dim3A_2129 = vector.broadcast %scan3A_1236 : bf16 to vector<192x512xbf16>
    %broadcast_in_dim3A_2130 = vector.broadcast %scan3A_1237 : bf16 to vector<192x512xbf16>
    %select_n3A_2131 = arith.select %slice3A_2128, %broadcast_in_dim3A_2129, %broadcast_in_dim3A_2130 : vector<192x512xi1>, vector<192x512xbf16>
    %reduce_sum3A_2132 = arith.constant dense<0.000000e+00> : vector<512xbf16>
    %reduce_sum3A_2133 = vector.multi_reduction <add>, %select_n3A_2131, %reduce_sum3A_2132 [0] : vector<192x512xbf16> to vector<512xbf16>
    %broadcast_in_dim3A_2134 = vector.shape_cast %reduce_sum3A_2133 : vector<512xbf16> to vector<1x512xbf16>
    %slice3A_2135 = vector.extract_strided_slice %ge3A_2127 {offsets = [192, 0], sizes = [192, 512], strides = [1, 1]} : vector<576x512xi1> to vector<192x512xi1>
    %broadcast_in_dim3A_2136 = vector.broadcast %scan3A_1236 : bf16 to vector<192x512xbf16>
    %broadcast_in_dim3A_2137 = vector.broadcast %scan3A_1237 : bf16 to vector<192x512xbf16>
    %select_n3A_2138 = arith.select %slice3A_2135, %broadcast_in_dim3A_2136, %broadcast_in_dim3A_2137 : vector<192x512xi1>, vector<192x512xbf16>
    %reduce_sum3A_2139 = arith.constant dense<0.000000e+00> : vector<512xbf16>
    %reduce_sum3A_2140 = vector.multi_reduction <add>, %select_n3A_2138, %reduce_sum3A_2139 [0] : vector<192x512xbf16> to vector<512xbf16>
    %broadcast_in_dim3A_2141 = vector.shape_cast %reduce_sum3A_2140 : vector<512xbf16> to vector<1x512xbf16>
    %slice3A_2142 = vector.extract_strided_slice %ge3A_2127 {offsets = [384, 0], sizes = [192, 512], strides = [1, 1]} : vector<576x512xi1> to vector<192x512xi1>
    %broadcast_in_dim3A_2143 = vector.broadcast %scan3A_1236 : bf16 to vector<192x512xbf16>
    %broadcast_in_dim3A_2144 = vector.broadcast %scan3A_1237 : bf16 to vector<192x512xbf16>
    %select_n3A_2145 = arith.select %slice3A_2142, %broadcast_in_dim3A_2143, %broadcast_in_dim3A_2144 : vector<192x512xi1>, vector<192x512xbf16>
    %reduce_sum3A_2146 = arith.constant dense<0.000000e+00> : vector<512xbf16>
    %reduce_sum3A_2147 = vector.multi_reduction <add>, %select_n3A_2145, %reduce_sum3A_2146 [0] : vector<192x512xbf16> to vector<512xbf16>
    %broadcast_in_dim3A_2148 = vector.shape_cast %reduce_sum3A_2147 : vector<512xbf16> to vector<1x512xbf16>
    %convert_element_type3A_2149 = arith.extf %broadcast_in_dim3A_2134 : vector<1x512xbf16> to vector<1x512xf32>
    %convert_element_type3A_2150 = arith.extf %broadcast_in_dim3A_2141 : vector<1x512xbf16> to vector<1x512xf32>
    %add3A_2151 = arith.addf %convert_element_type3A_2149, %convert_element_type3A_2150 : vector<1x512xf32>
    %convert_element_type3A_2152 = arith.extf %broadcast_in_dim3A_2148 : vector<1x512xbf16> to vector<1x512xf32>
    %add3A_2153 = arith.addf %add3A_2151, %convert_element_type3A_2152 : vector<1x512xf32>
    %ge3A_2154 = vector.broadcast %scan3A_1238 : f32 to vector<1x512xf32>
    %ge3A_2155 = arith.cmpf oge, %add3A_2153, %ge3A_2154 : vector<1x512xf32>
    %select_n3A_2156 = arith.select %ge3A_2155, %shift_right_arithmetic3A_2123, %select_n3A_2076 : vector<1x512xi1>, vector<1x512xi32>
    %select_n3A_2157 = arith.select %ge3A_2155, %select_n3A_2077, %shift_right_arithmetic3A_2123 : vector<1x512xi1>, vector<1x512xi32>
    %add3A_2158 = arith.addi %select_n3A_2118, %select_n3A_2114 : vector<1x512xi32>
    %shift_right_arithmetic3A_2159 = arith.constant 1 : i32
    %shift_right_arithmetic3A_2160 = vector.broadcast %shift_right_arithmetic3A_2159 : i32 to vector<1x512xi32>
    %shift_right_arithmetic3A_2161 = arith.shrsi %add3A_2158, %shift_right_arithmetic3A_2160 : vector<1x512xi32>
    %convert_element_type3A_2162 = arith.trunci %shift_right_arithmetic3A_2161 : vector<1x512xi32> to vector<1x512xi16>
    %bitcast_convert_type3A_2163 = tpu.bitcast %convert_element_type3A_2162 : vector<1x512xi16> -> vector<1x512xbf16>
    %le3A_2164 = vector.broadcast %bitcast_convert_type3A_2163 : vector<1x512xbf16> to vector<576x512xbf16>
    %le3A_2165 = arith.cmpf ole, %bitcast_convert_type3A_1228, %le3A_2164 : vector<576x512xbf16>
    %slice3A_2166 = vector.extract_strided_slice %le3A_2165 {offsets = [0, 0], sizes = [192, 512], strides = [1, 1]} : vector<576x512xi1> to vector<192x512xi1>
    %broadcast_in_dim3A_2167 = vector.broadcast %scan3A_1236 : bf16 to vector<192x512xbf16>
    %broadcast_in_dim3A_2168 = vector.broadcast %scan3A_1237 : bf16 to vector<192x512xbf16>
    %select_n3A_2169 = arith.select %slice3A_2166, %broadcast_in_dim3A_2167, %broadcast_in_dim3A_2168 : vector<192x512xi1>, vector<192x512xbf16>
    %reduce_sum3A_2170 = arith.constant dense<0.000000e+00> : vector<512xbf16>
    %reduce_sum3A_2171 = vector.multi_reduction <add>, %select_n3A_2169, %reduce_sum3A_2170 [0] : vector<192x512xbf16> to vector<512xbf16>
    %broadcast_in_dim3A_2172 = vector.shape_cast %reduce_sum3A_2171 : vector<512xbf16> to vector<1x512xbf16>
    %slice3A_2173 = vector.extract_strided_slice %le3A_2165 {offsets = [192, 0], sizes = [192, 512], strides = [1, 1]} : vector<576x512xi1> to vector<192x512xi1>
    %broadcast_in_dim3A_2174 = vector.broadcast %scan3A_1236 : bf16 to vector<192x512xbf16>
    %broadcast_in_dim3A_2175 = vector.broadcast %scan3A_1237 : bf16 to vector<192x512xbf16>
    %select_n3A_2176 = arith.select %slice3A_2173, %broadcast_in_dim3A_2174, %broadcast_in_dim3A_2175 : vector<192x512xi1>, vector<192x512xbf16>
    %reduce_sum3A_2177 = arith.constant dense<0.000000e+00> : vector<512xbf16>
    %reduce_sum3A_2178 = vector.multi_reduction <add>, %select_n3A_2176, %reduce_sum3A_2177 [0] : vector<192x512xbf16> to vector<512xbf16>
    %broadcast_in_dim3A_2179 = vector.shape_cast %reduce_sum3A_2178 : vector<512xbf16> to vector<1x512xbf16>
    %slice3A_2180 = vector.extract_strided_slice %le3A_2165 {offsets = [384, 0], sizes = [192, 512], strides = [1, 1]} : vector<576x512xi1> to vector<192x512xi1>
    %broadcast_in_dim3A_2181 = vector.broadcast %scan3A_1236 : bf16 to vector<192x512xbf16>
    %broadcast_in_dim3A_2182 = vector.broadcast %scan3A_1237 : bf16 to vector<192x512xbf16>
    %select_n3A_2183 = arith.select %slice3A_2180, %broadcast_in_dim3A_2181, %broadcast_in_dim3A_2182 : vector<192x512xi1>, vector<192x512xbf16>
    %reduce_sum3A_2184 = arith.constant dense<0.000000e+00> : vector<512xbf16>
    %reduce_sum3A_2185 = vector.multi_reduction <add>, %select_n3A_2183, %reduce_sum3A_2184 [0] : vector<192x512xbf16> to vector<512xbf16>
    %broadcast_in_dim3A_2186 = vector.shape_cast %reduce_sum3A_2185 : vector<512xbf16> to vector<1x512xbf16>
    %convert_element_type3A_2187 = arith.extf %broadcast_in_dim3A_2172 : vector<1x512xbf16> to vector<1x512xf32>
    %convert_element_type3A_2188 = arith.extf %broadcast_in_dim3A_2179 : vector<1x512xbf16> to vector<1x512xf32>
    %add3A_2189 = arith.addf %convert_element_type3A_2187, %convert_element_type3A_2188 : vector<1x512xf32>
    %convert_element_type3A_2190 = arith.extf %broadcast_in_dim3A_2186 : vector<1x512xbf16> to vector<1x512xf32>
    %add3A_2191 = arith.addf %add3A_2189, %convert_element_type3A_2190 : vector<1x512xf32>
    %ge3A_2192 = vector.broadcast %scan3A_1238 : f32 to vector<1x512xf32>
    %ge3A_2193 = arith.cmpf oge, %add3A_2191, %ge3A_2192 : vector<1x512xf32>
    %select_n3A_2194 = arith.select %ge3A_2193, %shift_right_arithmetic3A_2161, %select_n3A_2114 : vector<1x512xi1>, vector<1x512xi32>
    %add3A_2195 = arith.constant 1 : i32
    %add3A_2196 = vector.broadcast %add3A_2195 : i32 to vector<1x512xi32>
    %add3A_2197 = arith.addi %shift_right_arithmetic3A_2161, %add3A_2196 : vector<1x512xi32>
    %select_n3A_2198 = arith.select %ge3A_2193, %select_n3A_2118, %add3A_2197 : vector<1x512xi1>, vector<1x512xi32>
    %scan3A_2199 = arith.constant 12 : i32
    %add3A_2200 = arith.addi %select_n3A_2156, %select_n3A_2157 : vector<1x512xi32>
    %shift_right_arithmetic3A_2201 = arith.constant 1 : i32
    %shift_right_arithmetic3A_2202 = vector.broadcast %shift_right_arithmetic3A_2201 : i32 to vector<1x512xi32>
    %shift_right_arithmetic3A_2203 = arith.shrsi %add3A_2200, %shift_right_arithmetic3A_2202 : vector<1x512xi32>
    %convert_element_type3A_2204 = arith.trunci %shift_right_arithmetic3A_2203 : vector<1x512xi32> to vector<1x512xi16>
    %bitcast_convert_type3A_2205 = tpu.bitcast %convert_element_type3A_2204 : vector<1x512xi16> -> vector<1x512xbf16>
    %ge3A_2206 = vector.broadcast %bitcast_convert_type3A_2205 : vector<1x512xbf16> to vector<576x512xbf16>
    %ge3A_2207 = arith.cmpf oge, %bitcast_convert_type3A_1218, %ge3A_2206 : vector<576x512xbf16>
    %slice3A_2208 = vector.extract_strided_slice %ge3A_2207 {offsets = [0, 0], sizes = [192, 512], strides = [1, 1]} : vector<576x512xi1> to vector<192x512xi1>
    %broadcast_in_dim3A_2209 = vector.broadcast %scan3A_1236 : bf16 to vector<192x512xbf16>
    %broadcast_in_dim3A_2210 = vector.broadcast %scan3A_1237 : bf16 to vector<192x512xbf16>
    %select_n3A_2211 = arith.select %slice3A_2208, %broadcast_in_dim3A_2209, %broadcast_in_dim3A_2210 : vector<192x512xi1>, vector<192x512xbf16>
    %reduce_sum3A_2212 = arith.constant dense<0.000000e+00> : vector<512xbf16>
    %reduce_sum3A_2213 = vector.multi_reduction <add>, %select_n3A_2211, %reduce_sum3A_2212 [0] : vector<192x512xbf16> to vector<512xbf16>
    %broadcast_in_dim3A_2214 = vector.shape_cast %reduce_sum3A_2213 : vector<512xbf16> to vector<1x512xbf16>
    %slice3A_2215 = vector.extract_strided_slice %ge3A_2207 {offsets = [192, 0], sizes = [192, 512], strides = [1, 1]} : vector<576x512xi1> to vector<192x512xi1>
    %broadcast_in_dim3A_2216 = vector.broadcast %scan3A_1236 : bf16 to vector<192x512xbf16>
    %broadcast_in_dim3A_2217 = vector.broadcast %scan3A_1237 : bf16 to vector<192x512xbf16>
    %select_n3A_2218 = arith.select %slice3A_2215, %broadcast_in_dim3A_2216, %broadcast_in_dim3A_2217 : vector<192x512xi1>, vector<192x512xbf16>
    %reduce_sum3A_2219 = arith.constant dense<0.000000e+00> : vector<512xbf16>
    %reduce_sum3A_2220 = vector.multi_reduction <add>, %select_n3A_2218, %reduce_sum3A_2219 [0] : vector<192x512xbf16> to vector<512xbf16>
    %broadcast_in_dim3A_2221 = vector.shape_cast %reduce_sum3A_2220 : vector<512xbf16> to vector<1x512xbf16>
    %slice3A_2222 = vector.extract_strided_slice %ge3A_2207 {offsets = [384, 0], sizes = [192, 512], strides = [1, 1]} : vector<576x512xi1> to vector<192x512xi1>
    %broadcast_in_dim3A_2223 = vector.broadcast %scan3A_1236 : bf16 to vector<192x512xbf16>
    %broadcast_in_dim3A_2224 = vector.broadcast %scan3A_1237 : bf16 to vector<192x512xbf16>
    %select_n3A_2225 = arith.select %slice3A_2222, %broadcast_in_dim3A_2223, %broadcast_in_dim3A_2224 : vector<192x512xi1>, vector<192x512xbf16>
    %reduce_sum3A_2226 = arith.constant dense<0.000000e+00> : vector<512xbf16>
    %reduce_sum3A_2227 = vector.multi_reduction <add>, %select_n3A_2225, %reduce_sum3A_2226 [0] : vector<192x512xbf16> to vector<512xbf16>
    %broadcast_in_dim3A_2228 = vector.shape_cast %reduce_sum3A_2227 : vector<512xbf16> to vector<1x512xbf16>
    %convert_element_type3A_2229 = arith.extf %broadcast_in_dim3A_2214 : vector<1x512xbf16> to vector<1x512xf32>
    %convert_element_type3A_2230 = arith.extf %broadcast_in_dim3A_2221 : vector<1x512xbf16> to vector<1x512xf32>
    %add3A_2231 = arith.addf %convert_element_type3A_2229, %convert_element_type3A_2230 : vector<1x512xf32>
    %convert_element_type3A_2232 = arith.extf %broadcast_in_dim3A_2228 : vector<1x512xbf16> to vector<1x512xf32>
    %add3A_2233 = arith.addf %add3A_2231, %convert_element_type3A_2232 : vector<1x512xf32>
    %ge3A_2234 = vector.broadcast %scan3A_1238 : f32 to vector<1x512xf32>
    %ge3A_2235 = arith.cmpf oge, %add3A_2233, %ge3A_2234 : vector<1x512xf32>
    %select_n3A_2236 = arith.select %ge3A_2235, %shift_right_arithmetic3A_2203, %select_n3A_2156 : vector<1x512xi1>, vector<1x512xi32>
    %select_n3A_2237 = arith.select %ge3A_2235, %select_n3A_2157, %shift_right_arithmetic3A_2203 : vector<1x512xi1>, vector<1x512xi32>
    %add3A_2238 = arith.addi %select_n3A_2198, %select_n3A_2194 : vector<1x512xi32>
    %shift_right_arithmetic3A_2239 = arith.constant 1 : i32
    %shift_right_arithmetic3A_2240 = vector.broadcast %shift_right_arithmetic3A_2239 : i32 to vector<1x512xi32>
    %shift_right_arithmetic3A_2241 = arith.shrsi %add3A_2238, %shift_right_arithmetic3A_2240 : vector<1x512xi32>
    %convert_element_type3A_2242 = arith.trunci %shift_right_arithmetic3A_2241 : vector<1x512xi32> to vector<1x512xi16>
    %bitcast_convert_type3A_2243 = tpu.bitcast %convert_element_type3A_2242 : vector<1x512xi16> -> vector<1x512xbf16>
    %le3A_2244 = vector.broadcast %bitcast_convert_type3A_2243 : vector<1x512xbf16> to vector<576x512xbf16>
    %le3A_2245 = arith.cmpf ole, %bitcast_convert_type3A_1228, %le3A_2244 : vector<576x512xbf16>
    %slice3A_2246 = vector.extract_strided_slice %le3A_2245 {offsets = [0, 0], sizes = [192, 512], strides = [1, 1]} : vector<576x512xi1> to vector<192x512xi1>
    %broadcast_in_dim3A_2247 = vector.broadcast %scan3A_1236 : bf16 to vector<192x512xbf16>
    %broadcast_in_dim3A_2248 = vector.broadcast %scan3A_1237 : bf16 to vector<192x512xbf16>
    %select_n3A_2249 = arith.select %slice3A_2246, %broadcast_in_dim3A_2247, %broadcast_in_dim3A_2248 : vector<192x512xi1>, vector<192x512xbf16>
    %reduce_sum3A_2250 = arith.constant dense<0.000000e+00> : vector<512xbf16>
    %reduce_sum3A_2251 = vector.multi_reduction <add>, %select_n3A_2249, %reduce_sum3A_2250 [0] : vector<192x512xbf16> to vector<512xbf16>
    %broadcast_in_dim3A_2252 = vector.shape_cast %reduce_sum3A_2251 : vector<512xbf16> to vector<1x512xbf16>
    %slice3A_2253 = vector.extract_strided_slice %le3A_2245 {offsets = [192, 0], sizes = [192, 512], strides = [1, 1]} : vector<576x512xi1> to vector<192x512xi1>
    %broadcast_in_dim3A_2254 = vector.broadcast %scan3A_1236 : bf16 to vector<192x512xbf16>
    %broadcast_in_dim3A_2255 = vector.broadcast %scan3A_1237 : bf16 to vector<192x512xbf16>
    %select_n3A_2256 = arith.select %slice3A_2253, %broadcast_in_dim3A_2254, %broadcast_in_dim3A_2255 : vector<192x512xi1>, vector<192x512xbf16>
    %reduce_sum3A_2257 = arith.constant dense<0.000000e+00> : vector<512xbf16>
    %reduce_sum3A_2258 = vector.multi_reduction <add>, %select_n3A_2256, %reduce_sum3A_2257 [0] : vector<192x512xbf16> to vector<512xbf16>
    %broadcast_in_dim3A_2259 = vector.shape_cast %reduce_sum3A_2258 : vector<512xbf16> to vector<1x512xbf16>
    %slice3A_2260 = vector.extract_strided_slice %le3A_2245 {offsets = [384, 0], sizes = [192, 512], strides = [1, 1]} : vector<576x512xi1> to vector<192x512xi1>
    %broadcast_in_dim3A_2261 = vector.broadcast %scan3A_1236 : bf16 to vector<192x512xbf16>
    %broadcast_in_dim3A_2262 = vector.broadcast %scan3A_1237 : bf16 to vector<192x512xbf16>
    %select_n3A_2263 = arith.select %slice3A_2260, %broadcast_in_dim3A_2261, %broadcast_in_dim3A_2262 : vector<192x512xi1>, vector<192x512xbf16>
    %reduce_sum3A_2264 = arith.constant dense<0.000000e+00> : vector<512xbf16>
    %reduce_sum3A_2265 = vector.multi_reduction <add>, %select_n3A_2263, %reduce_sum3A_2264 [0] : vector<192x512xbf16> to vector<512xbf16>
    %broadcast_in_dim3A_2266 = vector.shape_cast %reduce_sum3A_2265 : vector<512xbf16> to vector<1x512xbf16>
    %convert_element_type3A_2267 = arith.extf %broadcast_in_dim3A_2252 : vector<1x512xbf16> to vector<1x512xf32>
    %convert_element_type3A_2268 = arith.extf %broadcast_in_dim3A_2259 : vector<1x512xbf16> to vector<1x512xf32>
    %add3A_2269 = arith.addf %convert_element_type3A_2267, %convert_element_type3A_2268 : vector<1x512xf32>
    %convert_element_type3A_2270 = arith.extf %broadcast_in_dim3A_2266 : vector<1x512xbf16> to vector<1x512xf32>
    %add3A_2271 = arith.addf %add3A_2269, %convert_element_type3A_2270 : vector<1x512xf32>
    %ge3A_2272 = vector.broadcast %scan3A_1238 : f32 to vector<1x512xf32>
    %ge3A_2273 = arith.cmpf oge, %add3A_2271, %ge3A_2272 : vector<1x512xf32>
    %select_n3A_2274 = arith.select %ge3A_2273, %shift_right_arithmetic3A_2241, %select_n3A_2194 : vector<1x512xi1>, vector<1x512xi32>
    %add3A_2275 = arith.constant 1 : i32
    %add3A_2276 = vector.broadcast %add3A_2275 : i32 to vector<1x512xi32>
    %add3A_2277 = arith.addi %shift_right_arithmetic3A_2241, %add3A_2276 : vector<1x512xi32>
    %select_n3A_2278 = arith.select %ge3A_2273, %select_n3A_2198, %add3A_2277 : vector<1x512xi1>, vector<1x512xi32>
    %scan3A_2279 = arith.constant 13 : i32
    %add3A_2280 = arith.addi %select_n3A_2236, %select_n3A_2237 : vector<1x512xi32>
    %shift_right_arithmetic3A_2281 = arith.constant 1 : i32
    %shift_right_arithmetic3A_2282 = vector.broadcast %shift_right_arithmetic3A_2281 : i32 to vector<1x512xi32>
    %shift_right_arithmetic3A_2283 = arith.shrsi %add3A_2280, %shift_right_arithmetic3A_2282 : vector<1x512xi32>
    %convert_element_type3A_2284 = arith.trunci %shift_right_arithmetic3A_2283 : vector<1x512xi32> to vector<1x512xi16>
    %bitcast_convert_type3A_2285 = tpu.bitcast %convert_element_type3A_2284 : vector<1x512xi16> -> vector<1x512xbf16>
    %ge3A_2286 = vector.broadcast %bitcast_convert_type3A_2285 : vector<1x512xbf16> to vector<576x512xbf16>
    %ge3A_2287 = arith.cmpf oge, %bitcast_convert_type3A_1218, %ge3A_2286 : vector<576x512xbf16>
    %slice3A_2288 = vector.extract_strided_slice %ge3A_2287 {offsets = [0, 0], sizes = [192, 512], strides = [1, 1]} : vector<576x512xi1> to vector<192x512xi1>
    %broadcast_in_dim3A_2289 = vector.broadcast %scan3A_1236 : bf16 to vector<192x512xbf16>
    %broadcast_in_dim3A_2290 = vector.broadcast %scan3A_1237 : bf16 to vector<192x512xbf16>
    %select_n3A_2291 = arith.select %slice3A_2288, %broadcast_in_dim3A_2289, %broadcast_in_dim3A_2290 : vector<192x512xi1>, vector<192x512xbf16>
    %reduce_sum3A_2292 = arith.constant dense<0.000000e+00> : vector<512xbf16>
    %reduce_sum3A_2293 = vector.multi_reduction <add>, %select_n3A_2291, %reduce_sum3A_2292 [0] : vector<192x512xbf16> to vector<512xbf16>
    %broadcast_in_dim3A_2294 = vector.shape_cast %reduce_sum3A_2293 : vector<512xbf16> to vector<1x512xbf16>
    %slice3A_2295 = vector.extract_strided_slice %ge3A_2287 {offsets = [192, 0], sizes = [192, 512], strides = [1, 1]} : vector<576x512xi1> to vector<192x512xi1>
    %broadcast_in_dim3A_2296 = vector.broadcast %scan3A_1236 : bf16 to vector<192x512xbf16>
    %broadcast_in_dim3A_2297 = vector.broadcast %scan3A_1237 : bf16 to vector<192x512xbf16>
    %select_n3A_2298 = arith.select %slice3A_2295, %broadcast_in_dim3A_2296, %broadcast_in_dim3A_2297 : vector<192x512xi1>, vector<192x512xbf16>
    %reduce_sum3A_2299 = arith.constant dense<0.000000e+00> : vector<512xbf16>
    %reduce_sum3A_2300 = vector.multi_reduction <add>, %select_n3A_2298, %reduce_sum3A_2299 [0] : vector<192x512xbf16> to vector<512xbf16>
    %broadcast_in_dim3A_2301 = vector.shape_cast %reduce_sum3A_2300 : vector<512xbf16> to vector<1x512xbf16>
    %slice3A_2302 = vector.extract_strided_slice %ge3A_2287 {offsets = [384, 0], sizes = [192, 512], strides = [1, 1]} : vector<576x512xi1> to vector<192x512xi1>
    %broadcast_in_dim3A_2303 = vector.broadcast %scan3A_1236 : bf16 to vector<192x512xbf16>
    %broadcast_in_dim3A_2304 = vector.broadcast %scan3A_1237 : bf16 to vector<192x512xbf16>
    %select_n3A_2305 = arith.select %slice3A_2302, %broadcast_in_dim3A_2303, %broadcast_in_dim3A_2304 : vector<192x512xi1>, vector<192x512xbf16>
    %reduce_sum3A_2306 = arith.constant dense<0.000000e+00> : vector<512xbf16>
    %reduce_sum3A_2307 = vector.multi_reduction <add>, %select_n3A_2305, %reduce_sum3A_2306 [0] : vector<192x512xbf16> to vector<512xbf16>
    %broadcast_in_dim3A_2308 = vector.shape_cast %reduce_sum3A_2307 : vector<512xbf16> to vector<1x512xbf16>
    %convert_element_type3A_2309 = arith.extf %broadcast_in_dim3A_2294 : vector<1x512xbf16> to vector<1x512xf32>
    %convert_element_type3A_2310 = arith.extf %broadcast_in_dim3A_2301 : vector<1x512xbf16> to vector<1x512xf32>
    %add3A_2311 = arith.addf %convert_element_type3A_2309, %convert_element_type3A_2310 : vector<1x512xf32>
    %convert_element_type3A_2312 = arith.extf %broadcast_in_dim3A_2308 : vector<1x512xbf16> to vector<1x512xf32>
    %add3A_2313 = arith.addf %add3A_2311, %convert_element_type3A_2312 : vector<1x512xf32>
    %ge3A_2314 = vector.broadcast %scan3A_1238 : f32 to vector<1x512xf32>
    %ge3A_2315 = arith.cmpf oge, %add3A_2313, %ge3A_2314 : vector<1x512xf32>
    %select_n3A_2316 = arith.select %ge3A_2315, %shift_right_arithmetic3A_2283, %select_n3A_2236 : vector<1x512xi1>, vector<1x512xi32>
    %select_n3A_2317 = arith.select %ge3A_2315, %select_n3A_2237, %shift_right_arithmetic3A_2283 : vector<1x512xi1>, vector<1x512xi32>
    %add3A_2318 = arith.addi %select_n3A_2278, %select_n3A_2274 : vector<1x512xi32>
    %shift_right_arithmetic3A_2319 = arith.constant 1 : i32
    %shift_right_arithmetic3A_2320 = vector.broadcast %shift_right_arithmetic3A_2319 : i32 to vector<1x512xi32>
    %shift_right_arithmetic3A_2321 = arith.shrsi %add3A_2318, %shift_right_arithmetic3A_2320 : vector<1x512xi32>
    %convert_element_type3A_2322 = arith.trunci %shift_right_arithmetic3A_2321 : vector<1x512xi32> to vector<1x512xi16>
    %bitcast_convert_type3A_2323 = tpu.bitcast %convert_element_type3A_2322 : vector<1x512xi16> -> vector<1x512xbf16>
    %le3A_2324 = vector.broadcast %bitcast_convert_type3A_2323 : vector<1x512xbf16> to vector<576x512xbf16>
    %le3A_2325 = arith.cmpf ole, %bitcast_convert_type3A_1228, %le3A_2324 : vector<576x512xbf16>
    %slice3A_2326 = vector.extract_strided_slice %le3A_2325 {offsets = [0, 0], sizes = [192, 512], strides = [1, 1]} : vector<576x512xi1> to vector<192x512xi1>
    %broadcast_in_dim3A_2327 = vector.broadcast %scan3A_1236 : bf16 to vector<192x512xbf16>
    %broadcast_in_dim3A_2328 = vector.broadcast %scan3A_1237 : bf16 to vector<192x512xbf16>
    %select_n3A_2329 = arith.select %slice3A_2326, %broadcast_in_dim3A_2327, %broadcast_in_dim3A_2328 : vector<192x512xi1>, vector<192x512xbf16>
    %reduce_sum3A_2330 = arith.constant dense<0.000000e+00> : vector<512xbf16>
    %reduce_sum3A_2331 = vector.multi_reduction <add>, %select_n3A_2329, %reduce_sum3A_2330 [0] : vector<192x512xbf16> to vector<512xbf16>
    %broadcast_in_dim3A_2332 = vector.shape_cast %reduce_sum3A_2331 : vector<512xbf16> to vector<1x512xbf16>
    %slice3A_2333 = vector.extract_strided_slice %le3A_2325 {offsets = [192, 0], sizes = [192, 512], strides = [1, 1]} : vector<576x512xi1> to vector<192x512xi1>
    %broadcast_in_dim3A_2334 = vector.broadcast %scan3A_1236 : bf16 to vector<192x512xbf16>
    %broadcast_in_dim3A_2335 = vector.broadcast %scan3A_1237 : bf16 to vector<192x512xbf16>
    %select_n3A_2336 = arith.select %slice3A_2333, %broadcast_in_dim3A_2334, %broadcast_in_dim3A_2335 : vector<192x512xi1>, vector<192x512xbf16>
    %reduce_sum3A_2337 = arith.constant dense<0.000000e+00> : vector<512xbf16>
    %reduce_sum3A_2338 = vector.multi_reduction <add>, %select_n3A_2336, %reduce_sum3A_2337 [0] : vector<192x512xbf16> to vector<512xbf16>
    %broadcast_in_dim3A_2339 = vector.shape_cast %reduce_sum3A_2338 : vector<512xbf16> to vector<1x512xbf16>
    %slice3A_2340 = vector.extract_strided_slice %le3A_2325 {offsets = [384, 0], sizes = [192, 512], strides = [1, 1]} : vector<576x512xi1> to vector<192x512xi1>
    %broadcast_in_dim3A_2341 = vector.broadcast %scan3A_1236 : bf16 to vector<192x512xbf16>
    %broadcast_in_dim3A_2342 = vector.broadcast %scan3A_1237 : bf16 to vector<192x512xbf16>
    %select_n3A_2343 = arith.select %slice3A_2340, %broadcast_in_dim3A_2341, %broadcast_in_dim3A_2342 : vector<192x512xi1>, vector<192x512xbf16>
    %reduce_sum3A_2344 = arith.constant dense<0.000000e+00> : vector<512xbf16>
    %reduce_sum3A_2345 = vector.multi_reduction <add>, %select_n3A_2343, %reduce_sum3A_2344 [0] : vector<192x512xbf16> to vector<512xbf16>
    %broadcast_in_dim3A_2346 = vector.shape_cast %reduce_sum3A_2345 : vector<512xbf16> to vector<1x512xbf16>
    %convert_element_type3A_2347 = arith.extf %broadcast_in_dim3A_2332 : vector<1x512xbf16> to vector<1x512xf32>
    %convert_element_type3A_2348 = arith.extf %broadcast_in_dim3A_2339 : vector<1x512xbf16> to vector<1x512xf32>
    %add3A_2349 = arith.addf %convert_element_type3A_2347, %convert_element_type3A_2348 : vector<1x512xf32>
    %convert_element_type3A_2350 = arith.extf %broadcast_in_dim3A_2346 : vector<1x512xbf16> to vector<1x512xf32>
    %add3A_2351 = arith.addf %add3A_2349, %convert_element_type3A_2350 : vector<1x512xf32>
    %ge3A_2352 = vector.broadcast %scan3A_1238 : f32 to vector<1x512xf32>
    %ge3A_2353 = arith.cmpf oge, %add3A_2351, %ge3A_2352 : vector<1x512xf32>
    %select_n3A_2354 = arith.select %ge3A_2353, %shift_right_arithmetic3A_2321, %select_n3A_2274 : vector<1x512xi1>, vector<1x512xi32>
    %add3A_2355 = arith.constant 1 : i32
    %add3A_2356 = vector.broadcast %add3A_2355 : i32 to vector<1x512xi32>
    %add3A_2357 = arith.addi %shift_right_arithmetic3A_2321, %add3A_2356 : vector<1x512xi32>
    %select_n3A_2358 = arith.select %ge3A_2353, %select_n3A_2278, %add3A_2357 : vector<1x512xi1>, vector<1x512xi32>
    %add3A_2359 = arith.addi %select_n3A_1193, %select_n3A_2316 : vector<1x512xi32>
    %bitcast_convert_type3A_2360 = tpu.bitcast %add3A_2359 : vector<1x512xi32> -> vector<1x512xf32>
    %add3A_2361 = arith.addi %select_n3A_1211, %select_n3A_2354 : vector<1x512xi32>
    %bitcast_convert_type3A_2362 = tpu.bitcast %add3A_2361 : vector<1x512xi32> -> vector<1x512xf32>
    %gt3A = vector.broadcast %bitcast_convert_type3A_2360 : vector<1x512xf32> to vector<576x512xf32>
    %gt3A_2363 = arith.cmpf ogt, %get3A_1, %gt3A : vector<576x512xf32>
    %convert_element_type3A_2364 = arith.extui %gt3A_2363 : vector<576x512xi1> to vector<576x512xi32>
    %convert_element_type3A_2365 = arith.sitofp %convert_element_type3A_2364 : vector<576x512xi32> to vector<576x512xf32>
    %reduce_sum3A_2366 = arith.constant dense<0.000000e+00> : vector<512xf32>
    %reduce_sum3A_2367 = vector.multi_reduction <add>, %convert_element_type3A_2365, %reduce_sum3A_2366 [0] : vector<576x512xf32> to vector<512xf32>
    %broadcast_in_dim3A_2368 = vector.shape_cast %reduce_sum3A_2367 : vector<512xf32> to vector<1x512xf32>
    %mul3A = arith.mulf %get3A_1, %convert_element_type3A_2365 : vector<576x512xf32>
    %reduce_sum3A_2369 = arith.constant dense<0.000000e+00> : vector<512xf32>
    %reduce_sum3A_2370 = vector.multi_reduction <add>, %mul3A, %reduce_sum3A_2369 [0] : vector<576x512xf32> to vector<512xf32>
    %broadcast_in_dim3A_2371 = vector.shape_cast %reduce_sum3A_2370 : vector<512xf32> to vector<1x512xf32>
    %mul3A_2372 = arith.mulf %get3A_1, %get3A_1 : vector<576x512xf32>
    %mul3A_2373 = arith.mulf %mul3A_2372, %convert_element_type3A_2365 : vector<576x512xf32>
    %reduce_sum3A_2374 = arith.constant dense<0.000000e+00> : vector<512xf32>
    %reduce_sum3A_2375 = vector.multi_reduction <add>, %mul3A_2373, %reduce_sum3A_2374 [0] : vector<576x512xf32> to vector<512xf32>
    %broadcast_in_dim3A_2376 = vector.shape_cast %reduce_sum3A_2375 : vector<512xf32> to vector<1x512xf32>
    %sub3A_2377 = arith.constant 5.800000e+01 : f32
    %sub3A_2378 = vector.broadcast %sub3A_2377 : f32 to vector<1x512xf32>
    %sub3A_2379 = arith.subf %sub3A_2378, %broadcast_in_dim3A_2368 : vector<1x512xf32>
    %mul3A_2380 = arith.mulf %sub3A_2379, %bitcast_convert_type3A_2360 : vector<1x512xf32>
    %add3A_2381 = arith.addf %broadcast_in_dim3A_2371, %mul3A_2380 : vector<1x512xf32>
    %mul3A_2382 = arith.mulf %sub3A_2379, %bitcast_convert_type3A_2360 : vector<1x512xf32>
    %mul3A_2383 = arith.mulf %mul3A_2382, %bitcast_convert_type3A_2360 : vector<1x512xf32>
    %add3A_2384 = arith.addf %broadcast_in_dim3A_2376, %mul3A_2383 : vector<1x512xf32>
    %lt3A = vector.broadcast %bitcast_convert_type3A_2362 : vector<1x512xf32> to vector<576x512xf32>
    %lt3A_2385 = arith.cmpf olt, %get3A_1, %lt3A : vector<576x512xf32>
    %convert_element_type3A_2386 = arith.extui %lt3A_2385 : vector<576x512xi1> to vector<576x512xi32>
    %convert_element_type3A_2387 = arith.sitofp %convert_element_type3A_2386 : vector<576x512xi32> to vector<576x512xf32>
    %reduce_sum3A_2388 = arith.constant dense<0.000000e+00> : vector<512xf32>
    %reduce_sum3A_2389 = vector.multi_reduction <add>, %convert_element_type3A_2387, %reduce_sum3A_2388 [0] : vector<576x512xf32> to vector<512xf32>
    %broadcast_in_dim3A_2390 = vector.shape_cast %reduce_sum3A_2389 : vector<512xf32> to vector<1x512xf32>
    %mul3A_2391 = arith.mulf %get3A_1, %convert_element_type3A_2387 : vector<576x512xf32>
    %reduce_sum3A_2392 = arith.constant dense<0.000000e+00> : vector<512xf32>
    %reduce_sum3A_2393 = vector.multi_reduction <add>, %mul3A_2391, %reduce_sum3A_2392 [0] : vector<576x512xf32> to vector<512xf32>
    %broadcast_in_dim3A_2394 = vector.shape_cast %reduce_sum3A_2393 : vector<512xf32> to vector<1x512xf32>
    %sub3A_2395 = arith.constant 5.800000e+01 : f32
    %sub3A_2396 = vector.broadcast %sub3A_2395 : f32 to vector<1x512xf32>
    %sub3A_2397 = arith.subf %sub3A_2396, %broadcast_in_dim3A_2390 : vector<1x512xf32>
    %mul3A_2398 = arith.mulf %sub3A_2397, %bitcast_convert_type3A_2362 : vector<1x512xf32>
    %add3A_2399 = arith.addf %broadcast_in_dim3A_2394, %mul3A_2398 : vector<1x512xf32>
    %get3A_2400 = arith.constant 0 : index
    %get3A_2401 = arith.constant 0 : index
    %get3A_2402 = arith.constant 0 : index
    %get3A_2403 = vector.load %arg2[%get3A_2400, %get3A_2401, %get3A_2402] : memref<1x1x512xf32, #tpu.memory_space<vmem>>, vector<1x1x512xf32>
    %get3A_2404 = vector.shape_cast %get3A_2403 : vector<1x1x512xf32> to vector<1x512xf32>
    %mul3A_2405 = arith.constant 0.0172413792 : f32
    %mul3A_2406 = vector.broadcast %mul3A_2405 : f32 to vector<1x512xf32>
    %mul3A_2407 = arith.mulf %add3A_2381, %mul3A_2406 : vector<1x512xf32>
    %jit3A_2408 = arith.constant 9.99999997E-7 : f32
    %jit3A_2409 = arith.constant 0.999998986 : f32
    %max3A_2410 = vector.broadcast %jit3A_2408 : f32 to vector<1x512xf32>
    %max3A_2411 = arith.maximumf %max3A_2410, %mul3A_2407 : vector<1x512xf32>
    %min3A_2412 = vector.broadcast %jit3A_2409 : f32 to vector<1x512xf32>
    %min3A_2413 = arith.minimumf %min3A_2412, %max3A_2411 : vector<1x512xf32>
    %log3A = math.log %min3A_2413 : vector<1x512xf32>
    %mul3A_2414 = arith.mulf %get3A_2404, %log3A : vector<1x512xf32>
    %sub3A_2415 = arith.constant 1.000000e+00 : f32
    %sub3A_2416 = vector.broadcast %sub3A_2415 : f32 to vector<1x512xf32>
    %sub3A_2417 = arith.subf %sub3A_2416, %get3A_2404 : vector<1x512xf32>
    %sub3A_2418 = arith.constant 1.000000e+00 : f32
    %sub3A_2419 = vector.broadcast %sub3A_2418 : f32 to vector<1x512xf32>
    %sub3A_2420 = arith.subf %sub3A_2419, %min3A_2413 : vector<1x512xf32>
    %log3A_2421 = math.log %sub3A_2420 : vector<1x512xf32>
    %mul3A_2422 = arith.mulf %sub3A_2417, %log3A_2421 : vector<1x512xf32>
    %add3A_2423 = arith.addf %mul3A_2414, %mul3A_2422 : vector<1x512xf32>
    %neg3A = arith.constant 0.000000e+00 : f32
    %neg3A_2424 = vector.broadcast %neg3A : f32 to vector<1x512xf32>
    %neg3A_2425 = arith.subf %neg3A_2424, %add3A_2423 : vector<1x512xf32>
    %sub3A_2426 = arith.constant 1.000000e+00 : f32
    %sub3A_2427 = vector.broadcast %sub3A_2426 : f32 to vector<1x512xf32>
    %sub3A_2428 = arith.subf %sub3A_2427, %get3A_2404 : vector<1x512xf32>
    %mul3A_2429 = arith.constant 0.0172413792 : f32
    %mul3A_2430 = vector.broadcast %mul3A_2429 : f32 to vector<1x512xf32>
    %mul3A_2431 = arith.mulf %add3A_2384, %mul3A_2430 : vector<1x512xf32>
    %mul3A_2432 = arith.mulf %sub3A_2428, %mul3A_2431 : vector<1x512xf32>
    %mul3A_2433 = arith.constant 0.0172413792 : f32
    %mul3A_2434 = vector.broadcast %mul3A_2433 : f32 to vector<1x512xf32>
    %mul3A_2435 = arith.mulf %add3A_2399, %mul3A_2434 : vector<1x512xf32>
    %sub3A_2436 = arith.subf %min3A_2413, %mul3A_2435 : vector<1x512xf32>
    %sub3A_2437 = arith.constant 2.500000e-01 : f32
    %sub3A_2438 = vector.broadcast %sub3A_2437 : f32 to vector<1x512xf32>
    %sub3A_2439 = arith.subf %sub3A_2438, %sub3A_2436 : vector<1x512xf32>
    %max3A_2440 = arith.constant 0.000000e+00 : f32
    %max3A_2441 = vector.broadcast %max3A_2440 : f32 to vector<1x512xf32>
    %max3A_2442 = arith.maximumf %sub3A_2439, %max3A_2441 : vector<1x512xf32>
    %mul3A_2443 = arith.mulf %get3A_2404, %max3A_2442 : vector<1x512xf32>
    %mul3A_2444 = arith.constant 3.500000e-01 : f32
    %mul3A_2445 = vector.broadcast %mul3A_2444 : f32 to vector<1x512xf32>
    %mul3A_2446 = arith.mulf %mul3A_2445, %mul3A_2432 : vector<1x512xf32>
    %add3A_2447 = arith.addf %neg3A_2425, %mul3A_2446 : vector<1x512xf32>
    %mul3A_2448 = arith.constant 1.500000e-01 : f32
    %mul3A_2449 = vector.broadcast %mul3A_2448 : f32 to vector<1x512xf32>
    %mul3A_2450 = arith.mulf %mul3A_2449, %mul3A_2443 : vector<1x512xf32>
    %add3A_2451 = arith.addf %add3A_2447, %mul3A_2450 : vector<1x512xf32>
    %reduce_sum3A_2452 = arith.constant dense<0.000000e+00> : vector<1xf32>
    %reduce_sum3A_2453 = vector.multi_reduction <add>, %add3A_2451, %reduce_sum3A_2452 [1] : vector<1x512xf32> to vector<1xf32>
    %broadcast_in_dim3A_2454 = vector.shape_cast %reduce_sum3A_2453 : vector<1xf32> to vector<1x1xf32>
    %mul3A_2455 = arith.constant 4.06901054E-5 : f32
    %mul3A_2456 = vector.broadcast %mul3A_2455 : f32 to vector<1x1xf32>
    %mul3A_2457 = arith.mulf %broadcast_in_dim3A_2454, %mul3A_2456 : vector<1x1xf32>
    %eq3A = arith.constant 0 : i32
    %eq3A_2458 = arith.cmpi eq, %arg0, %eq3A : i32
    %convert_element_type3A_2459 = arith.extui %eq3A_2458 : i1 to i32
    %cond3A = arith.constant 0 : i32
    %cond3A_2460 = arith.cmpi ne, %convert_element_type3A_2459, %cond3A : i32
    scf.if %cond3A_2460 {
      %broadcast_in_dim3A_2467 = arith.constant 0.000000e+00 : f32
      %broadcast_in_dim3A_2468 = vector.broadcast %broadcast_in_dim3A_2467 : f32 to vector<1x1xf32>
      %swap3A_2469 = arith.constant 0 : index
      %swap3A_2470 = arith.constant 0 : index
      %swap3A_2471 = vector.load %arg3[%swap3A_2469, %swap3A_2470] : memref<1x1xf32, #tpu.memory_space<vmem>>, vector<1x1xf32>
      tpu.vector_store %arg3[%swap3A_2469, %swap3A_2470], %broadcast_in_dim3A_2468 {strides = array<i32>} : memref<1x1xf32, #tpu.memory_space<vmem>>, vector<1x1xf32>,
    } else {
    }
    %get3A_2461 = arith.constant 0 : index
    %get3A_2462 = arith.constant 0 : index
    %get3A_2463 = vector.load %arg3[%get3A_2461, %get3A_2462] : memref<1x1xf32, #tpu.memory_space<vmem>>, vector<1x1xf32>
    %add3A_2464 = arith.addf %get3A_2463, %mul3A_2457 : vector<1x1xf32>
    %swap3A = arith.constant 0 : index
    %swap3A_2465 = arith.constant 0 : index
    %swap3A_2466 = vector.load %arg3[%swap3A, %swap3A_2465] : memref<1x1xf32, #tpu.memory_space<vmem>>, vector<1x1xf32>
    tpu.vector_store %arg3[%swap3A, %swap3A_2465], %add3A_2464 {strides = array<i32>} : memref<1x1xf32, #tpu.memory_space<vmem>>, vector<1x1xf32>,
    return
  }
  func.func @transform_0(%arg0: i32) -> (i32, i32) {
    %c0_i32 = arith.constant 0 : i32
    %c0_i32_0 = arith.constant 0 : i32
    return %c0_i32, %arg0 : i32, i32
  }
  func.func @transform_1(%arg0: i32) -> (i32, i32, i32) {
    %c0_i32 = arith.constant 0 : i32
    %c0_i32_0 = arith.constant 0 : i32
    %c0_i32_1 = arith.constant 0 : i32
    return %arg0, %c0_i32, %c0_i32_0 : i32, i32, i32
  }
  func.func @transform_2(%arg0: i32) -> (i32, i32) {
    %c0_i32 = arith.constant 0 : i32
    %c0_i32_0 = arith.constant 0 : i32
    %c0_i32_1 = arith.constant 0 : i32
    return %c0_i32, %c0_i32_0 : i32, i32
  }
}

</mosaic_0001>

<sc_bundles>
// kernel: sparse-core-data-format-call.1.cloned.1.call-start
scs
called_computation.1_lowered:
.L_overlay_start_0:
0x0: {  	s2 =	sld [smem:$0x3FD9]  }
0x1: {  	s3 =	sld [smem:$0x3FFE];
	_ =	sdelay $0x1  }
0x2: {  	s1 =	srdreg.scid  }
0x3: {  	s0 =	sand.u32 $0x1, s1  }
0x4: {  	s18 =	sshll.u32 s0, $0xA;
	s2 =	sadd.s32 s3, s2  }
0x5: {  	s2 =	sadd.s32 s2, s18  }
0x6: {  	[smem:$0x3FC6] =	sst s2  }
0x7: {  	_ = 	snop  }
0x8: {  	s2 =	sld [smem:$0x3FC9];
	(tm) =	ssettm $0x1  }
0x9: {  	s19 =	sld [smem:$0x3FFB];
	_ =	sdelay $0x3  }
0xa: {  	_ =	strace s19  }
0xb: {  	s3 =	sld [smem:$0x3FFC];
	_ =	sdelay $0x3  }
0xc: {  	_ =	strace s3  }
0xd: {  	s3 =	sld [smem:$0x3FFD];
	_ =	sdelay $0x3  }
0xe: {  	_ =	strace s3  }
0xf: {  	_ =	strace $0x8FFFFFFF  }
0x10: {  	s20 =	sld [smem:$0x3FDB];
	_ =	sdelay $0x1  }
0x11: {  	s4 =	simm.s32 $_scs_section_size  }
0x12: {  	s5 =	simm.s32 $_size__tile_overlayer_lowered;
	s6 =	simm.s32 $_tile_overlayer_lowered  }
0x13: {  	s23 =	simm.s32 $0x1BFF;
	s22 =	sshll.u32 s6, $0x1;
	s3 =	sadd.s32 s4, s20  }
0x14: {  	s7 =	simm.s32 $0x0;
	s21 =	sshll.u32 s5, $0x1;
	s5 =	sadd.s32 s22, s3  }
0x15: {  	[timem:s7], [sflag:s23] =	dma.local [hbm:s5], s21  }
0x16: {  	_ =	swait.ge [sflag:s23], s21  }
0x17: {  	s4 =	ssub.s32 $0x0, s21;
	[sflag:s23] =	ssyncset.done $0x0  }
0x18: {  	[sflag:s23] =	ssyncadd.s32 s4;
	_ =	sdelay $0x1  }
0x19: {  	s24 =	simm.s32 $0x1B8B  }
0x1a: {  	_ =	swait.ge [sflag:s24], $0x1  }
0x1b: {  	[sflag:s24] =	ssyncset.done $0x0  }
0x1c: {  	s26 =	simm.s32 $0x1B8E;
	s25 =	sld [smem:$0x3FFE];
	[sflag:s24] =	ssyncadd.s32 $0xFFFFFFFF  }
0x1d: {  	s27 =	simm.s32 $execute0_lowered;
	[smem:$0x3FD2] =	sst s26  }
0x1e: {  	s5 =	sshll.u32 s27, $0x1;
	_ =	strace $0x80000046;
	[dreg:$0x1] =	wrdreg $0xFFFFFFFF  }
0x1f: {  	s28 =	simm.s32 $_size_execute0_lowered;
	s3 =	sadd.s32 s3, s5;
	[dreg:$0x0] =	wrdreg $0x0  }
0x20: {  	s5 =	sshll.u32 s28, $0x1;
	[dreg:$0x2] =	wrdreg s3  }
0x21: {  	[dreg:$0x3] =	wrdreg s5  }
0x22: {  	[dreg:$0x4] =	wrdreg $0xC0  }
0x23: {  	_ =	task [dreg:s7], $0x5FFFF  }
0x24: {  	[dreg:$0x1] =	wrdreg $0xFFFFFFFF  }
0x25: {  	[dreg:$0x0] =	wrdreg $0x60  }
0x26: {  	[dreg:$0x2] =	wrdreg s2  }
0x27: {  	[dreg:$0x3] =	wrdreg s25  }
0x28: {  	[dreg:$0x4] =	wrdreg $0x9  }
0x29: {  	_ =	task.clear_ibuf [dreg:s7], $0x5FFFF;
	_ =	strace $0x90000046  }
0x2a: {  	s29 =	simm.s32 $0x9;
	_ =	strace $0x80000048  }
0x2b: {  	_ =	swait.ge [sflag:s29], $0x1  }
0x2c: {  	[sflag:s29] =	ssyncadd.s32 $0xFFFFFFFF  }
0x2d: {  	_ =	strace $0x90000048  }
0x2e: {  	_ =	sfence  }
0x2f: {  	s30 =	sld [smem:$0x0];
	_ =	sdelay $0x2  }
0x30: {  	s31 =	sshll.u32 s1, $0xD;
	s1 =	sshrl.u32 s1, $0x2  }
0x31: {  	s3 =	sand.u32 $0x4000, s31;
	s1 =	sadd.s32 s1, s30  }
0x32: {  	s0 =	sor.u32 s3, s0;
	s1 =	sshll.u32 s1, $0x11  }
0x33: {  	s0 =	sor.u32 s1, s0  }
0x34: {  	s0 =	sadd.s32 $0x8F2B, s0  }
0x35: {  	[sflag:s0] =	ssyncadd.remote.s32 $0x1  }
0x36: {  	_ =	sfence.sel $0xFFFF  }
0x37: {  	[dreg:$0x0] =	wrdreg $0xFFFFFFFF;
	(pc) =	sbr.abs _section_cstart, $3  }
0x38: {  	[dreg:$0x1] =	wrdreg $0xFFFFFFFF  }
0x39: {  	_ =	task.clear_ibuf [dreg:s7], $0x2FFFF;
	_ =	strace $0x9FFFFFFF  }
0x3a: {  	(tm) =	ssettm $0x7FFFFFFF  }
0x3b: {  	_ =	shalt  }
tec
execute0_lowered:
.L_overlay_start_1:
0x0: {  	(tag) =	ssettag $0x1  }
0x1: {  	s7 =	stileid.u32;
	s2 =	rddreg [dreg:$0x0]  }
0x2: {  	s29 =	rddreg [dreg:$0x1];
	_ =	strace $0x80000047;
	s5 =	simm.s32 $0x1  }
0x3: {  	s6 =	srdreg.scid;
	s31 =	simm.s32 $0x2;
	s18 =	simm.s32 $0x0  }
0x4: {  	s9 =	simm.s32 $0x6000;
	s10 =	simm.s32 $0x0;
	s0 =	sshll.u32 s7, $0x3  }
0x5: {  	s16 =	simm.s32 $0x0;
	s17 =	simm.s32 $0x0;
	s3 =	sand.u32 $0x18, s0  }
0x6: {  	s19 =	simm.s32 $0x0;
	s11 =	simm.s32 $0x0;
	s1 =	ssub.s32 $0x20, s3  }
0x7: {  	s12 =	simm.s32 $0x0;
	s30 =	sshll.u32 s6, $0x4;
	s4 =	sand.u32 $0x18, s1  }
0x8: {  	s15 =	simm.s32 $0x0;
	s0 =	sand.u32 $0x10, s30;
	p0 =	sne.s32 s4, $0x0  }
.Ltmp0:
0x9: {  	s1 =	sshrl.u32 s1, $0x5;
	s5 =	simm.s32 @!p0 $0x0;
	(pc) =	sbr.rel .LBB1_1-.Ltmp0, $4  }
0xa: {  	s25 =	simm.s32 $0x0;
	s0 =	sor.u32 s7, s0;
	s1 =	sadd.s32 s5, s1  }
0xb: {  	s14 =	smov.u32 s3;
	s5 =	simm.s32 $0x1;
	s6 =	smul.u32 $0x1B, s1  }
0xc: {  	s7 =	sshrl.u32 s0, $0x2;
	s4 =	sadd.s32 $0xA00, s29;
	[sflag:s5] =	ssyncpa.u1 $0x0  }
0xd: {  	s13 =	smov.u32 s7;
	[sflag:s31] =	ssyncpa.u1 $0x0;
	s8 =	sadd.s32 $0x1, s6  }
.LBB1_7:
0xe: {  	s0 =	sadd.s32 $0x100, s11  }
0xf: {  	s1 =	sadd.s32 $0x8, s12;
	s20 =	smov.u32 s12;
	p1 =	sgt.s32 s0, $0x2FF  }
0x10: {  	s20 =	smov.u32 @p1 s1  }
0x11: {  	s21 =	smov.u32 s13;
	s1 =	sadd.s32 $0x8, s13;
	p2 =	sgt.s32 s20, $0x17  }
0x12: {  	s21 =	smov.u32 @p2 s1  }
0x13: {  	s22 =	smov.u32 s14;
	s1 =	sadd.s32 $0x20, s14;
	p3 =	sgt.s32 s21, $0x17  }
0x14: {  	p0 =	slt.u32 s15, $0x2;
	s22 =	smov.u32 @p3 s1  }
0x15: {  	s18 =	smov.u32 s11;
	s0 =	simm.s32 @p1 $0x0;
	p1 =	sgt.s32 s22, $0x1F  }
0x16: {  	s16 =	smov.u32 s12;
	s22 =	smov.u32 @p1 s3;
	p1 =	sne.s32 s15, s8  }
.Ltmp1:
0x17: {  	s17 =	smov.u32 s13;
	s19 =	smov.u32 s14;
	(pc) =	sbr.rel @!p1 .LBB1_8-.Ltmp1, $4  }
0x18: {  	s10 =	sadd.s32 $0x4000, s10;
	s11 =	smov.u32 s0;
	s1 =	simm.s32 @!p0 $0x2  }
0x19: {  	s20 =	simm.s32 @p2 $0x0;
	s21 =	smov.u32 @p3 s7;
	_ =	swait.ge @!p0 [sflag:s1], $0x4000  }
0x1a: {  	s12 =	smov.u32 s20;
	s13 =	smov.u32 s21;
	[sflag:s1] =	ssyncset.done @!p0 $0x0  }
0x1b: {  	s15 =	sadd.s32 $0x1, s15;
	[sflag:s1] =	ssyncadd.s32 @!p0 $0xFFFFC000;
	s14 =	smov.u32 s22  }
.LBB1_1:
0x1c: {  	p0 =	sge.u32 s15, s6  }
0x1d: {  	s0 =	sshrl.u32 @!p0 s12, $0x3  }
0x1e: {  	s1 =	sshll.u32 @!p0 s11, $0x3;
	s0 =	smul.u32 @!p0 $0x1800, s0  }
0x1f: {  	s20 =	sshll.u32 @!p0 s12, $0x7;
	s1 =	sand.u32 @!p0 $0xFFFFFC00, s1  }
0x20: {  	s0 =	sadd.s32 @!p0 s0, s1;
	s1 =	sand.u32 @!p0 $0x380, s20  }
0x21: {  	s20 =	sand.u32 @!p0 $0x7F, s11;
	s0 =	sor.u32 @!p0 s1, s0  }
0x22: {  	s1 =	sor.u32 @!p0 s20, s0;
	s0 =	smulhi.u32 @!p0 $0xAAAAAAAB, s0;
	_ =	sdelay $0x1  }
0x23: {  	s20 =	smulhi.u32 @!p0 $0xAAAAAAAB, s1;
	s0 =	sshrl.u32 @!p0 s0, $0x9  }
0x24: {  	s21 =	smulhi.u32 @!p0 $0xAAAAAAB, s0  }
0x25: {  	s23 =	smul.u32 @!p0 $0xD800, s14  }
0x26: {  	s20 =	sshrl.u32 @!p0 s20, $0x9;
	s21 =	smul.u32 @!p0 $0x18, s21  }
0x27: {  	s31 =	sadd.s32 $0xFFFFFFFF, s15;
	s22 =	sxor.u32 @!p0 $0xFFFFFFFF, s15;
	s20 =	smul.u32 @!p0 $0x300, s20  }
0x28: {  	s22 =	sshll.u32 @!p0 s22, $0xE;
	s0 =	ssub.s32 @!p0 s0, s21;
	s21 =	smul.u32 @!p0 $0x900, s13  }
0x29: {  	s1 =	ssub.s32 @!p0 s1, s20;
	s20 =	sadd.s32 @!p0 s2, s23;
	s0 =	smul.u32 @!p0 $0x60, s0  }
0x2a: {  	s22 =	sand.u32 @!p0 $0x4000, s22;
	s20 =	sadd.s32 @!p0 s21, s20;
	s21 =	sand.u32 @!p0 $0x7, s1  }
0x2b: {  	s1 =	sshrl.u32 @!p0 s1, $0x3;
	s0 =	sadd.s32 @!p0 s0, s20;
	s20 =	sshll.u32 @!p0 s21, $0x12  }
0x2c: {  	s0 =	sadd.s32 @!p0 s1, s0;
	s1 =	sor.u32 @!p0 $0x800, s20;
	s20 =	simm.s32 @!p0 $0x6C000  }
0x2d: {  	[tilespmem:s22], [sflag:$0x1] =	stream.strided.gather @!p0 [hbm4b:s0+s1], $0x4000, s20, s1, $0x38;
	[tilespmem:$0x10000] =	vst v63  }
0x2e: {  	p0 =	sge.u32 s31, s6  }
.Ltmp2:
0x2f: {  	_ = 	snop;
	(pc) =	sbr.rel @p0 .LBB1_7-.Ltmp2, $1  }
0x30: {  	_ =	sdelay $0x3  }
0x31: {  	s0 =	sshll.u32 s10, $0x2;
	_ =	swait.ge [sflag:s5], $0x4000;
	s1 =	sshll.u32 s15, $0xE  }
0x32: {  	p0 =	por $0x0, $0x0;
	s26 =	simm.s32 $0x0;
	s27 =	simm.s32 $0x0  }
0x33: {  	s0 =	sand.u32 $0x10000, s0;
	[sflag:s5] =	ssyncset.done $0x0;
	s23 =	sand.u32 $0x4000, s1  }
0x34: {  	s0 =	sshrl.u32 s0, $0x2;
	[sflag:s5] =	ssyncadd.s32 $0xFFFFC000;
	s20 =	sor.u32 $0x8000, s23  }
0x35: {  	s21 =	sor.u32 $0x40, s0;
	s22 =	sor.u32 $0x8410, s0;
	s24 =	sadd.s32 $0x8400, s0  }
.LBB1_3:
0x36: {  	v1 =	vld [tilespmem:s21+$0xFFFFFFD0]  }
0x37: {  	v2 =	vld [tilespmem:s21+$0x430]  }
0x38: {  	s0 =	sshll.u32 s27, $0xB;
	v4 =	vld [tilespmem:s21+$0xFFFFFFE0]  }
0x39: {  	v7 =	vld [tilespmem:s21+$0xFFFFFFF0];
	v0 =	vmov s0  }
0x3a: {  	v8 =	vld [tilespmem:s21+$0x0]  }
0x3b: {  	v9 =	vld [tilespmem:s21+$0x10];
	s0 =	sand.u32 $0x300, s25  }
0x3c: {  	s1 =	sand.u32 $0x80, s25;
	v10 =	vld [tilespmem:s21+$0x20];
	s0 =	sadd.s32 s0, s23  }
0x3d: {  	v11 =	vld [tilespmem:s21+$0x30];
	s0 =	sadd.s32 s1, s0;
	s1 =	simm.s32 $0x1;
	[tilespmem:s22+$0x60] =	vst v2  }
0x3e: {  	s1 =	simm.s32 @!p0 $0x0;
	[tilespmem:s22+$0xFFFFFC00] =	vst v1;
	v3 =	vld.idx.msk [tilespmem:v0+s0+$0x400 ss:$0x1], $0xffff;
	s0 =	sshll.u32 s26, $0x2  }
0x3f: {  	v6 =	vld [tilespmem:s21+$0x3D0];
	s1 =	sshll.u32 s1, $0x9;
	[tilespmem:s22+$0xFFFFFC10] =	vst v4;
	s0 =	sand.u32 $0xFFFFFC00, s0  }
0x40: {  	v5 =	vld [tilespmem:s21+$0x3E0];
	[tilespmem:s22+$0xFFFFFC20] =	vst v7;
	s0 =	sor.u32 s1, s0  }
0x41: {  	[tilespmem:s22+$0xFFFFFC30] =	vst v8;
	v4 =	vld [tilespmem:s21+$0x400];
	s0 =	sshrl.u32 s0, $0x2  }
0x42: {  	[tilespmem:s22+$0xFFFFFC40] =	vst v9;
	v1 =	vld [tilespmem:s21+$0x410];
	s28 =	sadd.s32 s0, s24  }
0x43: {  	[tilespmem:s28+$0x0] =	vst v3;
	v3 =	vld [tilespmem:s21+$0x3F0]  }
0x44: {  	s31 =	simm.s32 $0x100;
	[tilespmem:s22+$0xFFFFFC50] =	vst v10;
	v2 =	vld [tilespmem:s21+$0x420];
	s1 =	simm.s32 $0x80  }
0x45: {  	s29 =	sadd.s32 $0x80, s21;
	s30 =	smov.u32 s22;
	v7 =	vld [tilespmem:s21+$0xFFFFFFC0];
	[tilespmem:s22+$0xFFFFFC60] =	vst v11;
	s0 =	sand.u32 $0x300, s1  }
.LBB1_4:
0x46: {  	p1 =	sne.s32 s31, $0x380;
	v8 =	vld [tilespmem:s29+$0xFFFFFFD0];
	s1 =	sand.u32 $0x80, s1;
	s0 =	sadd.s32 s0, s23;
	[tilespmem:s30+$0x0] =	vst v6  }
0x47: {  	s0 =	sadd.s32 s1, s0;
	v6 =	vld [tilespmem:s29+$0x430];
	[tilespmem:s30+$0x10] =	vst v5;
	s1 =	smov.u32 s31  }
0x48: {  	v5 =	vld.idx.msk [tilespmem:v0+s0+$0x400 ss:$0x1], $0xffff;
	[tilespmem:s30+$0x20] =	vst v3  }
0x49: {  	v3 =	vld [tilespmem:s29+$0xFFFFFFE0];
	[tilespmem:s30+$0x30] =	vst v4  }
0x4a: {  	v4 =	vld [tilespmem:s29+$0xFFFFFFF0];
	[tilespmem:s30+$0xFFFFFBF0] =	vst v7  }
0x4b: {  	v7 =	vld [tilespmem:s29+$0x0];
	[tilespmem:s30+$0x40] =	vst v1  }
0x4c: {  	v1 =	vld [tilespmem:s29+$0x10];
	[tilespmem:s30+$0x50] =	vst v2;
	s30 =	sadd.s32 $0x800, s30  }
0x4d: {  	s28 =	sadd.s32 $0x800, s28;
	v2 =	vld [tilespmem:s29+$0x20];
	[tilespmem:s30+$0x60] =	vst v6  }
0x4e: {  	v9 =	vld [tilespmem:s29+$0x30];
	[tilespmem:s28+$0x0] =	vst v5  }
0x4f: {  	[tilespmem:s30+$0xFFFFFC00] =	vst v8;
	v6 =	vld [tilespmem:s29+$0x3D0]  }
0x50: {  	[tilespmem:s30+$0xFFFFFC10] =	vst v3;
	v5 =	vld [tilespmem:s29+$0x3E0]  }
.Ltmp3:
0x51: {  	[tilespmem:s30+$0xFFFFFC20] =	vst v4;
	v3 =	vld [tilespmem:s29+$0x3F0];
	(pc) =	sbr.rel @p1 .LBB1_4-.Ltmp3, $4  }
0x52: {  	[tilespmem:s30+$0xFFFFFC30] =	vst v7;
	v4 =	vld [tilespmem:s29+$0x400]  }
0x53: {  	[tilespmem:s30+$0xFFFFFC40] =	vst v1;
	v1 =	vld [tilespmem:s29+$0x410]  }
0x54: {  	[tilespmem:s30+$0xFFFFFC50] =	vst v2;
	v2 =	vld [tilespmem:s29+$0x420]  }
0x55: {  	s31 =	sadd.s32 $0x80, s31;
	s0 =	sand.u32 $0x300, s1;
	v7 =	vld [tilespmem:s29+$0xFFFFFFC0];
	[tilespmem:s30+$0xFFFFFC60] =	vst v9;
	s29 =	sadd.s32 $0x80, s29  }
0x56: {  	[tilespmem:s30+$0x0] =	vst v6  }
0x57: {  	[tilespmem:s30+$0x10] =	vst v5  }
0x58: {  	v49 =	vld [tilespmem:s29+$0x430];
	[tilespmem:s30+$0x20] =	vst v3  }
0x59: {  	v50 =	vld [tilespmem:s29+$0xFFFFFFD0];
	[tilespmem:s30+$0x30] =	vst v4  }
0x5a: {  	v51 =	vld [tilespmem:s29+$0xFFFFFFE0];
	[tilespmem:s30+$0x40] =	vst v1  }
0x5b: {  	v52 =	vld [tilespmem:s29+$0xFFFFFFF0];
	[tilespmem:s30+$0x50] =	vst v2  }
0x5c: {  	v53 =	vld [tilespmem:s29+$0x0];
	[tilespmem:s30+$0xFFFFFBF0] =	vst v7;
	s30 =	sadd.s32 $0x800, s30  }
0x5d: {  	v54 =	vld [tilespmem:s29+$0x10];
	[tilespmem:s30+$0x60] =	vst v49  }
0x5e: {  	v55 =	vld [tilespmem:s29+$0x20];
	[tilespmem:s30+$0xFFFFFC00] =	vst v50  }
0x5f: {  	v56 =	vld [tilespmem:s29+$0x30];
	[tilespmem:s30+$0xFFFFFC10] =	vst v51  }
0x60: {  	v57 =	vld [tilespmem:s29+$0x3D0];
	[tilespmem:s30+$0xFFFFFC20] =	vst v52  }
0x61: {  	v58 =	vld [tilespmem:s29+$0x3E0];
	[tilespmem:s30+$0xFFFFFC30] =	vst v53  }
0x62: {  	v59 =	vld [tilespmem:s29+$0x3F0];
	[tilespmem:s30+$0xFFFFFC40] =	vst v54  }
0x63: {  	v60 =	vld [tilespmem:s29+$0x400];
	[tilespmem:s30+$0xFFFFFC50] =	vst v55  }
0x64: {  	v61 =	vld [tilespmem:s29+$0xFFFFFFC0];
	[tilespmem:s30+$0xFFFFFC60] =	vst v56  }
0x65: {  	s1 =	sand.u32 $0x80, s1;
	s0 =	sadd.s32 s0, s23;
	v62 =	vld [tilespmem:s29+$0x410];
	[tilespmem:s30+$0x0] =	vst v57  }
0x66: {  	v63 =	vld [tilespmem:s29+$0x420];
	s27 =	sadd.s32 $0x1, s27;
	s0 =	sadd.s32 s1, s0;
	[tilespmem:s30+$0x10] =	vst v58  }
0x67: {  	p1 =	sne.s32 s27, $0x8;
	v0 =	vld.idx.msk [tilespmem:v0+s0+$0x400 ss:$0x1], $0xffff;
	[tilespmem:s30+$0x20] =	vst v59  }
.Ltmp4:
0x68: {  	[tilespmem:s30+$0x30] =	vst v60;
	(pc) =	sbr.rel @p1 .LBB1_3-.Ltmp4, $4  }
0x69: {  	[tilespmem:s30+$0xFFFFFBF0] =	vst v61  }
0x6a: {  	[tilespmem:s30+$0x40] =	vst v62  }
0x6b: {  	s31 =	sadd.s32 $0x800, s28;
	s21 =	sadd.s32 $0x800, s21;
	[tilespmem:s30+$0x50] =	vst v63  }
0x6c: {  	s26 =	sadd.s32 $0x80, s26;
	p0 =	por !p0, !p0;
	s22 =	sadd.s32 $0x80, s22;
	[tilespmem:s31+$0x0] =	vst v0  }
0x6d: {  	s0 =	sshrl.u32 s19, $0x3  }
0x6e: {  	s1 =	sshll.u32 s18, $0x3;
	s0 =	smul.u32 $0x1800, s0  }
0x6f: {  	s26 =	sshll.u32 s19, $0x7;
	s1 =	sand.u32 $0xFFFFFC00, s1  }
0x70: {  	s27 =	sand.u32 $0x380, s26;
	s0 =	sadd.s32 s0, s1  }
0x71: {  	s28 =	sand.u32 $0x7F, s18;
	s0 =	sor.u32 s27, s0  }
0x72: {  	s1 =	sor.u32 s28, s0;
	s0 =	smulhi.u32 $0xAAAAAAAB, s0  }
0x73: {  	s18 =	smulhi.u32 $0xAAAAAAAB, s1  }
0x74: {  	s17 =	smul.u32 $0x12000, s17  }
0x75: {  	s16 =	smul.u32 $0xC00, s16;
	s0 =	sshrl.u32 s0, $0x9;
	s18 =	sshrl.u32 s18, $0x9  }
0x76: {  	s0 =	sand.u32 $0x1F, s0;
	s18 =	smul.u32 $0x300, s18  }
0x77: {  	s0 =	smul.u32 $0x60, s0  }
.Ltmp5:
0x78: {  	s17 =	sadd.s32 s4, s17;
	s1 =	ssub.s32 s1, s18;
	(pc) =	sbr.rel .LBB1_7-.Ltmp5, $4  }
0x79: {  	s16 =	sadd.s32 s16, s17;
	s29 =	sand.u32 $0x7, s1  }
0x7a: {  	s0 =	sadd.s32 s0, s16;
	s1 =	sshrl.u32 s1, $0x3;
	s30 =	sshll.u32 s29, $0x12  }
0x7b: {  	s0 =	sadd.s32 s1, s0;
	s31 =	sor.u32 $0x800, s30  }
0x7c: {  	[hbm4b:s0+s31] =	stream.strided.scatter [tilespmem:s20], [sflag:$0x2], $0x4000, s9, s31, $0x38;
	[tilespmem:$0x10000] =	vst v63  }
.LBB1_8:
0x7d: {  	_ =	sfence.sel $0x180000  }
0x7e: {  	s0 =	simm.s32 $0x1;
	[bflag:$0x0] =	sbarrier.arrive $0xFFFF  }
0x7f: {  	s30 =	simm.s32 $0x2;
	[sflag:s0] =	ssyncpa.u1 $0x1  }
0x80: {  	[sflag:s30] =	ssyncpa.u1 $0x1  }
0x81: {  	_ =	strace $0x90000047  }
0x82: {  	s31 =	stileid.u32;
	[bflag:$0x2] =	sbarrier.arrive $0xFFFF  }
0x83: {  	p0 =	sne.s32 s31, $0x0;
	s0 =	rddreg [dreg:$0x2]  }
0x84: {  	s0 =	sadd.s32 @!p0 $0x100000, s0  }
0x85: {  	[sflag:s0] =	ssyncadd.tile.s32 @!p0 $0x1;
	_ =	shalt  }
.Lfunc_end1:
_tile_overlayer_lowered:
.L_overlay_start_2:
0x86: {  	(tag) =	ssettag $0x2  }
0x87: {  	s0 =	rddreg [dreg:$0x0];
	s2 =	stileid.u32  }
0x88: {  	s1 =	rddreg [dreg:$0x1];
	p0 =	sne.s32 s2, $0x0  }
0x89: {  	s3 =	rddreg [dreg:$0x2];
	[bflag:$0x3] =	sbarrier.arrive $0xFFFF;
	s2 =	simm.s32 @!p0 $0x1C01  }
0x8a: {  	[timem:s3], [sflag:s2] =	dma.local @!p0 [hbm:s0], s1  }
0x8b: {  	s0 =	simm.s32 @!p0 $0x1  }
0x8c: {  	_ =	swait.ge @!p0 [sflag:s0], s1  }
0x8d: {  	s1 =	ssub.s32 @!p0 $0x0, s1;
	[sflag:s0] =	ssyncset.done @!p0 $0x0  }
0x8e: {  	[sflag:s0] =	ssyncadd.s32 @!p0 s1  }
0x8f: {  	[bflag:$0x3] =	sbarrier.arrive $0xFFFF  }
0x90: {  	_ =	shalt  }

// kernel: sparse-core-data-format-call.cloned.1.call-start
scs
called_computation_lowered:
.L_overlay_start_0:
0x0: {  	s1 =	sld [smem:$0x3FD9]  }
0x1: {  	s2 =	sld [smem:$0x3FFE];
	_ =	sdelay $0x1  }
0x2: {  	s3 =	srdreg.scid  }
0x3: {  	s0 =	sand.u32 $0x1, s3  }
0x4: {  	s17 =	sshll.u32 s0, $0xA;
	s1 =	sadd.s32 s2, s1  }
0x5: {  	s1 =	sadd.s32 s1, s17  }
0x6: {  	[smem:$0x3FC6] =	sst s1  }
0x7: {  	_ = 	snop  }
0x8: {  	(tm) =	ssettm $0x1  }
0x9: {  	s18 =	sld [smem:$0x3FFB];
	_ =	sdelay $0x3  }
0xa: {  	_ =	strace s18  }
0xb: {  	s1 =	sld [smem:$0x3FFC];
	_ =	sdelay $0x3  }
0xc: {  	_ =	strace s1  }
0xd: {  	s1 =	sld [smem:$0x3FFD];
	_ =	sdelay $0x3  }
0xe: {  	_ =	strace s1  }
0xf: {  	_ =	strace $0x8FFFFFFF  }
0x10: {  	s19 =	sld [smem:$0x3FDB];
	_ =	sdelay $0x1  }
0x11: {  	s20 =	simm.s32 $_scs_section_size  }
0x12: {  	s4 =	simm.s32 $_size__tile_overlayer_lowered;
	s5 =	simm.s32 $_tile_overlayer_lowered  }
0x13: {  	s23 =	simm.s32 $0x1BFF;
	s22 =	sshll.u32 s5, $0x1;
	s1 =	sadd.s32 s20, s19  }
0x14: {  	s6 =	simm.s32 $0x0;
	s21 =	sshll.u32 s4, $0x1;
	s4 =	sadd.s32 s22, s1  }
0x15: {  	[timem:s6], [sflag:s23] =	dma.local [hbm:s4], s21  }
0x16: {  	_ =	swait.ge [sflag:s23], s21  }
0x17: {  	s2 =	ssub.s32 $0x0, s21;
	[sflag:s23] =	ssyncset.done $0x0  }
0x18: {  	[sflag:s23] =	ssyncadd.s32 s2;
	_ =	sdelay $0x1  }
0x19: {  	s24 =	simm.s32 $0x1B8B  }
0x1a: {  	_ =	swait.ge [sflag:s24], $0x1  }
0x1b: {  	[sflag:s24] =	ssyncset.done $0x0  }
0x1c: {  	s26 =	simm.s32 $0x1B8E;
	s25 =	sld [smem:$0x3FFE];
	[sflag:s24] =	ssyncadd.s32 $0xFFFFFFFF  }
0x1d: {  	s27 =	simm.s32 $execute0_lowered;
	[smem:$0x3FD2] =	sst s26  }
0x1e: {  	s4 =	sshll.u32 s27, $0x1;
	_ =	strace $0x80000049;
	[dreg:$0x1] =	wrdreg $0xFFFFFFFF  }
0x1f: {  	s28 =	simm.s32 $_size_execute0_lowered;
	s1 =	sadd.s32 s1, s4;
	[dreg:$0x0] =	wrdreg $0x0  }
0x20: {  	s4 =	sshll.u32 s28, $0x1;
	[dreg:$0x2] =	wrdreg s1  }
0x21: {  	[dreg:$0x3] =	wrdreg s4  }
0x22: {  	[dreg:$0x4] =	wrdreg $0xC0  }
0x23: {  	_ =	task [dreg:s6], $0x5FFFF  }
0x24: {  	[dreg:$0x1] =	wrdreg $0xFFFFFFFF  }
0x25: {  	[dreg:$0x0] =	wrdreg $0x60  }
0x26: {  	[dreg:$0x2] =	wrdreg s25  }
0x27: {  	[dreg:$0x3] =	wrdreg $0x9  }
0x28: {  	_ =	task.clear_ibuf [dreg:s6], $0x4FFFF;
	_ =	strace $0x90000049  }
0x29: {  	s29 =	simm.s32 $0x9;
	_ =	strace $0x8000004B  }
0x2a: {  	_ =	swait.ge [sflag:s29], $0x1  }
0x2b: {  	[sflag:s29] =	ssyncadd.s32 $0xFFFFFFFF  }
0x2c: {  	_ =	strace $0x9000004B  }
0x2d: {  	_ =	sfence  }
0x2e: {  	s30 =	sld [smem:$0x0];
	_ =	sdelay $0x2  }
0x2f: {  	s31 =	sshll.u32 s3, $0xD;
	s3 =	sshrl.u32 s3, $0x2  }
0x30: {  	s2 =	sand.u32 $0x4000, s31;
	s1 =	sadd.s32 s3, s30  }
0x31: {  	s0 =	sor.u32 s2, s0;
	s1 =	sshll.u32 s1, $0x11  }
0x32: {  	s0 =	sor.u32 s1, s0  }
0x33: {  	s0 =	sadd.s32 $0x8F2B, s0  }
0x34: {  	[sflag:s0] =	ssyncadd.remote.s32 $0x1  }
0x35: {  	_ =	sfence.sel $0xFFFF  }
0x36: {  	[dreg:$0x0] =	wrdreg $0xFFFFFFFF;
	(pc) =	sbr.abs _section_cstart, $3  }
0x37: {  	[dreg:$0x1] =	wrdreg $0xFFFFFFFF  }
0x38: {  	_ =	task.clear_ibuf [dreg:s6], $0x2FFFF;
	_ =	strace $0x9FFFFFFF  }
0x39: {  	(tm) =	ssettm $0x7FFFFFFF  }
tec
execute0_lowered:
.L_overlay_start_1:
0x0: {  	(tag) =	ssettag $0x1  }
0x1: {  	s0 =	srdreg.scid  }
0x2: {  	s0 =	sshll.u32 s0, $0x2  }
0x3: {  	s6 =	rddreg [dreg:$0x0];
	s7 =	simm.s32 $0x2;
	s2 =	sand.u32 $0x4, s0  }
0x4: {  	s16 =	simm.s32 $0x0;
	s8 =	simm.s32 $0x1800;
	s1 =	ssub.s32 $0x8, s2  }
0x5: {  	s9 =	simm.s32 $0x0;
	s0 =	stileid.u32;
	s3 =	sshrl.u32 s1, $0x2  }
0x6: {  	s4 =	ssub.s32 $0x57, s0;
	s1 =	sshrl.u32 s1, $0x3;
	s3 =	sand.u32 $0x1, s3  }
0x7: {  	s15 =	simm.s32 $0x0;
	s4 =	sshrl.u32 s4, $0x4;
	s3 =	sadd.s32 s1, s3  }
0x8: {  	s18 =	simm.s32 $0x0;
	s17 =	simm.s32 $0x0;
	s5 =	smul.u32 s3, s4  }
.Ltmp0:
0x9: {  	s10 =	simm.s32 $0x0;
	s11 =	simm.s32 $0x0;
	(pc) =	sbr.rel .LBB1_1-.Ltmp0, $4  }
0xa: {  	s13 =	stileid.u32;
	s14 =	simm.s32 $0x0;
	s1 =	rddreg [dreg:$0x1]  }
0xb: {  	_ =	strace $0x8000004A;
	s4 =	simm.s32 $0x1;
	s5 =	smul.u32 $0x6, s5  }
0xc: {  	s12 =	smov.u32 s2;
	s3 =	sadd.s32 $0xA00, s6;
	[sflag:s4] =	ssyncpa.u1 $0x0  }
0xd: {  	s6 =	sadd.s32 $0x1B0A00, s6;
	[sflag:s7] =	ssyncpa.u1 $0x0;
	s7 =	sor.u32 $0x1, s5  }
.LBB1_7:
0xe: {  	s19 =	sadd.s32 $0x80, s10  }
0xf: {  	s15 =	sadd.s32 $0x20, s11;
	s20 =	smov.u32 s11;
	p1 =	sgt.s32 s19, $0x2FF  }
0x10: {  	s20 =	smov.u32 @p1 s15  }
0x11: {  	s21 =	smov.u32 s12;
	s15 =	sadd.s32 $0x8, s12;
	p2 =	sgt.s32 s20, $0x1F  }
0x12: {  	s21 =	smov.u32 @p2 s15  }
0x13: {  	s22 =	smov.u32 s13;
	s15 =	sadd.s32 $0x10, s13;
	p3 =	sgt.s32 s21, $0x7  }
0x14: {  	p0 =	slt.u32 s14, $0x2;
	s22 =	smov.u32 @p3 s15  }
0x15: {  	s16 =	smov.u32 s10;
	s19 =	simm.s32 @p1 $0x0;
	p1 =	sgt.s32 s22, $0x47  }
0x16: {  	s23 =	simm.s32 @!p0 $0x2;
	s22 =	smov.u32 @p1 s0;
	p1 =	sne.s32 s14, s7  }
.Ltmp1:
0x17: {  	s18 =	smov.u32 s12;
	_ =	swait.ge @!p0 [sflag:s23], $0x4000;
	(pc) =	sbr.rel @!p1 .LBB1_8-.Ltmp1, $4  }
0x18: {  	s17 =	smov.u32 s13;
	s9 =	sadd.s32 $0x4000, s9;
	[sflag:s23] =	ssyncset.done @!p0 $0x0  }
0x19: {  	s10 =	smov.u32 s19;
	s20 =	simm.s32 @p2 $0x0;
	[sflag:s23] =	ssyncadd.s32 @!p0 $0xFFFFC000  }
0x1a: {  	s21 =	smov.u32 @p3 s2;
	s15 =	smov.u32 s11;
	s11 =	smov.u32 s20  }
0x1b: {  	s12 =	smov.u32 s21;
	s14 =	sadd.s32 $0x1, s14;
	s13 =	smov.u32 s22  }
.LBB1_1:
0x1c: {  	p0 =	sge.u32 s14, s5  }
0x1d: {  	s19 =	sshrl.u32 @!p0 s11, $0x3  }
0x1e: {  	s20 =	sshll.u32 @!p0 s10, $0x3;
	s19 =	smul.u32 @!p0 $0x1800, s19  }
0x1f: {  	s21 =	sshll.u32 @!p0 s11, $0x7;
	s20 =	sand.u32 @!p0 $0xFFFFFC00, s20  }
0x20: {  	s19 =	sadd.s32 @!p0 s19, s20;
	s20 =	sand.u32 @!p0 $0x380, s21  }
0x21: {  	s21 =	sand.u32 @!p0 $0x7F, s10;
	s19 =	sor.u32 @!p0 s20, s19  }
0x22: {  	s20 =	sor.u32 @!p0 s21, s19  }
0x23: {  	s21 =	smulhi.u32 @!p0 $0xAAAAAAAB, s20  }
0x24: {  	s19 =	smulhi.u32 @!p0 $0xAAAAAAAB, s19  }
0x25: {  	s31 =	sadd.s32 $0xFFFFFFFF, s14;
	s23 =	smul.u32 @!p0 $0x6000, s13;
	s21 =	sshrl.u32 @!p0 s21, $0x9  }
0x26: {  	s22 =	sxor.u32 @!p0 $0xFFFFFFFF, s14;
	s19 =	sshrl.u32 @!p0 s19, $0x9;
	s21 =	smul.u32 @!p0 $0x300, s21  }
0x27: {  	s24 =	smul.u32 @!p0 $0xC00, s12;
	s22 =	sshll.u32 @!p0 s22, $0xE;
	s19 =	sand.u32 @!p0 $0x1F, s19  }
0x28: {  	s19 =	smul.u32 @!p0 $0x60, s19;
	s20 =	ssub.s32 @!p0 s20, s21;
	s21 =	sadd.s32 @!p0 s3, s23  }
0x29: {  	s22 =	sand.u32 @!p0 $0x4000, s22;
	s21 =	sadd.s32 @!p0 s24, s21;
	s23 =	sand.u32 @!p0 $0x7, s20  }
0x2a: {  	s20 =	sshrl.u32 @!p0 s20, $0x3;
	s19 =	sadd.s32 @!p0 s19, s21;
	s21 =	sshll.u32 @!p0 s23, $0x12  }
0x2b: {  	s19 =	sadd.s32 @!p0 s20, s19;
	s20 =	sor.u32 @!p0 $0x400, s21;
	s21 =	simm.s32 @!p0 $0x1800  }
0x2c: {  	[tilespmem:s22], [sflag:$0x1] =	stream.strided.gather @!p0 [hbm4b:s19+s20], $0x4000, s21, s20, $0x38;
	[tilespmem:$0x10000] =	vst v63  }
0x2d: {  	p0 =	sge.u32 s31, s5  }
.Ltmp2:
0x2e: {  	_ = 	snop;
	(pc) =	sbr.rel @p0 .LBB1_7-.Ltmp2, $1  }
0x2f: {  	_ =	sdelay $0x3  }
0x30: {  	s19 =	sand.u32 $0x4000, s9  }
0x31: {  	_ =	swait.ge [sflag:s4], $0x4000;
	s22 =	sshll.u32 s14, $0xE;
	s20 =	sor.u32 $0x8040, s19  }
0x32: {  	s21 =	sor.u32 $0x40, s19;
	[sflag:s4] =	ssyncset.done $0x0;
	s31 =	sand.u32 $0x4000, s22  }
0x33: {  	s22 =	simm.s32 $0x0;
	[sflag:s4] =	ssyncadd.s32 $0xFFFFC000;
	s19 =	sor.u32 $0x8000, s31  }
.LBB1_3:
0x34: {  	v0 =	vmov s21;
	_ =	sdelay $0x3  }
0x35: {  	s24 =	simm.s32 $0x0  }
0x36: {  	v6 =	vld.idx.msk [tilespmem:v0+s24+$0x30 ss:$0x1], $0xffff  }
0x37: {  	v7 =	vld.idx.msk [tilespmem:v0+s24+$0xFFFFFFC0 ss:$0x1], $0xffff  }
0x38: {  	v5 =	vld.idx.msk [tilespmem:v0+s24+$0xFFFFFFD0 ss:$0x1], $0xffff  }
0x39: {  	v4 =	vld.idx.msk [tilespmem:v0+s24+$0xFFFFFFE0 ss:$0x1], $0xffff  }
0x3a: {  	v3 =	vld.idx.msk [tilespmem:v0+s24+$0xFFFFFFF0 ss:$0x1], $0xffff  }
0x3b: {  	v1 =	vld.idx.msk [tilespmem:v0+s24+$0x0 ss:$0x1], $0xffff  }
0x3c: {  	v2 =	vld.idx.msk [tilespmem:v0+s24+$0x10 ss:$0x1], $0xffff;
	[tilespmem:s20+$0x30] =	vst v6  }
0x3d: {  	s23 =	simm.s32 $0x80;
	s25 =	simm.s32 $0x400;
	[tilespmem:s20+$0xFFFFFFC0] =	vst v7;
	v6 =	vld.idx.msk [tilespmem:v0+s24+$0x20 ss:$0x1], $0xffff;
	s24 =	smov.u32 s20  }
.LBB1_4:
0x3e: {  	p0 =	sne.s32 s25, $0x3E00;
	v7 =	vld.idx.msk [tilespmem:v0+s23+$0x30 ss:$0x1], $0xffff;
	[tilespmem:s24+$0xFFFFFFD0] =	vst v5  }
0x3f: {  	v8 =	vld.idx.msk [tilespmem:v0+s23+$0xFFFFFFC0 ss:$0x1], $0xffff;
	[tilespmem:s24+$0xFFFFFFE0] =	vst v4  }
0x40: {  	v5 =	vld.idx.msk [tilespmem:v0+s23+$0xFFFFFFD0 ss:$0x1], $0xffff;
	[tilespmem:s24+$0xFFFFFFF0] =	vst v3  }
.Ltmp3:
0x41: {  	v4 =	vld.idx.msk [tilespmem:v0+s23+$0xFFFFFFE0 ss:$0x1], $0xffff;
	[tilespmem:s24+$0x0] =	vst v1;
	(pc) =	sbr.rel @p0 .LBB1_4-.Ltmp3, $4  }
0x42: {  	v3 =	vld.idx.msk [tilespmem:v0+s23+$0xFFFFFFF0 ss:$0x1], $0xffff;
	[tilespmem:s24+$0x10] =	vst v2  }
0x43: {  	v1 =	vld.idx.msk [tilespmem:v0+s23+$0x0 ss:$0x1], $0xffff;
	[tilespmem:s24+$0x20] =	vst v6;
	s24 =	sadd.s32 $0x200, s24  }
0x44: {  	v2 =	vld.idx.msk [tilespmem:v0+s23+$0x10 ss:$0x1], $0xffff;
	[tilespmem:s24+$0x30] =	vst v7  }
0x45: {  	[tilespmem:s24+$0xFFFFFFC0] =	vst v8;
	v6 =	vld.idx.msk [tilespmem:v0+s23+$0x20 ss:$0x1], $0xffff;
	s23 =	sshra.s32 s25, $0x2;
	s25 =	sadd.s32 $0x200, s25  }
0x46: {  	_ =	sdelay $0x2  }
0x47: {  	[tilespmem:s24+$0xFFFFFFD0] =	vst v5  }
0x48: {  	v56 =	vld.idx.msk [tilespmem:v0+s23+$0x30 ss:$0x1], $0xffff;
	[tilespmem:s24+$0xFFFFFFE0] =	vst v4  }
0x49: {  	v57 =	vld.idx.msk [tilespmem:v0+s23+$0xFFFFFFC0 ss:$0x1], $0xffff;
	[tilespmem:s24+$0xFFFFFFF0] =	vst v3  }
0x4a: {  	v58 =	vld.idx.msk [tilespmem:v0+s23+$0xFFFFFFD0 ss:$0x1], $0xffff;
	[tilespmem:s24+$0x0] =	vst v1  }
0x4b: {  	v59 =	vld.idx.msk [tilespmem:v0+s23+$0xFFFFFFE0 ss:$0x1], $0xffff;
	[tilespmem:s24+$0x10] =	vst v2  }
0x4c: {  	v60 =	vld.idx.msk [tilespmem:v0+s23+$0xFFFFFFF0 ss:$0x1], $0xffff;
	s31 =	sadd.s32 $0x200, s24;
	[tilespmem:s24+$0x20] =	vst v6  }
0x4d: {  	v61 =	vld.idx.msk [tilespmem:v0+s23+$0x0 ss:$0x1], $0xffff;
	[tilespmem:s31+$0x30] =	vst v56  }
0x4e: {  	v62 =	vld.idx.msk [tilespmem:v0+s23+$0x10 ss:$0x1], $0xffff;
	s22 =	sadd.s32 $0x1, s22;
	[tilespmem:s31+$0xFFFFFFC0] =	vst v57  }
0x4f: {  	v63 =	vld.idx.msk [tilespmem:v0+s23+$0x20 ss:$0x1], $0xffff;
	p0 =	sne.s32 s22, $0x4;
	[tilespmem:s31+$0xFFFFFFD0] =	vst v58  }
.Ltmp4:
0x50: {  	[tilespmem:s31+$0xFFFFFFE0] =	vst v59;
	(pc) =	sbr.rel @p0 .LBB1_3-.Ltmp4, $4  }
0x51: {  	[tilespmem:s31+$0xFFFFFFF0] =	vst v60  }
0x52: {  	[tilespmem:s31+$0x0] =	vst v61  }
0x53: {  	[tilespmem:s31+$0x10] =	vst v62  }
0x54: {  	s20 =	sadd.s32 $0x80, s20;
	s21 =	sadd.s32 $0x1000, s21;
	[tilespmem:s31+$0x20] =	vst v63  }
0x55: {  	s20 =	sshrl.u32 s18, $0x3  }
0x56: {  	s21 =	sshll.u32 s16, $0x3;
	s20 =	smul.u32 $0x1800, s20  }
0x57: {  	s27 =	sshll.u32 s18, $0x7;
	s21 =	sand.u32 $0xFFFFFC00, s21  }
0x58: {  	s18 =	sand.u32 $0x380, s27;
	s20 =	sadd.s32 s20, s21  }
0x59: {  	s28 =	sand.u32 $0x7F, s16;
	s18 =	sor.u32 s18, s20  }
0x5a: {  	s16 =	sor.u32 s28, s18;
	s18 =	smulhi.u32 $0xAAAAAAAB, s18  }
0x5b: {  	s29 =	smulhi.u32 $0xAAAAAAAB, s16  }
0x5c: {  	s17 =	smul.u32 $0x6000, s17  }
0x5d: {  	s15 =	smul.u32 $0x300, s15;
	s18 =	sshrl.u32 s18, $0x9;
	s20 =	sshrl.u32 s29, $0x9  }
0x5e: {  	s18 =	sand.u32 $0x7, s18;
	s20 =	smul.u32 $0x300, s20  }
0x5f: {  	s18 =	smul.u32 $0x60, s18  }
.Ltmp5:
0x60: {  	s17 =	sadd.s32 s6, s17;
	s16 =	ssub.s32 s16, s20;
	(pc) =	sbr.rel .LBB1_7-.Ltmp5, $4  }
0x61: {  	s15 =	sadd.s32 s15, s17;
	s30 =	sand.u32 $0x7, s16  }
0x62: {  	s15 =	sadd.s32 s18, s15;
	s16 =	sshrl.u32 s16, $0x3;
	s17 =	sshll.u32 s30, $0x12  }
0x63: {  	s15 =	sadd.s32 s16, s15;
	s31 =	sor.u32 $0x200, s17  }
0x64: {  	[hbm4b:s15+s31] =	stream.strided.scatter [tilespmem:s19], [sflag:$0x2], $0x4000, s8, s31, $0x38;
	[tilespmem:$0x10000] =	vst v63  }
.LBB1_8:
0x65: {  	_ =	sfence.sel $0x180000  }
0x66: {  	s2 =	simm.s32 $0x1;
	[bflag:$0x0] =	sbarrier.arrive $0xFFFF  }
0x67: {  	s31 =	simm.s32 $0x2;
	[sflag:s2] =	ssyncpa.u1 $0x1  }
0x68: {  	[sflag:s31] =	ssyncpa.u1 $0x1  }
0x69: {  	p0 =	sne.s32 s0, $0x0;
	_ =	strace $0x9000004A  }
0x6a: {  	s0 =	sadd.s32 @!p0 $0x100000, s1;
	[bflag:$0x2] =	sbarrier.arrive $0xFFFF  }
0x6b: {  	[sflag:s0] =	ssyncadd.tile.s32 @!p0 $0x1;
	_ =	shalt  }
.Lfunc_end1:
_tile_overlayer_lowered:
.L_overlay_start_2:
0x6c: {  	(tag) =	ssettag $0x2  }
0x6d: {  	s0 =	rddreg [dreg:$0x0];
	s2 =	stileid.u32  }
0x6e: {  	s1 =	rddreg [dreg:$0x1];
	p0 =	sne.s32 s2, $0x0  }
0x6f: {  	s3 =	rddreg [dreg:$0x2];
	[bflag:$0x3] =	sbarrier.arrive $0xFFFF;
	s2 =	simm.s32 @!p0 $0x1C01  }
0x70: {  	[timem:s3], [sflag:s2] =	dma.local @!p0 [hbm:s0], s1  }
0x71: {  	s0 =	simm.s32 @!p0 $0x1  }
0x72: {  	_ =	swait.ge @!p0 [sflag:s0], s1  }
0x73: {  	s1 =	ssub.s32 @!p0 $0x0, s1;
	[sflag:s0] =	ssyncset.done @!p0 $0x0  }
0x74: {  	[sflag:s0] =	ssyncadd.s32 @!p0 s1  }
0x75: {  	[bflag:$0x3] =	sbarrier.arrive $0xFFFF  }
0x76: {  	_ =	shalt  }

</sc_bundles>
